<compile_context>
chip_gen: v7x
topology: tpu7x:2x2x1
jax: 0.10.2.dev20260603
libtpu: 0.0.44.dev20260713+nightly
codegen_flags: <defaults>
</compile_context>

<pallas_src>
import functools

import jax
import jax.numpy as jnp
from jax import lax
from jax.experimental import pallas as pl
from jax.experimental.pallas import tpu as pltpu
from jax.experimental.pallas import tpu_sc as plsc

N_NODES = 10000
N_EDGES = 320000
D_NODE = 128
D_EDGE = 16
NW = 32
EPW = N_EDGES // NW
K = 48
NBF = EPW // K
TAIL = EPW - NBF * K
N_PAD = 10112
RPT = N_PAD // 16


def _lane_bcast(v, e):
    return v.at[jnp.full((16,), e, jnp.int32)].get(mode="promise_in_bounds")


def _rsqrt_nr(v):
    b = plsc.bitcast(v, jnp.int32)
    y = plsc.bitcast(jnp.full((16,), 0x5F3759DF, jnp.int32) - (b >> 1), jnp.float32)
    for _ in range(3):
        y = y * (1.5 - 0.5 * v * y * y)
    return y


def _node_pre_body(x_ref, w1_ref, w2_ref, a_ref, b_ref, rs_ref, ss_ref):
    xb = x_ref[...]
    a_ref[...] = jnp.dot(xb, w1_ref[...], preferred_element_type=jnp.float32)
    b_ref[...] = jnp.dot(xb, w2_ref[...], preferred_element_type=jnp.float32)
    rs_ref[...] = jnp.sum(xb, axis=1)
    ss_ref[...] = jnp.sum(xb * xb, axis=1)


def _node_pre(x, w1, w2):
    r = 1024
    grid = (pl.cdiv(N_NODES, r),)
    return pl.pallas_call(
        _node_pre_body,
        grid=grid,
        in_specs=[
            pl.BlockSpec((r, D_NODE), lambda i: (i, 0)),
            pl.BlockSpec((D_NODE, D_NODE), lambda i: (0, 0)),
            pl.BlockSpec((D_NODE, D_NODE), lambda i: (0, 0)),
        ],
        out_specs=[
            pl.BlockSpec((r, D_NODE), lambda i: (i, 0)),
            pl.BlockSpec((r, D_NODE), lambda i: (i, 0)),
            pl.BlockSpec((r,), lambda i: (i,)),
            pl.BlockSpec((r,), lambda i: (i,)),
        ],
        out_shape=[
            jax.ShapeDtypeStruct((N_NODES, D_NODE), jnp.float32),
            jax.ShapeDtypeStruct((N_NODES, D_NODE), jnp.float32),
            jax.ShapeDtypeStruct((N_NODES,), jnp.float32),
            jax.ShapeDtypeStruct((N_NODES,), jnp.float32),
        ],
    )(x, w1, w2)


def _edge_pre_body(ea_ref, w16_ref, c_ref, es_ref, ess_ref):
    eb = ea_ref[...]
    c_ref[...] = jnp.dot(eb, w16_ref[...], preferred_element_type=jnp.float32)
    es_ref[...] = jnp.sum(eb, axis=1)
    ess_ref[...] = jnp.sum(eb * eb, axis=1)


def _edge_pre(edge_attr, w16):
    r = 2048
    grid = (pl.cdiv(N_EDGES, r),)
    return pl.pallas_call(
        _edge_pre_body,
        grid=grid,
        in_specs=[
            pl.BlockSpec((r, D_EDGE), lambda i: (i, 0)),
            pl.BlockSpec((D_EDGE, D_NODE), lambda i: (0, 0)),
        ],
        out_specs=[
            pl.BlockSpec((r, D_NODE), lambda i: (i, 0)),
            pl.BlockSpec((r,), lambda i: (i,)),
            pl.BlockSpec((r,), lambda i: (i,)),
        ],
        out_shape=[
            jax.ShapeDtypeStruct((N_EDGES, D_NODE), jnp.float32),
            jax.ShapeDtypeStruct((N_EDGES,), jnp.float32),
            jax.ShapeDtypeStruct((N_EDGES,), jnp.float32),
        ],
    )(edge_attr, w16)


def _sc_body(a_t, b_t, rs_h, ss_h, c_t, es_h, ess_h, src_h, dst_h,
             sw_h, be_h, wa_h, pac_h, den_h,
             rsv, ssv, srcv, dstv, srcv16, dstv16, esv, essv, ts, td, cv,
             swv, bev, wav, denl, acc, sem1, sem2):
    cid = lax.axis_index("c")
    sid = lax.axis_index("s")
    wid = sid * 2 + cid

    pltpu.sync_copy(rs_h, rsv)
    pltpu.sync_copy(ss_h, ssv)
    pltpu.sync_copy(sw_h, swv)
    pltpu.sync_copy(be_h, bev)
    pltpu.sync_copy(wa_h, wav)
    swl = [swv[pl.ds(16 * j, 16)] for j in range(8)]
    bel = [bev[pl.ds(16 * j, 16)] for j in range(8)]
    wal = [wav[pl.ds(16 * j, 16)] for j in range(8)]
    lanes = lax.broadcasted_iota(jnp.int32, (16,), 0)
    zeros16 = jnp.zeros((16,), jnp.float32)

    def _zden(i, carry):
        denl[pl.ds(i * 16, 16)] = zeros16
        return carry
    lax.fori_loop(0, N_PAD // 16, _zden, 0)

    def _zcv(i, carry):
        for j in range(D_NODE // 16):
            cv[i, pl.ds(16 * j, 16)] = zeros16
        return carry
    lax.fori_loop(0, K, _zcv, 0)
    for kk in range(RPT // K):
        pltpu.sync_copy(cv, acc.at[pl.ds(sid * RPT + kk * K, K)])
    pltpu.sync_copy(cv.at[pl.ds(0, RPT - (RPT // K) * K)],
                    acc.at[pl.ds(sid * RPT + (RPT // K) * K,
                                 RPT - (RPT // K) * K)])
    plsc.subcore_barrier()

    def _group_stats(g, s16, d16):
        rss = plsc.load_gather(rsv, [s16])
        sss = plsc.load_gather(ssv, [s16])
        rsd = plsc.load_gather(rsv, [d16])
        ssd = plsc.load_gather(ssv, [d16])
        mu = (rss + esv[pl.ds(g * 16, 16)] + rsd) * (1.0 / 272.0)
        q = (sss + essv[pl.ds(g * 16, 16)] + ssd) * (1.0 / 272.0)
        v = q - mu * mu + 1e-5
        inv = _rsqrt_nr(v)
        esv[pl.ds(g * 16, 16)] = mu
        essv[pl.ds(g * 16, 16)] = v * inv

    def _do_group(g, d16):
        mu = esv[pl.ds(g * 16, 16)]
        sg = essv[pl.ds(g * 16, 16)]
        inv = _rsqrt_nr(sg * sg)
        def _edge(e, tv):
            r = g * 16 + e
            mu_e = _lane_bcast(mu, e)
            sg_e = _lane_bcast(sg, e)
            accv = jnp.zeros((16,), jnp.float32)
            for j in range(8):
                c16 = pl.ds(16 * j, 16)
                z = ts[r, c16] + td[r, c16] + cv[r, c16]
                u = z - mu_e * swl[j] + sg_e * bel[j]
                u = jnp.where(u >= 0.0, u, 0.01 * u)
                cv[r, c16] = u
                accv = accv + u * wal[j]
            t = jnp.sum(accv)
            return jnp.where(lanes == e, t, tv)
        tv = lax.fori_loop(0, 16, _edge, jnp.zeros((16,), jnp.float32))
        ea = jnp.exp(tv * inv)
        wvv = ea * inv
        plsc.addupdate_scatter(denl, [d16], ea)

        def _scale(e, c):
            r = g * 16 + e
            w_e = _lane_bcast(wvv, e)
            for j in range(8):
                c16 = pl.ds(16 * j, 16)
                cv[r, c16] = cv[r, c16] * w_e
            return c
        lax.fori_loop(0, 16, _scale, 0)

    base0 = wid * EPW

    def _block(bi, carry):
        base = base0 + bi * K
        cps = [
            pltpu.async_copy(src_h.at[pl.ds(base, K)], srcv, sem1),
            pltpu.async_copy(dst_h.at[pl.ds(base, K)], dstv, sem1),
            pltpu.async_copy(es_h.at[pl.ds(base, K)], esv, sem1),
            pltpu.async_copy(ess_h.at[pl.ds(base, K)], essv, sem1),
            pltpu.async_copy(c_t.at[pl.ds(base, K)], cv, sem1),
        ]
        cps[0].wait()
        cps[1].wait()
        cp1 = pltpu.async_copy(a_t.at[srcv], ts, sem2)
        cp2 = pltpu.async_copy(b_t.at[dstv], td, sem2)
        cps[2].wait()
        cps[3].wait()

        def _stats(g, gc):
            _group_stats(g, srcv[pl.ds(g * 16, 16)], dstv[pl.ds(g * 16, 16)])
            return gc
        lax.fori_loop(0, K // 16, _stats, 0)

        cps[4].wait()
        cp1.wait()
        cp2.wait()

        def _group(g, gc):
            _do_group(g, dstv[pl.ds(g * 16, 16)])
            return gc
        lax.fori_loop(0, K // 16, _group, 0)
        pltpu.sync_copy(cv, acc.at[dstv], add=True)
        return carry
    lax.fori_loop(0, NBF, _block, 0)

    tbase = base0 + NBF * K
    cps = [
        pltpu.async_copy(src_h.at[pl.ds(tbase, TAIL)], srcv16, sem1),
        pltpu.async_copy(dst_h.at[pl.ds(tbase, TAIL)], dstv16, sem1),
        pltpu.async_copy(es_h.at[pl.ds(tbase, TAIL)], esv.at[pl.ds(0, TAIL)], sem1),
        pltpu.async_copy(ess_h.at[pl.ds(tbase, TAIL)], essv.at[pl.ds(0, TAIL)], sem1),
        pltpu.async_copy(c_t.at[pl.ds(tbase, TAIL)], cv.at[pl.ds(0, TAIL)], sem1),
    ]
    cps[0].wait()
    cps[1].wait()
    cp1 = pltpu.async_copy(a_t.at[srcv16], ts.at[pl.ds(0, TAIL)], sem2)
    cp2 = pltpu.async_copy(b_t.at[dstv16], td.at[pl.ds(0, TAIL)], sem2)
    cps[2].wait()
    cps[3].wait()
    _group_stats(0, srcv16[...], dstv16[...])
    cps[4].wait()
    cp1.wait()
    cp2.wait()
    _do_group(0, dstv16[...])
    pltpu.sync_copy(cv.at[pl.ds(0, TAIL)], acc.at[dstv16], add=True)

    plsc.subcore_barrier()
    pltpu.sync_copy(acc.at[pl.ds(sid * RPT, RPT)],
                    pac_h.at[cid, pl.ds(sid * RPT, RPT)])
    pltpu.sync_copy(denl, den_h.at[wid])


def _sc_edge_pass(a_t, b_t, rs, ss, c_t, es, ess, src, dst, sw, be, wa):
    mesh = plsc.VectorSubcoreMesh(core_axis_name="c", subcore_axis_name="s")
    fn = functools.partial(
        pl.kernel,
        out_type=[
            jax.ShapeDtypeStruct((2, N_PAD, D_NODE), jnp.float32),
            jax.ShapeDtypeStruct((NW, N_PAD), jnp.float32),
        ],
        mesh=mesh,
        scratch_types=[
            pltpu.VMEM((N_NODES,), jnp.float32),
            pltpu.VMEM((N_NODES,), jnp.float32),
            pltpu.VMEM((K,), jnp.int32),
            pltpu.VMEM((K,), jnp.int32),
            pltpu.VMEM((16,), jnp.int32),
            pltpu.VMEM((16,), jnp.int32),
            pltpu.VMEM((K,), jnp.float32),
            pltpu.VMEM((K,), jnp.float32),
            pltpu.VMEM((K, D_NODE), jnp.float32),
            pltpu.VMEM((K, D_NODE), jnp.float32),
            pltpu.VMEM((K, D_NODE), jnp.float32),
            pltpu.VMEM((D_NODE,), jnp.float32),
            pltpu.VMEM((D_NODE,), jnp.float32),
            pltpu.VMEM((D_NODE,), jnp.float32),
            pltpu.VMEM((N_PAD,), jnp.float32),
            pltpu.VMEM_SHARED((N_PAD, D_NODE), jnp.float32),
            pltpu.SemaphoreType.DMA,
            pltpu.SemaphoreType.DMA,
        ],
        compiler_params=pltpu.CompilerParams(needs_layout_passes=False),
    )(_sc_body)
    return fn(a_t, b_t, rs, ss, c_t, es, ess, src, dst, sw, be, wa)


def _node_post_body(x_ref, pac_ref, den_ref, wn_ref, bn_ref, o_ref):
    p = pac_ref[...]
    s = p[0] + p[1]
    den = jnp.sum(den_ref[...], axis=0)
    af = s / jnp.maximum(den, 1e-20)[:, None]
    feat = jnp.concatenate([x_ref[...], af], axis=1)
    mu = jnp.mean(feat, axis=1, keepdims=True)
    var = jnp.mean(feat * feat, axis=1, keepdims=True) - mu * mu
    nf = (feat - mu) * lax.rsqrt(var + 1e-5)
    o = jnp.dot(nf, wn_ref[...], preferred_element_type=jnp.float32) + bn_ref[...]
    o_ref[...] = jnp.where(o >= 0.0, o, 0.01 * o)


def _node_post(x, pac, den, wn, bn):
    r = 1024
    grid = (pl.cdiv(N_NODES, r),)
    return pl.pallas_call(
        _node_post_body,
        grid=grid,
        in_specs=[
            pl.BlockSpec((r, D_NODE), lambda i: (i, 0)),
            pl.BlockSpec((2, r, D_NODE), lambda i: (0, i, 0)),
            pl.BlockSpec((NW, r), lambda i: (0, i)),
            pl.BlockSpec((2 * D_NODE, D_NODE), lambda i: (0, 0)),
            pl.BlockSpec((1, D_NODE), lambda i: (0, 0)),
        ],
        out_specs=pl.BlockSpec((r, D_NODE), lambda i: (i, 0)),
        out_shape=jax.ShapeDtypeStruct((N_NODES, D_NODE), jnp.float32),
    )(x, pac, den, wn, bn)


@jax.jit
def kernel(x, edge_index, edge_attr, W_e, b_e, W_attn, W_n, b_n):
    src = edge_index[0]
    dst = edge_index[1]
    w1 = W_e[:D_NODE]
    w16 = W_e[D_NODE:D_NODE + D_EDGE]
    w2 = W_e[D_NODE + D_EDGE:]
    sw = jnp.sum(W_e, axis=0)
    wa = W_attn[:, 0]

    a_t, b_t, rs, ss = _node_pre(x, w1, w2)
    c_t, es, ess = _edge_pre(edge_attr, w16)
    pac, den = _sc_edge_pass(a_t, b_t, rs, ss, c_t, es, ess, src, dst,
                             sw, b_e, wa)
    return _node_post(x, pac, den, W_n, b_n.reshape(1, D_NODE))

# --- scband reference (transcript-rebuilt; emitter-appended) ---
"""Pipeline reference for scband-message-passing-layer-85564338471237 (READ-ONLY COPY).

The authoritative reference and input builder live on the scoring server;
editing this copy changes nothing except your own understanding.
"""

import jax, jax.numpy as jnp
import numpy as np

N = 10000
E = 320000
D_NODE = 128
D_EDGE = 16
D_EOUT = 128
D_NOUT = 128
EDGE_IN = D_EDGE + 2 * D_NODE  # 272
NODE_IN = D_NODE + D_EOUT      # 256


def instance_norm(x, eps=1e-5):
    # torch InstanceNorm1d on x.unsqueeze(1): per-row normalization over feature dim,
    # affine=False, track_running_stats=False
    mu = jnp.mean(x, axis=1, keepdims=True)
    var = jnp.var(x, axis=1, keepdims=True)
    return (x - mu) / jnp.sqrt(var + eps)


def leaky_relu(x):
    return jax.nn.leaky_relu(x, negative_slope=0.01)


def setup_inputs(seed: int = 0) -> dict:
    key = jax.random.key(seed)
    ks = jax.random.split(key, 10)
    x = jax.random.normal(ks[0], (N, D_NODE), dtype=jnp.float32)
    edge_index = jax.random.randint(ks[1], (2, E), 0, N, dtype=jnp.int32)
    edge_attr = jax.random.normal(ks[2], (E, D_EDGE), dtype=jnp.float32)
    # EdgeApplyModule params: Linear(272 -> 128), attn_fc Linear(128 -> 1, no bias)
    W_e = jax.random.normal(ks[3], (EDGE_IN, D_EOUT), dtype=jnp.float32) * 0.05
    b_e = jnp.zeros((D_EOUT,), dtype=jnp.float32)
    W_attn = jax.random.normal(ks[4], (D_EOUT, 1), dtype=jnp.float32) * 0.05
    # NodeApplyModule params: Linear(256 -> 128)
    W_n = jax.random.normal(ks[5], (NODE_IN, D_NOUT), dtype=jnp.float32) * 0.05
    b_n = jnp.zeros((D_NOUT,), dtype=jnp.float32)
    return {"x": x, "edge_index": edge_index, "edge_attr": edge_attr,
            "W_e": W_e, "b_e": b_e, "W_attn": W_attn, "W_n": W_n, "b_n": b_n}


def reference(x, edge_index, edge_attr, W_e, b_e, W_attn, W_n, b_n):
    src = edge_index[0]
    dst = edge_index[1]
    # --- apply_edges (EdgeApplyModule) ---
    h = jnp.concatenate([x[src], edge_attr, x[dst]], axis=1)  # [E, 272]
    h = instance_norm(h)
    h = leaky_relu(h @ W_e + b_e)          # [E, 128] = updated efeat
    attn = (h @ W_attn)[:, 0]              # [E]
    # --- update_all: message = (efeat, attn); reduce = per-dst softmax-weighted sum ---
    seg_max = jax.ops.segment_max(attn, dst, num_segments=N)
    seg_max = jnp.where(jnp.isfinite(seg_max), seg_max, 0.0)
    ea = jnp.exp(attn - seg_max[dst])
    denom = jax.ops.segment_sum(ea, dst, num_segments=N)
    alpha = ea / jnp.maximum(denom[dst], 1e-20)
    attn_feat = jax.ops.segment_sum(alpha[:, None] * h, dst, num_segments=N)  # [N, 128]
    feat = jnp.concatenate([x, attn_feat], axis=1)  # [N, 256]
    # --- apply_node_func (NodeApplyModule) ---
    feat = instance_norm(feat)
    out = leaky_relu(feat @ W_n + b_n)     # [N, 128] = updated nfeat
    return out

if __name__ == "__main__":
    import jax
    _d = setup_inputs()
    print(jax.jit(kernel)(*tuple(_d.values())))

</pallas_src>

<mosaic_0001>
#map = affine_map<(d0, d1) -> (0, 0)>
#map1 = affine_map<(d0, d1) -> (0)>
#map2 = affine_map<(d0, d1) -> (0, 0, 0)>
module attributes {stable_mosaic.version = 14 : i64} {
  func.func @_sc_body(%arg0: i32, %arg1: i32, %arg2: memref<10000x128xf32, #tpu.memory_space<hbm>>, %arg3: memref<10000x128xf32, #tpu.memory_space<hbm>>, %arg4: memref<10000xf32, #tpu.memory_space<hbm>>, %arg5: memref<10000xf32, #tpu.memory_space<hbm>>, %arg6: memref<320000x128xf32, #tpu.memory_space<hbm>>, %arg7: memref<320000xf32, #tpu.memory_space<hbm>>, %arg8: memref<320000xf32, #tpu.memory_space<hbm>>, %arg9: memref<320000xi32, #tpu.memory_space<hbm>>, %arg10: memref<320000xi32, #tpu.memory_space<hbm>>, %arg11: memref<128xf32, #tpu.memory_space<hbm>>, %arg12: memref<128xf32, #tpu.memory_space<hbm>>, %arg13: memref<128xf32, #tpu.memory_space<hbm>>, %arg14: memref<2x10112x128xf32, #tpu.memory_space<hbm>>, %arg15: memref<32x10112xf32, #tpu.memory_space<hbm>>, %arg16: memref<10000xf32, #tpu.memory_space<vmem>>, %arg17: memref<10000xf32, #tpu.memory_space<vmem>>, %arg18: memref<48xi32, #tpu.memory_space<vmem>>, %arg19: memref<48xi32, #tpu.memory_space<vmem>>, %arg20: memref<16xi32, #tpu.memory_space<vmem>>, %arg21: memref<16xi32, #tpu.memory_space<vmem>>, %arg22: memref<48xf32, #tpu.memory_space<vmem>>, %arg23: memref<48xf32, #tpu.memory_space<vmem>>, %arg24: memref<48x128xf32, #tpu.memory_space<vmem>>, %arg25: memref<48x128xf32, #tpu.memory_space<vmem>>, %arg26: memref<48x128xf32, #tpu.memory_space<vmem>>, %arg27: memref<128xf32, #tpu.memory_space<vmem>>, %arg28: memref<128xf32, #tpu.memory_space<vmem>>, %arg29: memref<128xf32, #tpu.memory_space<vmem>>, %arg30: memref<10112xf32, #tpu.memory_space<vmem>>, %arg31: memref<10112x128xf32, #tpu.memory_space<vmem_shared>>, %arg32: memref<!tpu.dma_semaphore, #tpu.memory_space<semaphore_mem>>, %arg33: memref<!tpu.dma_semaphore, #tpu.memory_space<semaphore_mem>>) attributes {dimension_semantics = [#tpu.dimension_semantics<core_parallel>, #tpu.dimension_semantics<subcore_parallel>], iteration_bounds = array<i64: 2, 16>, scalar_prefetch = 0 : i64, scratch_operands = 18 : i64, tpu.core_type = #tpu.core_type<sc_vector_subcore>, window_params = [{transform_indices = #map}, {transform_indices = #map}, {transform_indices = #map1}, {transform_indices = #map1}, {transform_indices = #map}, {transform_indices = #map1}, {transform_indices = #map1}, {transform_indices = #map1}, {transform_indices = #map1}, {transform_indices = #map1}, {transform_indices = #map1}, {transform_indices = #map1}, {transform_indices = #map2}, {transform_indices = #map}]} {
    %mul3A = arith.constant 2 : i32
    %mul3A_0 = arith.muli %arg1, %mul3A : i32
    %add3A = arith.addi %mul3A_0, %arg0 : i32
    "tpu.region"() ({
      %run_scoped3A = tpu.sem_alloc : memref<!tpu.dma_semaphore, #tpu.memory_space<semaphore_mem>>
      tpu.enqueue_dma source(%arg4 : memref<10000xf32, #tpu.memory_space<hbm>>) target(%arg16 : memref<10000xf32, #tpu.memory_space<vmem>>) target_semaphore(%run_scoped3A : memref<!tpu.dma_semaphore, #tpu.memory_space<semaphore_mem>>)
      tpu.wait_dma2 semaphore(%run_scoped3A : memref<!tpu.dma_semaphore, #tpu.memory_space<semaphore_mem>>) src(%arg4 : memref<10000xf32, #tpu.memory_space<hbm>>) dst(%arg16 : memref<10000xf32, #tpu.memory_space<vmem>>)
      tpu.yield
    }) : () -> ()
    "tpu.region"() ({
      %run_scoped3A = tpu.sem_alloc : memref<!tpu.dma_semaphore, #tpu.memory_space<semaphore_mem>>
      tpu.enqueue_dma source(%arg5 : memref<10000xf32, #tpu.memory_space<hbm>>) target(%arg17 : memref<10000xf32, #tpu.memory_space<vmem>>) target_semaphore(%run_scoped3A : memref<!tpu.dma_semaphore, #tpu.memory_space<semaphore_mem>>)
      tpu.wait_dma2 semaphore(%run_scoped3A : memref<!tpu.dma_semaphore, #tpu.memory_space<semaphore_mem>>) src(%arg5 : memref<10000xf32, #tpu.memory_space<hbm>>) dst(%arg17 : memref<10000xf32, #tpu.memory_space<vmem>>)
      tpu.yield
    }) : () -> ()
    "tpu.region"() ({
      %run_scoped3A = tpu.sem_alloc : memref<!tpu.dma_semaphore, #tpu.memory_space<semaphore_mem>>
      tpu.enqueue_dma source(%arg11 : memref<128xf32, #tpu.memory_space<hbm>>) target(%arg27 : memref<128xf32, #tpu.memory_space<vmem>>) target_semaphore(%run_scoped3A : memref<!tpu.dma_semaphore, #tpu.memory_space<semaphore_mem>>)
      tpu.wait_dma2 semaphore(%run_scoped3A : memref<!tpu.dma_semaphore, #tpu.memory_space<semaphore_mem>>) src(%arg11 : memref<128xf32, #tpu.memory_space<hbm>>) dst(%arg27 : memref<128xf32, #tpu.memory_space<vmem>>)
      tpu.yield
    }) : () -> ()
    "tpu.region"() ({
      %run_scoped3A = tpu.sem_alloc : memref<!tpu.dma_semaphore, #tpu.memory_space<semaphore_mem>>
      tpu.enqueue_dma source(%arg12 : memref<128xf32, #tpu.memory_space<hbm>>) target(%arg28 : memref<128xf32, #tpu.memory_space<vmem>>) target_semaphore(%run_scoped3A : memref<!tpu.dma_semaphore, #tpu.memory_space<semaphore_mem>>)
      tpu.wait_dma2 semaphore(%run_scoped3A : memref<!tpu.dma_semaphore, #tpu.memory_space<semaphore_mem>>) src(%arg12 : memref<128xf32, #tpu.memory_space<hbm>>) dst(%arg28 : memref<128xf32, #tpu.memory_space<vmem>>)
      tpu.yield
    }) : () -> ()
    "tpu.region"() ({
      %run_scoped3A = tpu.sem_alloc : memref<!tpu.dma_semaphore, #tpu.memory_space<semaphore_mem>>
      tpu.enqueue_dma source(%arg13 : memref<128xf32, #tpu.memory_space<hbm>>) target(%arg29 : memref<128xf32, #tpu.memory_space<vmem>>) target_semaphore(%run_scoped3A : memref<!tpu.dma_semaphore, #tpu.memory_space<semaphore_mem>>)
      tpu.wait_dma2 semaphore(%run_scoped3A : memref<!tpu.dma_semaphore, #tpu.memory_space<semaphore_mem>>) src(%arg13 : memref<128xf32, #tpu.memory_space<hbm>>) dst(%arg29 : memref<128xf32, #tpu.memory_space<vmem>>)
      tpu.yield
    }) : () -> ()
    %get3A = arith.constant 0 : index
    %get3A_1 = tpu.vector_load %arg27[%get3A] {strides = array<i32>} : memref<128xf32, #tpu.memory_space<vmem>>, vector<16xf32>,
    %get3A_2 = arith.constant 16 : index
    %get3A_3 = tpu.vector_load %arg27[%get3A_2] {strides = array<i32>} : memref<128xf32, #tpu.memory_space<vmem>>, vector<16xf32>,
    %get3A_4 = arith.constant 32 : index
    %get3A_5 = tpu.vector_load %arg27[%get3A_4] {strides = array<i32>} : memref<128xf32, #tpu.memory_space<vmem>>, vector<16xf32>,
    %get3A_6 = arith.constant 48 : index
    %get3A_7 = tpu.vector_load %arg27[%get3A_6] {strides = array<i32>} : memref<128xf32, #tpu.memory_space<vmem>>, vector<16xf32>,
    %get3A_8 = arith.constant 64 : index
    %get3A_9 = tpu.vector_load %arg27[%get3A_8] {strides = array<i32>} : memref<128xf32, #tpu.memory_space<vmem>>, vector<16xf32>,
    %get3A_10 = arith.constant 80 : index
    %get3A_11 = tpu.vector_load %arg27[%get3A_10] {strides = array<i32>} : memref<128xf32, #tpu.memory_space<vmem>>, vector<16xf32>,
    %get3A_12 = arith.constant 96 : index
    %get3A_13 = tpu.vector_load %arg27[%get3A_12] {strides = array<i32>} : memref<128xf32, #tpu.memory_space<vmem>>, vector<16xf32>,
    %get3A_14 = arith.constant 112 : index
    %get3A_15 = tpu.vector_load %arg27[%get3A_14] {strides = array<i32>} : memref<128xf32, #tpu.memory_space<vmem>>, vector<16xf32>,
    %get3A_16 = arith.constant 0 : index
    %get3A_17 = tpu.vector_load %arg28[%get3A_16] {strides = array<i32>} : memref<128xf32, #tpu.memory_space<vmem>>, vector<16xf32>,
    %get3A_18 = arith.constant 16 : index
    %get3A_19 = tpu.vector_load %arg28[%get3A_18] {strides = array<i32>} : memref<128xf32, #tpu.memory_space<vmem>>, vector<16xf32>,
    %get3A_20 = arith.constant 32 : index
    %get3A_21 = tpu.vector_load %arg28[%get3A_20] {strides = array<i32>} : memref<128xf32, #tpu.memory_space<vmem>>, vector<16xf32>,
    %get3A_22 = arith.constant 48 : index
    %get3A_23 = tpu.vector_load %arg28[%get3A_22] {strides = array<i32>} : memref<128xf32, #tpu.memory_space<vmem>>, vector<16xf32>,
    %get3A_24 = arith.constant 64 : index
    %get3A_25 = tpu.vector_load %arg28[%get3A_24] {strides = array<i32>} : memref<128xf32, #tpu.memory_space<vmem>>, vector<16xf32>,
    %get3A_26 = arith.constant 80 : index
    %get3A_27 = tpu.vector_load %arg28[%get3A_26] {strides = array<i32>} : memref<128xf32, #tpu.memory_space<vmem>>, vector<16xf32>,
    %get3A_28 = arith.constant 96 : index
    %get3A_29 = tpu.vector_load %arg28[%get3A_28] {strides = array<i32>} : memref<128xf32, #tpu.memory_space<vmem>>, vector<16xf32>,
    %get3A_30 = arith.constant 112 : index
    %get3A_31 = tpu.vector_load %arg28[%get3A_30] {strides = array<i32>} : memref<128xf32, #tpu.memory_space<vmem>>, vector<16xf32>,
    %get3A_32 = arith.constant 0 : index
    %get3A_33 = tpu.vector_load %arg29[%get3A_32] {strides = array<i32>} : memref<128xf32, #tpu.memory_space<vmem>>, vector<16xf32>,
    %get3A_34 = arith.constant 16 : index
    %get3A_35 = tpu.vector_load %arg29[%get3A_34] {strides = array<i32>} : memref<128xf32, #tpu.memory_space<vmem>>, vector<16xf32>,
    %get3A_36 = arith.constant 32 : index
    %get3A_37 = tpu.vector_load %arg29[%get3A_36] {strides = array<i32>} : memref<128xf32, #tpu.memory_space<vmem>>, vector<16xf32>,
    %get3A_38 = arith.constant 48 : index
    %get3A_39 = tpu.vector_load %arg29[%get3A_38] {strides = array<i32>} : memref<128xf32, #tpu.memory_space<vmem>>, vector<16xf32>,
    %get3A_40 = arith.constant 64 : index
    %get3A_41 = tpu.vector_load %arg29[%get3A_40] {strides = array<i32>} : memref<128xf32, #tpu.memory_space<vmem>>, vector<16xf32>,
    %get3A_42 = arith.constant 80 : index
    %get3A_43 = tpu.vector_load %arg29[%get3A_42] {strides = array<i32>} : memref<128xf32, #tpu.memory_space<vmem>>, vector<16xf32>,
    %get3A_44 = arith.constant 96 : index
    %get3A_45 = tpu.vector_load %arg29[%get3A_44] {strides = array<i32>} : memref<128xf32, #tpu.memory_space<vmem>>, vector<16xf32>,
    %get3A_46 = arith.constant 112 : index
    %get3A_47 = tpu.vector_load %arg29[%get3A_46] {strides = array<i32>} : memref<128xf32, #tpu.memory_space<vmem>>, vector<16xf32>,
    %iota3A = tpu.iota {dimensions = array<i32: 0>} : vector<16xi32>
    %broadcast_in_dim3A = arith.constant 0.000000e+00 : f32
    %broadcast_in_dim3A_48 = vector.broadcast %broadcast_in_dim3A : f32 to vector<16xf32>
    %scan3A = arith.constant 0 : i32
    %scan3A_49 = arith.constant 0 : i32
    %scan3A_50 = arith.constant 632 : i32
    %scan3A_51 = arith.addi %scan3A_49, %scan3A_50 : i32
    %scan3A_52 = arith.constant 1 : i32
    scf.for %scan3A_325 = %scan3A_49 to %scan3A_51 step %scan3A_52  : i32 {
      %mul3A_326 = arith.constant 16 : i32
      %mul3A_327 = arith.muli %scan3A_325, %mul3A_326 : i32
      %swap3A_328 = arith.index_cast %mul3A_327 : i32 to index
      %swap3A_329 = tpu.vector_load %arg30[%swap3A_328] {strides = array<i32>} : memref<10112xf32, #tpu.memory_space<vmem>>, vector<16xf32>,
      tpu.vector_store %arg30[%swap3A_328], %broadcast_in_dim3A_48 {strides = array<i32>} : memref<10112xf32, #tpu.memory_space<vmem>>, vector<16xf32>,
    }
    %scan3A_53 = arith.constant 632 : i32
    %scan3A_54 = arith.constant 0 : i32
    %scan3A_55 = arith.constant 0 : i32
    %scan3A_56 = arith.constant 48 : i32
    %scan3A_57 = arith.addi %scan3A_55, %scan3A_56 : i32
    %scan3A_58 = arith.constant 1 : i32
    scf.for %scan3A_325 = %scan3A_55 to %scan3A_57 step %scan3A_58  : i32 {
      %swap3A_326 = arith.index_cast %scan3A_325 : i32 to index
      %swap3A_327 = arith.constant 0 : index
      %swap3A_328 = tpu.vector_load %arg26[%swap3A_326, %swap3A_327] {strides = array<i32>} : memref<48x128xf32, #tpu.memory_space<vmem>>, vector<16xf32>,
      tpu.vector_store %arg26[%swap3A_326, %swap3A_327], %broadcast_in_dim3A_48 {strides = array<i32>} : memref<48x128xf32, #tpu.memory_space<vmem>>, vector<16xf32>,
      %swap3A_329 = arith.index_cast %scan3A_325 : i32 to index
      %swap3A_330 = arith.constant 16 : index
      %swap3A_331 = tpu.vector_load %arg26[%swap3A_329, %swap3A_330] {strides = array<i32>} : memref<48x128xf32, #tpu.memory_space<vmem>>, vector<16xf32>,
      tpu.vector_store %arg26[%swap3A_329, %swap3A_330], %broadcast_in_dim3A_48 {strides = array<i32>} : memref<48x128xf32, #tpu.memory_space<vmem>>, vector<16xf32>,
      %swap3A_332 = arith.index_cast %scan3A_325 : i32 to index
      %swap3A_333 = arith.constant 32 : index
      %swap3A_334 = tpu.vector_load %arg26[%swap3A_332, %swap3A_333] {strides = array<i32>} : memref<48x128xf32, #tpu.memory_space<vmem>>, vector<16xf32>,
      tpu.vector_store %arg26[%swap3A_332, %swap3A_333], %broadcast_in_dim3A_48 {strides = array<i32>} : memref<48x128xf32, #tpu.memory_space<vmem>>, vector<16xf32>,
      %swap3A_335 = arith.index_cast %scan3A_325 : i32 to index
      %swap3A_336 = arith.constant 48 : index
      %swap3A_337 = tpu.vector_load %arg26[%swap3A_335, %swap3A_336] {strides = array<i32>} : memref<48x128xf32, #tpu.memory_space<vmem>>, vector<16xf32>,
      tpu.vector_store %arg26[%swap3A_335, %swap3A_336], %broadcast_in_dim3A_48 {strides = array<i32>} : memref<48x128xf32, #tpu.memory_space<vmem>>, vector<16xf32>,
      %swap3A_338 = arith.index_cast %scan3A_325 : i32 to index
      %swap3A_339 = arith.constant 64 : index
      %swap3A_340 = tpu.vector_load %arg26[%swap3A_338, %swap3A_339] {strides = array<i32>} : memref<48x128xf32, #tpu.memory_space<vmem>>, vector<16xf32>,
      tpu.vector_store %arg26[%swap3A_338, %swap3A_339], %broadcast_in_dim3A_48 {strides = array<i32>} : memref<48x128xf32, #tpu.memory_space<vmem>>, vector<16xf32>,
      %swap3A_341 = arith.index_cast %scan3A_325 : i32 to index
      %swap3A_342 = arith.constant 80 : index
      %swap3A_343 = tpu.vector_load %arg26[%swap3A_341, %swap3A_342] {strides = array<i32>} : memref<48x128xf32, #tpu.memory_space<vmem>>, vector<16xf32>,
      tpu.vector_store %arg26[%swap3A_341, %swap3A_342], %broadcast_in_dim3A_48 {strides = array<i32>} : memref<48x128xf32, #tpu.memory_space<vmem>>, vector<16xf32>,
      %swap3A_344 = arith.index_cast %scan3A_325 : i32 to index
      %swap3A_345 = arith.constant 96 : index
      %swap3A_346 = tpu.vector_load %arg26[%swap3A_344, %swap3A_345] {strides = array<i32>} : memref<48x128xf32, #tpu.memory_space<vmem>>, vector<16xf32>,
      tpu.vector_store %arg26[%swap3A_344, %swap3A_345], %broadcast_in_dim3A_48 {strides = array<i32>} : memref<48x128xf32, #tpu.memory_space<vmem>>, vector<16xf32>,
      %swap3A_347 = arith.index_cast %scan3A_325 : i32 to index
      %swap3A_348 = arith.constant 112 : index
      %swap3A_349 = tpu.vector_load %arg26[%swap3A_347, %swap3A_348] {strides = array<i32>} : memref<48x128xf32, #tpu.memory_space<vmem>>, vector<16xf32>,
      tpu.vector_store %arg26[%swap3A_347, %swap3A_348], %broadcast_in_dim3A_48 {strides = array<i32>} : memref<48x128xf32, #tpu.memory_space<vmem>>, vector<16xf32>,
    }
    %scan3A_59 = arith.constant 48 : i32
    %mul3A_60 = arith.constant 632 : i32
    %mul3A_61 = arith.muli %arg1, %mul3A_60 : i32
    %add3A_62 = arith.constant 0 : i32
    %add3A_63 = arith.addi %mul3A_61, %add3A_62 : i32
    "tpu.region"() ({
      %run_scoped3A = tpu.sem_alloc : memref<!tpu.dma_semaphore, #tpu.memory_space<semaphore_mem>>
      %dma_start3A_325 = arith.constant 0 : i32
      %dma_start3A_326 = tpu.memref_slice %arg31[%add3A_63, %dma_start3A_325] : memref<10112x128xf32, #tpu.memory_space<vmem_shared>> -> memref<48x128xf32, #tpu.memory_space<vmem_shared>>
      %dma_start3A_327 = arith.constant 0 : i32
      %dma_start3A_328 = tpu.memref_slice %arg31[%add3A_63, %dma_start3A_327] : memref<10112x128xf32, #tpu.memory_space<vmem_shared>> -> memref<48x128xf32, #tpu.memory_space<vmem_shared>>
      tpu.enqueue_dma source(%arg26 : memref<48x128xf32, #tpu.memory_space<vmem>>) target(%dma_start3A_328 : memref<48x128xf32, #tpu.memory_space<vmem_shared>>) target_semaphore(%run_scoped3A : memref<!tpu.dma_semaphore, #tpu.memory_space<semaphore_mem>>)
      %dma_wait3A_329 = arith.constant 0 : i32
      %dma_wait3A_330 = tpu.memref_slice %arg31[%add3A_63, %dma_wait3A_329] : memref<10112x128xf32, #tpu.memory_space<vmem_shared>> -> memref<48x128xf32, #tpu.memory_space<vmem_shared>>
      %dma_wait3A_331 = arith.constant 0 : i32
      %dma_wait3A_332 = tpu.memref_slice %arg31[%add3A_63, %dma_wait3A_331] : memref<10112x128xf32, #tpu.memory_space<vmem_shared>> -> memref<48x128xf32, #tpu.memory_space<vmem_shared>>
      tpu.wait_dma2 semaphore(%run_scoped3A : memref<!tpu.dma_semaphore, #tpu.memory_space<semaphore_mem>>) src(%arg26 : memref<48x128xf32, #tpu.memory_space<vmem>>) dst(%dma_wait3A_332 : memref<48x128xf32, #tpu.memory_space<vmem_shared>>)
      tpu.yield
    }) : () -> ()
    %mul3A_64 = arith.constant 632 : i32
    %mul3A_65 = arith.muli %arg1, %mul3A_64 : i32
    %add3A_66 = arith.constant 48 : i32
    %add3A_67 = arith.addi %mul3A_65, %add3A_66 : i32
    "tpu.region"() ({
      %run_scoped3A = tpu.sem_alloc : memref<!tpu.dma_semaphore, #tpu.memory_space<semaphore_mem>>
      %dma_start3A_325 = arith.constant 0 : i32
      %dma_start3A_326 = tpu.memref_slice %arg31[%add3A_67, %dma_start3A_325] : memref<10112x128xf32, #tpu.memory_space<vmem_shared>> -> memref<48x128xf32, #tpu.memory_space<vmem_shared>>
      %dma_start3A_327 = arith.constant 0 : i32
      %dma_start3A_328 = tpu.memref_slice %arg31[%add3A_67, %dma_start3A_327] : memref<10112x128xf32, #tpu.memory_space<vmem_shared>> -> memref<48x128xf32, #tpu.memory_space<vmem_shared>>
      tpu.enqueue_dma source(%arg26 : memref<48x128xf32, #tpu.memory_space<vmem>>) target(%dma_start3A_328 : memref<48x128xf32, #tpu.memory_space<vmem_shared>>) target_semaphore(%run_scoped3A : memref<!tpu.dma_semaphore, #tpu.memory_space<semaphore_mem>>)
      %dma_wait3A_329 = arith.constant 0 : i32
      %dma_wait3A_330 = tpu.memref_slice %arg31[%add3A_67, %dma_wait3A_329] : memref<10112x128xf32, #tpu.memory_space<vmem_shared>> -> memref<48x128xf32, #tpu.memory_space<vmem_shared>>
      %dma_wait3A_331 = arith.constant 0 : i32
      %dma_wait3A_332 = tpu.memref_slice %arg31[%add3A_67, %dma_wait3A_331] : memref<10112x128xf32, #tpu.memory_space<vmem_shared>> -> memref<48x128xf32, #tpu.memory_space<vmem_shared>>
      tpu.wait_dma2 semaphore(%run_scoped3A : memref<!tpu.dma_semaphore, #tpu.memory_space<semaphore_mem>>) src(%arg26 : memref<48x128xf32, #tpu.memory_space<vmem>>) dst(%dma_wait3A_332 : memref<48x128xf32, #tpu.memory_space<vmem_shared>>)
      tpu.yield
    }) : () -> ()
    %mul3A_68 = arith.constant 632 : i32
    %mul3A_69 = arith.muli %arg1, %mul3A_68 : i32
    %add3A_70 = arith.constant 96 : i32
    %add3A_71 = arith.addi %mul3A_69, %add3A_70 : i32
    "tpu.region"() ({
      %run_scoped3A = tpu.sem_alloc : memref<!tpu.dma_semaphore, #tpu.memory_space<semaphore_mem>>
      %dma_start3A_325 = arith.constant 0 : i32
      %dma_start3A_326 = tpu.memref_slice %arg31[%add3A_71, %dma_start3A_325] : memref<10112x128xf32, #tpu.memory_space<vmem_shared>> -> memref<48x128xf32, #tpu.memory_space<vmem_shared>>
      %dma_start3A_327 = arith.constant 0 : i32
      %dma_start3A_328 = tpu.memref_slice %arg31[%add3A_71, %dma_start3A_327] : memref<10112x128xf32, #tpu.memory_space<vmem_shared>> -> memref<48x128xf32, #tpu.memory_space<vmem_shared>>
      tpu.enqueue_dma source(%arg26 : memref<48x128xf32, #tpu.memory_space<vmem>>) target(%dma_start3A_328 : memref<48x128xf32, #tpu.memory_space<vmem_shared>>) target_semaphore(%run_scoped3A : memref<!tpu.dma_semaphore, #tpu.memory_space<semaphore_mem>>)
      %dma_wait3A_329 = arith.constant 0 : i32
      %dma_wait3A_330 = tpu.memref_slice %arg31[%add3A_71, %dma_wait3A_329] : memref<10112x128xf32, #tpu.memory_space<vmem_shared>> -> memref<48x128xf32, #tpu.memory_space<vmem_shared>>
      %dma_wait3A_331 = arith.constant 0 : i32
      %dma_wait3A_332 = tpu.memref_slice %arg31[%add3A_71, %dma_wait3A_331] : memref<10112x128xf32, #tpu.memory_space<vmem_shared>> -> memref<48x128xf32, #tpu.memory_space<vmem_shared>>
      tpu.wait_dma2 semaphore(%run_scoped3A : memref<!tpu.dma_semaphore, #tpu.memory_space<semaphore_mem>>) src(%arg26 : memref<48x128xf32, #tpu.memory_space<vmem>>) dst(%dma_wait3A_332 : memref<48x128xf32, #tpu.memory_space<vmem_shared>>)
      tpu.yield
    }) : () -> ()
    %mul3A_72 = arith.constant 632 : i32
    %mul3A_73 = arith.muli %arg1, %mul3A_72 : i32
    %add3A_74 = arith.constant 144 : i32
    %add3A_75 = arith.addi %mul3A_73, %add3A_74 : i32
    "tpu.region"() ({
      %run_scoped3A = tpu.sem_alloc : memref<!tpu.dma_semaphore, #tpu.memory_space<semaphore_mem>>
      %dma_start3A_325 = arith.constant 0 : i32
      %dma_start3A_326 = tpu.memref_slice %arg31[%add3A_75, %dma_start3A_325] : memref<10112x128xf32, #tpu.memory_space<vmem_shared>> -> memref<48x128xf32, #tpu.memory_space<vmem_shared>>
      %dma_start3A_327 = arith.constant 0 : i32
      %dma_start3A_328 = tpu.memref_slice %arg31[%add3A_75, %dma_start3A_327] : memref<10112x128xf32, #tpu.memory_space<vmem_shared>> -> memref<48x128xf32, #tpu.memory_space<vmem_shared>>
      tpu.enqueue_dma source(%arg26 : memref<48x128xf32, #tpu.memory_space<vmem>>) target(%dma_start3A_328 : memref<48x128xf32, #tpu.memory_space<vmem_shared>>) target_semaphore(%run_scoped3A : memref<!tpu.dma_semaphore, #tpu.memory_space<semaphore_mem>>)
      %dma_wait3A_329 = arith.constant 0 : i32
      %dma_wait3A_330 = tpu.memref_slice %arg31[%add3A_75, %dma_wait3A_329] : memref<10112x128xf32, #tpu.memory_space<vmem_shared>> -> memref<48x128xf32, #tpu.memory_space<vmem_shared>>
      %dma_wait3A_331 = arith.constant 0 : i32
      %dma_wait3A_332 = tpu.memref_slice %arg31[%add3A_75, %dma_wait3A_331] : memref<10112x128xf32, #tpu.memory_space<vmem_shared>> -> memref<48x128xf32, #tpu.memory_space<vmem_shared>>
      tpu.wait_dma2 semaphore(%run_scoped3A : memref<!tpu.dma_semaphore, #tpu.memory_space<semaphore_mem>>) src(%arg26 : memref<48x128xf32, #tpu.memory_space<vmem>>) dst(%dma_wait3A_332 : memref<48x128xf32, #tpu.memory_space<vmem_shared>>)
      tpu.yield
    }) : () -> ()
    %mul3A_76 = arith.constant 632 : i32
    %mul3A_77 = arith.muli %arg1, %mul3A_76 : i32
    %add3A_78 = arith.constant 192 : i32
    %add3A_79 = arith.addi %mul3A_77, %add3A_78 : i32
    "tpu.region"() ({
      %run_scoped3A = tpu.sem_alloc : memref<!tpu.dma_semaphore, #tpu.memory_space<semaphore_mem>>
      %dma_start3A_325 = arith.constant 0 : i32
      %dma_start3A_326 = tpu.memref_slice %arg31[%add3A_79, %dma_start3A_325] : memref<10112x128xf32, #tpu.memory_space<vmem_shared>> -> memref<48x128xf32, #tpu.memory_space<vmem_shared>>
      %dma_start3A_327 = arith.constant 0 : i32
      %dma_start3A_328 = tpu.memref_slice %arg31[%add3A_79, %dma_start3A_327] : memref<10112x128xf32, #tpu.memory_space<vmem_shared>> -> memref<48x128xf32, #tpu.memory_space<vmem_shared>>
      tpu.enqueue_dma source(%arg26 : memref<48x128xf32, #tpu.memory_space<vmem>>) target(%dma_start3A_328 : memref<48x128xf32, #tpu.memory_space<vmem_shared>>) target_semaphore(%run_scoped3A : memref<!tpu.dma_semaphore, #tpu.memory_space<semaphore_mem>>)
      %dma_wait3A_329 = arith.constant 0 : i32
      %dma_wait3A_330 = tpu.memref_slice %arg31[%add3A_79, %dma_wait3A_329] : memref<10112x128xf32, #tpu.memory_space<vmem_shared>> -> memref<48x128xf32, #tpu.memory_space<vmem_shared>>
      %dma_wait3A_331 = arith.constant 0 : i32
      %dma_wait3A_332 = tpu.memref_slice %arg31[%add3A_79, %dma_wait3A_331] : memref<10112x128xf32, #tpu.memory_space<vmem_shared>> -> memref<48x128xf32, #tpu.memory_space<vmem_shared>>
      tpu.wait_dma2 semaphore(%run_scoped3A : memref<!tpu.dma_semaphore, #tpu.memory_space<semaphore_mem>>) src(%arg26 : memref<48x128xf32, #tpu.memory_space<vmem>>) dst(%dma_wait3A_332 : memref<48x128xf32, #tpu.memory_space<vmem_shared>>)
      tpu.yield
    }) : () -> ()
    %mul3A_80 = arith.constant 632 : i32
    %mul3A_81 = arith.muli %arg1, %mul3A_80 : i32
    %add3A_82 = arith.constant 240 : i32
    %add3A_83 = arith.addi %mul3A_81, %add3A_82 : i32
    "tpu.region"() ({
      %run_scoped3A = tpu.sem_alloc : memref<!tpu.dma_semaphore, #tpu.memory_space<semaphore_mem>>
      %dma_start3A_325 = arith.constant 0 : i32
      %dma_start3A_326 = tpu.memref_slice %arg31[%add3A_83, %dma_start3A_325] : memref<10112x128xf32, #tpu.memory_space<vmem_shared>> -> memref<48x128xf32, #tpu.memory_space<vmem_shared>>
      %dma_start3A_327 = arith.constant 0 : i32
      %dma_start3A_328 = tpu.memref_slice %arg31[%add3A_83, %dma_start3A_327] : memref<10112x128xf32, #tpu.memory_space<vmem_shared>> -> memref<48x128xf32, #tpu.memory_space<vmem_shared>>
      tpu.enqueue_dma source(%arg26 : memref<48x128xf32, #tpu.memory_space<vmem>>) target(%dma_start3A_328 : memref<48x128xf32, #tpu.memory_space<vmem_shared>>) target_semaphore(%run_scoped3A : memref<!tpu.dma_semaphore, #tpu.memory_space<semaphore_mem>>)
      %dma_wait3A_329 = arith.constant 0 : i32
      %dma_wait3A_330 = tpu.memref_slice %arg31[%add3A_83, %dma_wait3A_329] : memref<10112x128xf32, #tpu.memory_space<vmem_shared>> -> memref<48x128xf32, #tpu.memory_space<vmem_shared>>
      %dma_wait3A_331 = arith.constant 0 : i32
      %dma_wait3A_332 = tpu.memref_slice %arg31[%add3A_83, %dma_wait3A_331] : memref<10112x128xf32, #tpu.memory_space<vmem_shared>> -> memref<48x128xf32, #tpu.memory_space<vmem_shared>>
      tpu.wait_dma2 semaphore(%run_scoped3A : memref<!tpu.dma_semaphore, #tpu.memory_space<semaphore_mem>>) src(%arg26 : memref<48x128xf32, #tpu.memory_space<vmem>>) dst(%dma_wait3A_332 : memref<48x128xf32, #tpu.memory_space<vmem_shared>>)
      tpu.yield
    }) : () -> ()
    %mul3A_84 = arith.constant 632 : i32
    %mul3A_85 = arith.muli %arg1, %mul3A_84 : i32
    %add3A_86 = arith.constant 288 : i32
    %add3A_87 = arith.addi %mul3A_85, %add3A_86 : i32
    "tpu.region"() ({
      %run_scoped3A = tpu.sem_alloc : memref<!tpu.dma_semaphore, #tpu.memory_space<semaphore_mem>>
      %dma_start3A_325 = arith.constant 0 : i32
      %dma_start3A_326 = tpu.memref_slice %arg31[%add3A_87, %dma_start3A_325] : memref<10112x128xf32, #tpu.memory_space<vmem_shared>> -> memref<48x128xf32, #tpu.memory_space<vmem_shared>>
      %dma_start3A_327 = arith.constant 0 : i32
      %dma_start3A_328 = tpu.memref_slice %arg31[%add3A_87, %dma_start3A_327] : memref<10112x128xf32, #tpu.memory_space<vmem_shared>> -> memref<48x128xf32, #tpu.memory_space<vmem_shared>>
      tpu.enqueue_dma source(%arg26 : memref<48x128xf32, #tpu.memory_space<vmem>>) target(%dma_start3A_328 : memref<48x128xf32, #tpu.memory_space<vmem_shared>>) target_semaphore(%run_scoped3A : memref<!tpu.dma_semaphore, #tpu.memory_space<semaphore_mem>>)
      %dma_wait3A_329 = arith.constant 0 : i32
      %dma_wait3A_330 = tpu.memref_slice %arg31[%add3A_87, %dma_wait3A_329] : memref<10112x128xf32, #tpu.memory_space<vmem_shared>> -> memref<48x128xf32, #tpu.memory_space<vmem_shared>>
      %dma_wait3A_331 = arith.constant 0 : i32
      %dma_wait3A_332 = tpu.memref_slice %arg31[%add3A_87, %dma_wait3A_331] : memref<10112x128xf32, #tpu.memory_space<vmem_shared>> -> memref<48x128xf32, #tpu.memory_space<vmem_shared>>
      tpu.wait_dma2 semaphore(%run_scoped3A : memref<!tpu.dma_semaphore, #tpu.memory_space<semaphore_mem>>) src(%arg26 : memref<48x128xf32, #tpu.memory_space<vmem>>) dst(%dma_wait3A_332 : memref<48x128xf32, #tpu.memory_space<vmem_shared>>)
      tpu.yield
    }) : () -> ()
    %mul3A_88 = arith.constant 632 : i32
    %mul3A_89 = arith.muli %arg1, %mul3A_88 : i32
    %add3A_90 = arith.constant 336 : i32
    %add3A_91 = arith.addi %mul3A_89, %add3A_90 : i32
    "tpu.region"() ({
      %run_scoped3A = tpu.sem_alloc : memref<!tpu.dma_semaphore, #tpu.memory_space<semaphore_mem>>
      %dma_start3A_325 = arith.constant 0 : i32
      %dma_start3A_326 = tpu.memref_slice %arg31[%add3A_91, %dma_start3A_325] : memref<10112x128xf32, #tpu.memory_space<vmem_shared>> -> memref<48x128xf32, #tpu.memory_space<vmem_shared>>
      %dma_start3A_327 = arith.constant 0 : i32
      %dma_start3A_328 = tpu.memref_slice %arg31[%add3A_91, %dma_start3A_327] : memref<10112x128xf32, #tpu.memory_space<vmem_shared>> -> memref<48x128xf32, #tpu.memory_space<vmem_shared>>
      tpu.enqueue_dma source(%arg26 : memref<48x128xf32, #tpu.memory_space<vmem>>) target(%dma_start3A_328 : memref<48x128xf32, #tpu.memory_space<vmem_shared>>) target_semaphore(%run_scoped3A : memref<!tpu.dma_semaphore, #tpu.memory_space<semaphore_mem>>)
      %dma_wait3A_329 = arith.constant 0 : i32
      %dma_wait3A_330 = tpu.memref_slice %arg31[%add3A_91, %dma_wait3A_329] : memref<10112x128xf32, #tpu.memory_space<vmem_shared>> -> memref<48x128xf32, #tpu.memory_space<vmem_shared>>
      %dma_wait3A_331 = arith.constant 0 : i32
      %dma_wait3A_332 = tpu.memref_slice %arg31[%add3A_91, %dma_wait3A_331] : memref<10112x128xf32, #tpu.memory_space<vmem_shared>> -> memref<48x128xf32, #tpu.memory_space<vmem_shared>>
      tpu.wait_dma2 semaphore(%run_scoped3A : memref<!tpu.dma_semaphore, #tpu.memory_space<semaphore_mem>>) src(%arg26 : memref<48x128xf32, #tpu.memory_space<vmem>>) dst(%dma_wait3A_332 : memref<48x128xf32, #tpu.memory_space<vmem_shared>>)
      tpu.yield
    }) : () -> ()
    %mul3A_92 = arith.constant 632 : i32
    %mul3A_93 = arith.muli %arg1, %mul3A_92 : i32
    %add3A_94 = arith.constant 384 : i32
    %add3A_95 = arith.addi %mul3A_93, %add3A_94 : i32
    "tpu.region"() ({
      %run_scoped3A = tpu.sem_alloc : memref<!tpu.dma_semaphore, #tpu.memory_space<semaphore_mem>>
      %dma_start3A_325 = arith.constant 0 : i32
      %dma_start3A_326 = tpu.memref_slice %arg31[%add3A_95, %dma_start3A_325] : memref<10112x128xf32, #tpu.memory_space<vmem_shared>> -> memref<48x128xf32, #tpu.memory_space<vmem_shared>>
      %dma_start3A_327 = arith.constant 0 : i32
      %dma_start3A_328 = tpu.memref_slice %arg31[%add3A_95, %dma_start3A_327] : memref<10112x128xf32, #tpu.memory_space<vmem_shared>> -> memref<48x128xf32, #tpu.memory_space<vmem_shared>>
      tpu.enqueue_dma source(%arg26 : memref<48x128xf32, #tpu.memory_space<vmem>>) target(%dma_start3A_328 : memref<48x128xf32, #tpu.memory_space<vmem_shared>>) target_semaphore(%run_scoped3A : memref<!tpu.dma_semaphore, #tpu.memory_space<semaphore_mem>>)
      %dma_wait3A_329 = arith.constant 0 : i32
      %dma_wait3A_330 = tpu.memref_slice %arg31[%add3A_95, %dma_wait3A_329] : memref<10112x128xf32, #tpu.memory_space<vmem_shared>> -> memref<48x128xf32, #tpu.memory_space<vmem_shared>>
      %dma_wait3A_331 = arith.constant 0 : i32
      %dma_wait3A_332 = tpu.memref_slice %arg31[%add3A_95, %dma_wait3A_331] : memref<10112x128xf32, #tpu.memory_space<vmem_shared>> -> memref<48x128xf32, #tpu.memory_space<vmem_shared>>
      tpu.wait_dma2 semaphore(%run_scoped3A : memref<!tpu.dma_semaphore, #tpu.memory_space<semaphore_mem>>) src(%arg26 : memref<48x128xf32, #tpu.memory_space<vmem>>) dst(%dma_wait3A_332 : memref<48x128xf32, #tpu.memory_space<vmem_shared>>)
      tpu.yield
    }) : () -> ()
    %mul3A_96 = arith.constant 632 : i32
    %mul3A_97 = arith.muli %arg1, %mul3A_96 : i32
    %add3A_98 = arith.constant 432 : i32
    %add3A_99 = arith.addi %mul3A_97, %add3A_98 : i32
    "tpu.region"() ({
      %run_scoped3A = tpu.sem_alloc : memref<!tpu.dma_semaphore, #tpu.memory_space<semaphore_mem>>
      %dma_start3A_325 = arith.constant 0 : i32
      %dma_start3A_326 = tpu.memref_slice %arg31[%add3A_99, %dma_start3A_325] : memref<10112x128xf32, #tpu.memory_space<vmem_shared>> -> memref<48x128xf32, #tpu.memory_space<vmem_shared>>
      %dma_start3A_327 = arith.constant 0 : i32
      %dma_start3A_328 = tpu.memref_slice %arg31[%add3A_99, %dma_start3A_327] : memref<10112x128xf32, #tpu.memory_space<vmem_shared>> -> memref<48x128xf32, #tpu.memory_space<vmem_shared>>
      tpu.enqueue_dma source(%arg26 : memref<48x128xf32, #tpu.memory_space<vmem>>) target(%dma_start3A_328 : memref<48x128xf32, #tpu.memory_space<vmem_shared>>) target_semaphore(%run_scoped3A : memref<!tpu.dma_semaphore, #tpu.memory_space<semaphore_mem>>)
      %dma_wait3A_329 = arith.constant 0 : i32
      %dma_wait3A_330 = tpu.memref_slice %arg31[%add3A_99, %dma_wait3A_329] : memref<10112x128xf32, #tpu.memory_space<vmem_shared>> -> memref<48x128xf32, #tpu.memory_space<vmem_shared>>
      %dma_wait3A_331 = arith.constant 0 : i32
      %dma_wait3A_332 = tpu.memref_slice %arg31[%add3A_99, %dma_wait3A_331] : memref<10112x128xf32, #tpu.memory_space<vmem_shared>> -> memref<48x128xf32, #tpu.memory_space<vmem_shared>>
      tpu.wait_dma2 semaphore(%run_scoped3A : memref<!tpu.dma_semaphore, #tpu.memory_space<semaphore_mem>>) src(%arg26 : memref<48x128xf32, #tpu.memory_space<vmem>>) dst(%dma_wait3A_332 : memref<48x128xf32, #tpu.memory_space<vmem_shared>>)
      tpu.yield
    }) : () -> ()
    %mul3A_100 = arith.constant 632 : i32
    %mul3A_101 = arith.muli %arg1, %mul3A_100 : i32
    %add3A_102 = arith.constant 480 : i32
    %add3A_103 = arith.addi %mul3A_101, %add3A_102 : i32
    "tpu.region"() ({
      %run_scoped3A = tpu.sem_alloc : memref<!tpu.dma_semaphore, #tpu.memory_space<semaphore_mem>>
      %dma_start3A_325 = arith.constant 0 : i32
      %dma_start3A_326 = tpu.memref_slice %arg31[%add3A_103, %dma_start3A_325] : memref<10112x128xf32, #tpu.memory_space<vmem_shared>> -> memref<48x128xf32, #tpu.memory_space<vmem_shared>>
      %dma_start3A_327 = arith.constant 0 : i32
      %dma_start3A_328 = tpu.memref_slice %arg31[%add3A_103, %dma_start3A_327] : memref<10112x128xf32, #tpu.memory_space<vmem_shared>> -> memref<48x128xf32, #tpu.memory_space<vmem_shared>>
      tpu.enqueue_dma source(%arg26 : memref<48x128xf32, #tpu.memory_space<vmem>>) target(%dma_start3A_328 : memref<48x128xf32, #tpu.memory_space<vmem_shared>>) target_semaphore(%run_scoped3A : memref<!tpu.dma_semaphore, #tpu.memory_space<semaphore_mem>>)
      %dma_wait3A_329 = arith.constant 0 : i32
      %dma_wait3A_330 = tpu.memref_slice %arg31[%add3A_103, %dma_wait3A_329] : memref<10112x128xf32, #tpu.memory_space<vmem_shared>> -> memref<48x128xf32, #tpu.memory_space<vmem_shared>>
      %dma_wait3A_331 = arith.constant 0 : i32
      %dma_wait3A_332 = tpu.memref_slice %arg31[%add3A_103, %dma_wait3A_331] : memref<10112x128xf32, #tpu.memory_space<vmem_shared>> -> memref<48x128xf32, #tpu.memory_space<vmem_shared>>
      tpu.wait_dma2 semaphore(%run_scoped3A : memref<!tpu.dma_semaphore, #tpu.memory_space<semaphore_mem>>) src(%arg26 : memref<48x128xf32, #tpu.memory_space<vmem>>) dst(%dma_wait3A_332 : memref<48x128xf32, #tpu.memory_space<vmem_shared>>)
      tpu.yield
    }) : () -> ()
    %mul3A_104 = arith.constant 632 : i32
    %mul3A_105 = arith.muli %arg1, %mul3A_104 : i32
    %add3A_106 = arith.constant 528 : i32
    %add3A_107 = arith.addi %mul3A_105, %add3A_106 : i32
    "tpu.region"() ({
      %run_scoped3A = tpu.sem_alloc : memref<!tpu.dma_semaphore, #tpu.memory_space<semaphore_mem>>
      %dma_start3A_325 = arith.constant 0 : i32
      %dma_start3A_326 = tpu.memref_slice %arg31[%add3A_107, %dma_start3A_325] : memref<10112x128xf32, #tpu.memory_space<vmem_shared>> -> memref<48x128xf32, #tpu.memory_space<vmem_shared>>
      %dma_start3A_327 = arith.constant 0 : i32
      %dma_start3A_328 = tpu.memref_slice %arg31[%add3A_107, %dma_start3A_327] : memref<10112x128xf32, #tpu.memory_space<vmem_shared>> -> memref<48x128xf32, #tpu.memory_space<vmem_shared>>
      tpu.enqueue_dma source(%arg26 : memref<48x128xf32, #tpu.memory_space<vmem>>) target(%dma_start3A_328 : memref<48x128xf32, #tpu.memory_space<vmem_shared>>) target_semaphore(%run_scoped3A : memref<!tpu.dma_semaphore, #tpu.memory_space<semaphore_mem>>)
      %dma_wait3A_329 = arith.constant 0 : i32
      %dma_wait3A_330 = tpu.memref_slice %arg31[%add3A_107, %dma_wait3A_329] : memref<10112x128xf32, #tpu.memory_space<vmem_shared>> -> memref<48x128xf32, #tpu.memory_space<vmem_shared>>
      %dma_wait3A_331 = arith.constant 0 : i32
      %dma_wait3A_332 = tpu.memref_slice %arg31[%add3A_107, %dma_wait3A_331] : memref<10112x128xf32, #tpu.memory_space<vmem_shared>> -> memref<48x128xf32, #tpu.memory_space<vmem_shared>>
      tpu.wait_dma2 semaphore(%run_scoped3A : memref<!tpu.dma_semaphore, #tpu.memory_space<semaphore_mem>>) src(%arg26 : memref<48x128xf32, #tpu.memory_space<vmem>>) dst(%dma_wait3A_332 : memref<48x128xf32, #tpu.memory_space<vmem_shared>>)
      tpu.yield
    }) : () -> ()
    %mul3A_108 = arith.constant 632 : i32
    %mul3A_109 = arith.muli %arg1, %mul3A_108 : i32
    %add3A_110 = arith.constant 576 : i32
    %add3A_111 = arith.addi %mul3A_109, %add3A_110 : i32
    "tpu.region"() ({
      %run_scoped3A = tpu.sem_alloc : memref<!tpu.dma_semaphore, #tpu.memory_space<semaphore_mem>>
      %dma_start3A_325 = arith.constant 0 : i32
      %dma_start3A_326 = tpu.memref_slice %arg31[%add3A_111, %dma_start3A_325] : memref<10112x128xf32, #tpu.memory_space<vmem_shared>> -> memref<48x128xf32, #tpu.memory_space<vmem_shared>>
      %dma_start3A_327 = arith.constant 0 : i32
      %dma_start3A_328 = tpu.memref_slice %arg31[%add3A_111, %dma_start3A_327] : memref<10112x128xf32, #tpu.memory_space<vmem_shared>> -> memref<48x128xf32, #tpu.memory_space<vmem_shared>>
      tpu.enqueue_dma source(%arg26 : memref<48x128xf32, #tpu.memory_space<vmem>>) target(%dma_start3A_328 : memref<48x128xf32, #tpu.memory_space<vmem_shared>>) target_semaphore(%run_scoped3A : memref<!tpu.dma_semaphore, #tpu.memory_space<semaphore_mem>>)
      %dma_wait3A_329 = arith.constant 0 : i32
      %dma_wait3A_330 = tpu.memref_slice %arg31[%add3A_111, %dma_wait3A_329] : memref<10112x128xf32, #tpu.memory_space<vmem_shared>> -> memref<48x128xf32, #tpu.memory_space<vmem_shared>>
      %dma_wait3A_331 = arith.constant 0 : i32
      %dma_wait3A_332 = tpu.memref_slice %arg31[%add3A_111, %dma_wait3A_331] : memref<10112x128xf32, #tpu.memory_space<vmem_shared>> -> memref<48x128xf32, #tpu.memory_space<vmem_shared>>
      tpu.wait_dma2 semaphore(%run_scoped3A : memref<!tpu.dma_semaphore, #tpu.memory_space<semaphore_mem>>) src(%arg26 : memref<48x128xf32, #tpu.memory_space<vmem>>) dst(%dma_wait3A_332 : memref<48x128xf32, #tpu.memory_space<vmem_shared>>)
      tpu.yield
    }) : () -> ()
    %mul3A_112 = arith.constant 632 : i32
    %mul3A_113 = arith.muli %arg1, %mul3A_112 : i32
    %add3A_114 = arith.constant 624 : i32
    %add3A_115 = arith.addi %mul3A_113, %add3A_114 : i32
    "tpu.region"() ({
      %run_scoped3A = tpu.sem_alloc : memref<!tpu.dma_semaphore, #tpu.memory_space<semaphore_mem>>
      %dma_start3A_325 = arith.constant 0 : i32
      %dma_start3A_326 = arith.constant 0 : i32
      %dma_start3A_327 = tpu.memref_slice %arg26[%dma_start3A_325, %dma_start3A_326] : memref<48x128xf32, #tpu.memory_space<vmem>> -> memref<8x128xf32, #tpu.memory_space<vmem>>
      %dma_start3A_328 = arith.constant 0 : i32
      %dma_start3A_329 = tpu.memref_slice %arg31[%add3A_115, %dma_start3A_328] : memref<10112x128xf32, #tpu.memory_space<vmem_shared>> -> memref<8x128xf32, #tpu.memory_space<vmem_shared>>
      %dma_start3A_330 = arith.constant 0 : i32
      %dma_start3A_331 = tpu.memref_slice %arg31[%add3A_115, %dma_start3A_330] : memref<10112x128xf32, #tpu.memory_space<vmem_shared>> -> memref<8x128xf32, #tpu.memory_space<vmem_shared>>
      %dma_start3A_332 = arith.constant 0 : i32
      %dma_start3A_333 = arith.constant 0 : i32
      %dma_start3A_334 = tpu.memref_slice %arg26[%dma_start3A_332, %dma_start3A_333] : memref<48x128xf32, #tpu.memory_space<vmem>> -> memref<8x128xf32, #tpu.memory_space<vmem>>
      tpu.enqueue_dma source(%dma_start3A_334 : memref<8x128xf32, #tpu.memory_space<vmem>>) target(%dma_start3A_331 : memref<8x128xf32, #tpu.memory_space<vmem_shared>>) target_semaphore(%run_scoped3A : memref<!tpu.dma_semaphore, #tpu.memory_space<semaphore_mem>>)
      %dma_wait3A_335 = arith.constant 0 : i32
      %dma_wait3A_336 = arith.constant 0 : i32
      %dma_wait3A_337 = tpu.memref_slice %arg26[%dma_wait3A_335, %dma_wait3A_336] : memref<48x128xf32, #tpu.memory_space<vmem>> -> memref<8x128xf32, #tpu.memory_space<vmem>>
      %dma_wait3A_338 = arith.constant 0 : i32
      %dma_wait3A_339 = tpu.memref_slice %arg31[%add3A_115, %dma_wait3A_338] : memref<10112x128xf32, #tpu.memory_space<vmem_shared>> -> memref<8x128xf32, #tpu.memory_space<vmem_shared>>
      %dma_wait3A_340 = arith.constant 0 : i32
      %dma_wait3A_341 = tpu.memref_slice %arg31[%add3A_115, %dma_wait3A_340] : memref<10112x128xf32, #tpu.memory_space<vmem_shared>> -> memref<8x128xf32, #tpu.memory_space<vmem_shared>>
      %dma_wait3A_342 = arith.constant 0 : i32
      %dma_wait3A_343 = arith.constant 0 : i32
      %dma_wait3A_344 = tpu.memref_slice %arg26[%dma_wait3A_342, %dma_wait3A_343] : memref<48x128xf32, #tpu.memory_space<vmem>> -> memref<8x128xf32, #tpu.memory_space<vmem>>
      tpu.wait_dma2 semaphore(%run_scoped3A : memref<!tpu.dma_semaphore, #tpu.memory_space<semaphore_mem>>) src(%dma_wait3A_344 : memref<8x128xf32, #tpu.memory_space<vmem>>) dst(%dma_wait3A_341 : memref<8x128xf32, #tpu.memory_space<vmem_shared>>)
      tpu.yield
    }) : () -> ()
    %barrier3A = arith.constant 0 : index
    tpu.barrier barrier_id(%barrier3A)
    %mul3A_116 = arith.constant 10000 : i32
    %mul3A_117 = arith.muli %add3A, %mul3A_116 : i32
    %scan3A_118 = arith.constant 0 : i32
    %scan3A_119 = arith.constant 0 : i32
    %scan3A_120 = arith.constant 208 : i32
    %scan3A_121 = arith.addi %scan3A_119, %scan3A_120 : i32
    %scan3A_122 = arith.constant 1 : i32
    scf.for %scan3A_325 = %scan3A_119 to %scan3A_121 step %scan3A_122  : i32 {
      %mul3A_326 = arith.constant 48 : i32
      %mul3A_327 = arith.muli %scan3A_325, %mul3A_326 : i32
      %add3A_328 = arith.addi %mul3A_117, %mul3A_327 : i32
      %dma_start3A_329 = tpu.memref_slice %arg9[%add3A_328] : memref<320000xi32, #tpu.memory_space<hbm>> -> memref<48xi32, #tpu.memory_space<hbm>>
      %dma_start3A_330 = tpu.memref_slice %arg9[%add3A_328] : memref<320000xi32, #tpu.memory_space<hbm>> -> memref<48xi32, #tpu.memory_space<hbm>>
      tpu.enqueue_dma source(%dma_start3A_330 : memref<48xi32, #tpu.memory_space<hbm>>) target(%arg18 : memref<48xi32, #tpu.memory_space<vmem>>) target_semaphore(%arg32 : memref<!tpu.dma_semaphore, #tpu.memory_space<semaphore_mem>>)
      %dma_start3A_331 = tpu.memref_slice %arg10[%add3A_328] : memref<320000xi32, #tpu.memory_space<hbm>> -> memref<48xi32, #tpu.memory_space<hbm>>
      %dma_start3A_332 = tpu.memref_slice %arg10[%add3A_328] : memref<320000xi32, #tpu.memory_space<hbm>> -> memref<48xi32, #tpu.memory_space<hbm>>
      tpu.enqueue_dma source(%dma_start3A_332 : memref<48xi32, #tpu.memory_space<hbm>>) target(%arg19 : memref<48xi32, #tpu.memory_space<vmem>>) target_semaphore(%arg32 : memref<!tpu.dma_semaphore, #tpu.memory_space<semaphore_mem>>)
      %dma_start3A_333 = tpu.memref_slice %arg7[%add3A_328] : memref<320000xf32, #tpu.memory_space<hbm>> -> memref<48xf32, #tpu.memory_space<hbm>>
      %dma_start3A_334 = tpu.memref_slice %arg7[%add3A_328] : memref<320000xf32, #tpu.memory_space<hbm>> -> memref<48xf32, #tpu.memory_space<hbm>>
      tpu.enqueue_dma source(%dma_start3A_334 : memref<48xf32, #tpu.memory_space<hbm>>) target(%arg22 : memref<48xf32, #tpu.memory_space<vmem>>) target_semaphore(%arg32 : memref<!tpu.dma_semaphore, #tpu.memory_space<semaphore_mem>>)
      %dma_start3A_335 = tpu.memref_slice %arg8[%add3A_328] : memref<320000xf32, #tpu.memory_space<hbm>> -> memref<48xf32, #tpu.memory_space<hbm>>
      %dma_start3A_336 = tpu.memref_slice %arg8[%add3A_328] : memref<320000xf32, #tpu.memory_space<hbm>> -> memref<48xf32, #tpu.memory_space<hbm>>
      tpu.enqueue_dma source(%dma_start3A_336 : memref<48xf32, #tpu.memory_space<hbm>>) target(%arg23 : memref<48xf32, #tpu.memory_space<vmem>>) target_semaphore(%arg32 : memref<!tpu.dma_semaphore, #tpu.memory_space<semaphore_mem>>)
      %dma_start3A_337 = arith.constant 0 : i32
      %dma_start3A_338 = tpu.memref_slice %arg6[%add3A_328, %dma_start3A_337] : memref<320000x128xf32, #tpu.memory_space<hbm>> -> memref<48x128xf32, #tpu.memory_space<hbm>>
      %dma_start3A_339 = arith.constant 0 : i32
      %dma_start3A_340 = tpu.memref_slice %arg6[%add3A_328, %dma_start3A_339] : memref<320000x128xf32, #tpu.memory_space<hbm>> -> memref<48x128xf32, #tpu.memory_space<hbm>>
      tpu.enqueue_dma source(%dma_start3A_340 : memref<48x128xf32, #tpu.memory_space<hbm>>) target(%arg26 : memref<48x128xf32, #tpu.memory_space<vmem>>) target_semaphore(%arg32 : memref<!tpu.dma_semaphore, #tpu.memory_space<semaphore_mem>>)
      %dma_wait3A_341 = tpu.memref_slice %arg9[%add3A_328] : memref<320000xi32, #tpu.memory_space<hbm>> -> memref<48xi32, #tpu.memory_space<hbm>>
      %dma_wait3A_342 = tpu.memref_slice %arg9[%add3A_328] : memref<320000xi32, #tpu.memory_space<hbm>> -> memref<48xi32, #tpu.memory_space<hbm>>
      tpu.wait_dma2 semaphore(%arg32 : memref<!tpu.dma_semaphore, #tpu.memory_space<semaphore_mem>>) src(%dma_wait3A_342 : memref<48xi32, #tpu.memory_space<hbm>>) dst(%arg18 : memref<48xi32, #tpu.memory_space<vmem>>)
      %dma_wait3A_343 = tpu.memref_slice %arg10[%add3A_328] : memref<320000xi32, #tpu.memory_space<hbm>> -> memref<48xi32, #tpu.memory_space<hbm>>
      %dma_wait3A_344 = tpu.memref_slice %arg10[%add3A_328] : memref<320000xi32, #tpu.memory_space<hbm>> -> memref<48xi32, #tpu.memory_space<hbm>>
      tpu.wait_dma2 semaphore(%arg32 : memref<!tpu.dma_semaphore, #tpu.memory_space<semaphore_mem>>) src(%dma_wait3A_344 : memref<48xi32, #tpu.memory_space<hbm>>) dst(%arg19 : memref<48xi32, #tpu.memory_space<vmem>>)
      %dma_start3A_345 = arith.constant 0 : i32
      %dma_start3A_346 = arith.constant 0 : i32
      %dma_start3A_347 = tpu.memref_slice %arg2[%dma_start3A_345, %dma_start3A_346] : memref<10000x128xf32, #tpu.memory_space<hbm>> -> memref<10000x128xf32, #tpu.memory_space<hbm>>
      tpu.enqueue_indirect_dma source(%dma_start3A_347 : memref<10000x128xf32, #tpu.memory_space<hbm>>) target(%arg24 : memref<48x128xf32, #tpu.memory_space<vmem>>) offsets(%arg18 : memref<48xi32, #tpu.memory_space<vmem>>) semaphore(%arg33 : memref<!tpu.dma_semaphore, #tpu.memory_space<semaphore_mem>>)
      %dma_start3A_348 = arith.constant 0 : i32
      %dma_start3A_349 = arith.constant 0 : i32
      %dma_start3A_350 = tpu.memref_slice %arg3[%dma_start3A_348, %dma_start3A_349] : memref<10000x128xf32, #tpu.memory_space<hbm>> -> memref<10000x128xf32, #tpu.memory_space<hbm>>
      tpu.enqueue_indirect_dma source(%dma_start3A_350 : memref<10000x128xf32, #tpu.memory_space<hbm>>) target(%arg25 : memref<48x128xf32, #tpu.memory_space<vmem>>) offsets(%arg19 : memref<48xi32, #tpu.memory_space<vmem>>) semaphore(%arg33 : memref<!tpu.dma_semaphore, #tpu.memory_space<semaphore_mem>>)
      %dma_wait3A_351 = tpu.memref_slice %arg7[%add3A_328] : memref<320000xf32, #tpu.memory_space<hbm>> -> memref<48xf32, #tpu.memory_space<hbm>>
      %dma_wait3A_352 = tpu.memref_slice %arg7[%add3A_328] : memref<320000xf32, #tpu.memory_space<hbm>> -> memref<48xf32, #tpu.memory_space<hbm>>
      tpu.wait_dma2 semaphore(%arg32 : memref<!tpu.dma_semaphore, #tpu.memory_space<semaphore_mem>>) src(%dma_wait3A_352 : memref<48xf32, #tpu.memory_space<hbm>>) dst(%arg22 : memref<48xf32, #tpu.memory_space<vmem>>)
      %dma_wait3A_353 = tpu.memref_slice %arg8[%add3A_328] : memref<320000xf32, #tpu.memory_space<hbm>> -> memref<48xf32, #tpu.memory_space<hbm>>
      %dma_wait3A_354 = tpu.memref_slice %arg8[%add3A_328] : memref<320000xf32, #tpu.memory_space<hbm>> -> memref<48xf32, #tpu.memory_space<hbm>>
      tpu.wait_dma2 semaphore(%arg32 : memref<!tpu.dma_semaphore, #tpu.memory_space<semaphore_mem>>) src(%dma_wait3A_354 : memref<48xf32, #tpu.memory_space<hbm>>) dst(%arg23 : memref<48xf32, #tpu.memory_space<vmem>>)
      %scan3A_355 = arith.constant 0 : i32
      %scan3A_356 = arith.constant 0 : i32
      %scan3A_357 = arith.constant 3 : i32
      %scan3A_358 = arith.addi %scan3A_356, %scan3A_357 : i32
      %scan3A_359 = arith.constant 1 : i32
      scf.for %scan3A_377 = %scan3A_356 to %scan3A_358 step %scan3A_359  : i32 {
        %mul3A_378 = arith.constant 16 : i32
        %mul3A_379 = arith.muli %scan3A_377, %mul3A_378 : i32
        %get3A_380 = arith.index_cast %mul3A_379 : i32 to index
        %get3A_381 = tpu.vector_load %arg18[%get3A_380] {strides = array<i32>} : memref<48xi32, #tpu.memory_space<vmem>>, vector<16xi32>,
        %mul3A_382 = arith.constant 16 : i32
        %mul3A_383 = arith.muli %scan3A_377, %mul3A_382 : i32
        %get3A_384 = arith.index_cast %mul3A_383 : i32 to index
        %get3A_385 = tpu.vector_load %arg19[%get3A_384] {strides = array<i32>} : memref<48xi32, #tpu.memory_space<vmem>>, vector<16xi32>,
        %gather3A_386 = tpu.vector_load_idx %arg16[%get3A_381] : memref<10000xf32, #tpu.memory_space<vmem>>[vector<16xi32>], vector<16xf32>,
        %gather3A_387 = tpu.vector_load_idx %arg17[%get3A_381] : memref<10000xf32, #tpu.memory_space<vmem>>[vector<16xi32>], vector<16xf32>,
        %gather3A_388 = tpu.vector_load_idx %arg16[%get3A_385] : memref<10000xf32, #tpu.memory_space<vmem>>[vector<16xi32>], vector<16xf32>,
        %gather3A_389 = tpu.vector_load_idx %arg17[%get3A_385] : memref<10000xf32, #tpu.memory_space<vmem>>[vector<16xi32>], vector<16xf32>,
        %mul3A_390 = arith.constant 16 : i32
        %mul3A_391 = arith.muli %scan3A_377, %mul3A_390 : i32
        %get3A_392 = arith.index_cast %mul3A_391 : i32 to index
        %get3A_393 = tpu.vector_load %arg22[%get3A_392] {strides = array<i32>} : memref<48xf32, #tpu.memory_space<vmem>>, vector<16xf32>,
        %add3A_394 = arith.addf %gather3A_386, %get3A_393 : vector<16xf32>
        %add3A_395 = arith.addf %add3A_394, %gather3A_388 : vector<16xf32>
        %mul3A_396 = arith.constant 0.0036764706 : f32
        %mul3A_397 = vector.broadcast %mul3A_396 : f32 to vector<16xf32>
        %mul3A_398 = arith.mulf %add3A_395, %mul3A_397 : vector<16xf32>
        %mul3A_399 = arith.constant 16 : i32
        %mul3A_400 = arith.muli %scan3A_377, %mul3A_399 : i32
        %get3A_401 = arith.index_cast %mul3A_400 : i32 to index
        %get3A_402 = tpu.vector_load %arg23[%get3A_401] {strides = array<i32>} : memref<48xf32, #tpu.memory_space<vmem>>, vector<16xf32>,
        %add3A_403 = arith.addf %gather3A_387, %get3A_402 : vector<16xf32>
        %add3A_404 = arith.addf %add3A_403, %gather3A_389 : vector<16xf32>
        %mul3A_405 = arith.constant 0.0036764706 : f32
        %mul3A_406 = vector.broadcast %mul3A_405 : f32 to vector<16xf32>
        %mul3A_407 = arith.mulf %add3A_404, %mul3A_406 : vector<16xf32>
        %mul3A_408 = arith.mulf %mul3A_398, %mul3A_398 : vector<16xf32>
        %sub3A_409 = arith.subf %mul3A_407, %mul3A_408 : vector<16xf32>
        %add3A_410 = arith.constant 9.99999974E-6 : f32
        %add3A_411 = vector.broadcast %add3A_410 : f32 to vector<16xf32>
        %add3A_412 = arith.addf %sub3A_409, %add3A_411 : vector<16xf32>
        %bitcast3A_413 = vector.bitcast %add3A_412 : vector<16xf32> to vector<16xi32>
        %broadcast_in_dim3A_414 = arith.constant 1597463007 : i32
        %broadcast_in_dim3A_415 = vector.broadcast %broadcast_in_dim3A_414 : i32 to vector<16xi32>
        %shift_right_arithmetic3A_416 = arith.constant 1 : i32
        %shift_right_arithmetic3A_417 = vector.broadcast %shift_right_arithmetic3A_416 : i32 to vector<16xi32>
        %shift_right_arithmetic3A_418 = arith.shrsi %bitcast3A_413, %shift_right_arithmetic3A_417 : vector<16xi32>
        %sub3A_419 = arith.subi %broadcast_in_dim3A_415, %shift_right_arithmetic3A_418 : vector<16xi32>
        %bitcast3A_420 = vector.bitcast %sub3A_419 : vector<16xi32> to vector<16xf32>
        %mul3A_421 = arith.constant 5.000000e-01 : f32
        %mul3A_422 = vector.broadcast %mul3A_421 : f32 to vector<16xf32>
        %mul3A_423 = arith.mulf %mul3A_422, %add3A_412 : vector<16xf32>
        %mul3A_424 = arith.mulf %mul3A_423, %bitcast3A_420 : vector<16xf32>
        %mul3A_425 = arith.mulf %mul3A_424, %bitcast3A_420 : vector<16xf32>
        %sub3A_426 = arith.constant 1.500000e+00 : f32
        %sub3A_427 = vector.broadcast %sub3A_426 : f32 to vector<16xf32>
        %sub3A_428 = arith.subf %sub3A_427, %mul3A_425 : vector<16xf32>
        %mul3A_429 = arith.mulf %bitcast3A_420, %sub3A_428 : vector<16xf32>
        %mul3A_430 = arith.constant 5.000000e-01 : f32
        %mul3A_431 = vector.broadcast %mul3A_430 : f32 to vector<16xf32>
        %mul3A_432 = arith.mulf %mul3A_431, %add3A_412 : vector<16xf32>
        %mul3A_433 = arith.mulf %mul3A_432, %mul3A_429 : vector<16xf32>
        %mul3A_434 = arith.mulf %mul3A_433, %mul3A_429 : vector<16xf32>
        %sub3A_435 = arith.constant 1.500000e+00 : f32
        %sub3A_436 = vector.broadcast %sub3A_435 : f32 to vector<16xf32>
        %sub3A_437 = arith.subf %sub3A_436, %mul3A_434 : vector<16xf32>
        %mul3A_438 = arith.mulf %mul3A_429, %sub3A_437 : vector<16xf32>
        %mul3A_439 = arith.constant 5.000000e-01 : f32
        %mul3A_440 = vector.broadcast %mul3A_439 : f32 to vector<16xf32>
        %mul3A_441 = arith.mulf %mul3A_440, %add3A_412 : vector<16xf32>
        %mul3A_442 = arith.mulf %mul3A_441, %mul3A_438 : vector<16xf32>
        %mul3A_443 = arith.mulf %mul3A_442, %mul3A_438 : vector<16xf32>
        %sub3A_444 = arith.constant 1.500000e+00 : f32
        %sub3A_445 = vector.broadcast %sub3A_444 : f32 to vector<16xf32>
        %sub3A_446 = arith.subf %sub3A_445, %mul3A_443 : vector<16xf32>
        %mul3A_447 = arith.mulf %mul3A_438, %sub3A_446 : vector<16xf32>
        %mul3A_448 = arith.constant 16 : i32
        %mul3A_449 = arith.muli %scan3A_377, %mul3A_448 : i32
        %swap3A_450 = arith.index_cast %mul3A_449 : i32 to index
        %swap3A_451 = tpu.vector_load %arg22[%swap3A_450] {strides = array<i32>} : memref<48xf32, #tpu.memory_space<vmem>>, vector<16xf32>,
        tpu.vector_store %arg22[%swap3A_450], %mul3A_398 {strides = array<i32>} : memref<48xf32, #tpu.memory_space<vmem>>, vector<16xf32>,
        %mul3A_452 = arith.mulf %add3A_412, %mul3A_447 : vector<16xf32>
        %mul3A_453 = arith.constant 16 : i32
        %mul3A_454 = arith.muli %scan3A_377, %mul3A_453 : i32
        %swap3A_455 = arith.index_cast %mul3A_454 : i32 to index
        %swap3A_456 = tpu.vector_load %arg23[%swap3A_455] {strides = array<i32>} : memref<48xf32, #tpu.memory_space<vmem>>, vector<16xf32>,
        tpu.vector_store %arg23[%swap3A_455], %mul3A_452 {strides = array<i32>} : memref<48xf32, #tpu.memory_space<vmem>>, vector<16xf32>,
      }
      %scan3A_360 = arith.constant 3 : i32
      %dma_wait3A_361 = arith.constant 0 : i32
      %dma_wait3A_362 = tpu.memref_slice %arg6[%add3A_328, %dma_wait3A_361] : memref<320000x128xf32, #tpu.memory_space<hbm>> -> memref<48x128xf32, #tpu.memory_space<hbm>>
      %dma_wait3A_363 = arith.constant 0 : i32
      %dma_wait3A_364 = tpu.memref_slice %arg6[%add3A_328, %dma_wait3A_363] : memref<320000x128xf32, #tpu.memory_space<hbm>> -> memref<48x128xf32, #tpu.memory_space<hbm>>
      tpu.wait_dma2 semaphore(%arg32 : memref<!tpu.dma_semaphore, #tpu.memory_space<semaphore_mem>>) src(%dma_wait3A_364 : memref<48x128xf32, #tpu.memory_space<hbm>>) dst(%arg26 : memref<48x128xf32, #tpu.memory_space<vmem>>)
      %dma_wait3A_365 = arith.constant 0 : i32
      %dma_wait3A_366 = arith.constant 0 : i32
      %dma_wait3A_367 = tpu.memref_slice %arg2[%dma_wait3A_365, %dma_wait3A_366] : memref<10000x128xf32, #tpu.memory_space<hbm>> -> memref<10000x128xf32, #tpu.memory_space<hbm>>
      tpu.wait_indirect_dma semaphore(%arg33 : memref<!tpu.dma_semaphore, #tpu.memory_space<semaphore_mem>>) src(%dma_wait3A_367 : memref<10000x128xf32, #tpu.memory_space<hbm>>) dst(%arg24 : memref<48x128xf32, #tpu.memory_space<vmem>>)
      %dma_wait3A_368 = arith.constant 0 : i32
      %dma_wait3A_369 = arith.constant 0 : i32
      %dma_wait3A_370 = tpu.memref_slice %arg3[%dma_wait3A_368, %dma_wait3A_369] : memref<10000x128xf32, #tpu.memory_space<hbm>> -> memref<10000x128xf32, #tpu.memory_space<hbm>>
      tpu.wait_indirect_dma semaphore(%arg33 : memref<!tpu.dma_semaphore, #tpu.memory_space<semaphore_mem>>) src(%dma_wait3A_370 : memref<10000x128xf32, #tpu.memory_space<hbm>>) dst(%arg25 : memref<48x128xf32, #tpu.memory_space<vmem>>)
      %scan3A_371 = arith.constant 0 : i32
      %scan3A_372 = arith.constant 0 : i32
      %scan3A_373 = arith.constant 3 : i32
      %scan3A_374 = arith.addi %scan3A_372, %scan3A_373 : i32
      %scan3A_375 = arith.constant 1 : i32
      scf.for %scan3A_377 = %scan3A_372 to %scan3A_374 step %scan3A_375  : i32 {
        %mul3A_378 = arith.constant 16 : i32
        %mul3A_379 = arith.muli %scan3A_377, %mul3A_378 : i32
        %get3A_380 = arith.index_cast %mul3A_379 : i32 to index
        %get3A_381 = tpu.vector_load %arg19[%get3A_380] {strides = array<i32>} : memref<48xi32, #tpu.memory_space<vmem>>, vector<16xi32>,
        %mul3A_382 = arith.constant 16 : i32
        %mul3A_383 = arith.muli %scan3A_377, %mul3A_382 : i32
        %get3A_384 = arith.index_cast %mul3A_383 : i32 to index
        %get3A_385 = tpu.vector_load %arg22[%get3A_384] {strides = array<i32>} : memref<48xf32, #tpu.memory_space<vmem>>, vector<16xf32>,
        %mul3A_386 = arith.constant 16 : i32
        %mul3A_387 = arith.muli %scan3A_377, %mul3A_386 : i32
        %get3A_388 = arith.index_cast %mul3A_387 : i32 to index
        %get3A_389 = tpu.vector_load %arg23[%get3A_388] {strides = array<i32>} : memref<48xf32, #tpu.memory_space<vmem>>, vector<16xf32>,
        %mul3A_390 = arith.mulf %get3A_389, %get3A_389 : vector<16xf32>
        %bitcast3A_391 = vector.bitcast %mul3A_390 : vector<16xf32> to vector<16xi32>
        %broadcast_in_dim3A_392 = arith.constant 1597463007 : i32
        %broadcast_in_dim3A_393 = vector.broadcast %broadcast_in_dim3A_392 : i32 to vector<16xi32>
        %shift_right_arithmetic3A_394 = arith.constant 1 : i32
        %shift_right_arithmetic3A_395 = vector.broadcast %shift_right_arithmetic3A_394 : i32 to vector<16xi32>
        %shift_right_arithmetic3A_396 = arith.shrsi %bitcast3A_391, %shift_right_arithmetic3A_395 : vector<16xi32>
        %sub3A_397 = arith.subi %broadcast_in_dim3A_393, %shift_right_arithmetic3A_396 : vector<16xi32>
        %bitcast3A_398 = vector.bitcast %sub3A_397 : vector<16xi32> to vector<16xf32>
        %mul3A_399 = arith.constant 5.000000e-01 : f32
        %mul3A_400 = vector.broadcast %mul3A_399 : f32 to vector<16xf32>
        %mul3A_401 = arith.mulf %mul3A_400, %mul3A_390 : vector<16xf32>
        %mul3A_402 = arith.mulf %mul3A_401, %bitcast3A_398 : vector<16xf32>
        %mul3A_403 = arith.mulf %mul3A_402, %bitcast3A_398 : vector<16xf32>
        %sub3A_404 = arith.constant 1.500000e+00 : f32
        %sub3A_405 = vector.broadcast %sub3A_404 : f32 to vector<16xf32>
        %sub3A_406 = arith.subf %sub3A_405, %mul3A_403 : vector<16xf32>
        %mul3A_407 = arith.mulf %bitcast3A_398, %sub3A_406 : vector<16xf32>
        %mul3A_408 = arith.constant 5.000000e-01 : f32
        %mul3A_409 = vector.broadcast %mul3A_408 : f32 to vector<16xf32>
        %mul3A_410 = arith.mulf %mul3A_409, %mul3A_390 : vector<16xf32>
        %mul3A_411 = arith.mulf %mul3A_410, %mul3A_407 : vector<16xf32>
        %mul3A_412 = arith.mulf %mul3A_411, %mul3A_407 : vector<16xf32>
        %sub3A_413 = arith.constant 1.500000e+00 : f32
        %sub3A_414 = vector.broadcast %sub3A_413 : f32 to vector<16xf32>
        %sub3A_415 = arith.subf %sub3A_414, %mul3A_412 : vector<16xf32>
        %mul3A_416 = arith.mulf %mul3A_407, %sub3A_415 : vector<16xf32>
        %mul3A_417 = arith.constant 5.000000e-01 : f32
        %mul3A_418 = vector.broadcast %mul3A_417 : f32 to vector<16xf32>
        %mul3A_419 = arith.mulf %mul3A_418, %mul3A_390 : vector<16xf32>
        %mul3A_420 = arith.mulf %mul3A_419, %mul3A_416 : vector<16xf32>
        %mul3A_421 = arith.mulf %mul3A_420, %mul3A_416 : vector<16xf32>
        %sub3A_422 = arith.constant 1.500000e+00 : f32
        %sub3A_423 = vector.broadcast %sub3A_422 : f32 to vector<16xf32>
        %sub3A_424 = arith.subf %sub3A_423, %mul3A_421 : vector<16xf32>
        %mul3A_425 = arith.mulf %mul3A_416, %sub3A_424 : vector<16xf32>
        %broadcast_in_dim3A_426 = arith.constant 0.000000e+00 : f32
        %broadcast_in_dim3A_427 = vector.broadcast %broadcast_in_dim3A_426 : f32 to vector<16xf32>
        %scan3A_428 = arith.constant 0 : i32
        %scan3A_429 = arith.constant 16 : i32
        %scan3A_430 = arith.addi %scan3A_428, %scan3A_429 : i32
        %scan3A_431 = arith.constant 1 : i32
        %scan3A_432 = scf.for %scan3A_443 = %scan3A_428 to %scan3A_430 step %scan3A_431 iter_args(%scan3A_444 = %broadcast_in_dim3A_427) -> (vector<16xf32>)  : i32 {
          %mul3A_445 = arith.constant 16 : i32
          %mul3A_446 = arith.muli %scan3A_377, %mul3A_445 : i32
          %add3A_447 = arith.addi %mul3A_446, %scan3A_443 : i32
          %broadcast_in_dim3A_448 = vector.broadcast %scan3A_443 : i32 to vector<16xi32>
          %lt3A = arith.constant 0 : i32
          %lt3A_449 = vector.broadcast %lt3A : i32 to vector<16xi32>
          %lt3A_450 = arith.cmpi slt, %broadcast_in_dim3A_448, %lt3A_449 : vector<16xi32>
          %add3A_451 = arith.constant 16 : i32
          %add3A_452 = vector.broadcast %add3A_451 : i32 to vector<16xi32>
          %add3A_453 = arith.addi %broadcast_in_dim3A_448, %add3A_452 : vector<16xi32>
          %select_n3A = arith.select %lt3A_450, %add3A_453, %broadcast_in_dim3A_448 : vector<16xi1>, vector<16xi32>
          %broadcast_in_dim3A_454 = vector.shape_cast %select_n3A : vector<16xi32> to vector<16x1xi32>
          %gather3A_455 = vector.shape_cast %broadcast_in_dim3A_454 : vector<16x1xi32> to vector<16xi32>
          %gather3A_456 = tpu.dynamic_gather %get3A_385[%gather3A_455] in [0] : vector<16xf32>, vector<16xi32> -> vector<16xf32>
          %broadcast_in_dim3A_457 = vector.broadcast %scan3A_443 : i32 to vector<16xi32>
          %lt3A_458 = arith.constant 0 : i32
          %lt3A_459 = vector.broadcast %lt3A_458 : i32 to vector<16xi32>
          %lt3A_460 = arith.cmpi slt, %broadcast_in_dim3A_457, %lt3A_459 : vector<16xi32>
          %add3A_461 = arith.constant 16 : i32
          %add3A_462 = vector.broadcast %add3A_461 : i32 to vector<16xi32>
          %add3A_463 = arith.addi %broadcast_in_dim3A_457, %add3A_462 : vector<16xi32>
          %select_n3A_464 = arith.select %lt3A_460, %add3A_463, %broadcast_in_dim3A_457 : vector<16xi1>, vector<16xi32>
          %broadcast_in_dim3A_465 = vector.shape_cast %select_n3A_464 : vector<16xi32> to vector<16x1xi32>
          %gather3A_466 = vector.shape_cast %broadcast_in_dim3A_465 : vector<16x1xi32> to vector<16xi32>
          %gather3A_467 = tpu.dynamic_gather %get3A_389[%gather3A_466] in [0] : vector<16xf32>, vector<16xi32> -> vector<16xf32>
          %broadcast_in_dim3A_468 = arith.constant 0.000000e+00 : f32
          %broadcast_in_dim3A_469 = vector.broadcast %broadcast_in_dim3A_468 : f32 to vector<16xf32>
          %get3A_470 = arith.index_cast %add3A_447 : i32 to index
          %get3A_471 = arith.constant 0 : index
          %get3A_472 = tpu.vector_load %arg24[%get3A_470, %get3A_471] {strides = array<i32>} : memref<48x128xf32, #tpu.memory_space<vmem>>, vector<16xf32>,
          %get3A_473 = arith.index_cast %add3A_447 : i32 to index
          %get3A_474 = arith.constant 0 : index
          %get3A_475 = tpu.vector_load %arg25[%get3A_473, %get3A_474] {strides = array<i32>} : memref<48x128xf32, #tpu.memory_space<vmem>>, vector<16xf32>,
          %add3A_476 = arith.addf %get3A_472, %get3A_475 : vector<16xf32>
          %get3A_477 = arith.index_cast %add3A_447 : i32 to index
          %get3A_478 = arith.constant 0 : index
          %get3A_479 = tpu.vector_load %arg26[%get3A_477, %get3A_478] {strides = array<i32>} : memref<48x128xf32, #tpu.memory_space<vmem>>, vector<16xf32>,
          %add3A_480 = arith.addf %add3A_476, %get3A_479 : vector<16xf32>
          %mul3A_481 = arith.mulf %gather3A_456, %get3A_1 : vector<16xf32>
          %sub3A_482 = arith.subf %add3A_480, %mul3A_481 : vector<16xf32>
          %mul3A_483 = arith.mulf %gather3A_467, %get3A_17 : vector<16xf32>
          %add3A_484 = arith.addf %sub3A_482, %mul3A_483 : vector<16xf32>
          %ge3A = arith.constant 0.000000e+00 : f32
          %ge3A_485 = vector.broadcast %ge3A : f32 to vector<16xf32>
          %ge3A_486 = arith.cmpf oge, %add3A_484, %ge3A_485 : vector<16xf32>
          %mul3A_487 = arith.constant 0.00999999977 : f32
          %mul3A_488 = vector.broadcast %mul3A_487 : f32 to vector<16xf32>
          %mul3A_489 = arith.mulf %mul3A_488, %add3A_484 : vector<16xf32>
          %select_n3A_490 = arith.select %ge3A_486, %add3A_484, %mul3A_489 : vector<16xi1>, vector<16xf32>
          %swap3A_491 = arith.index_cast %add3A_447 : i32 to index
          %swap3A_492 = arith.constant 0 : index
          %swap3A_493 = tpu.vector_load %arg26[%swap3A_491, %swap3A_492] {strides = array<i32>} : memref<48x128xf32, #tpu.memory_space<vmem>>, vector<16xf32>,
          tpu.vector_store %arg26[%swap3A_491, %swap3A_492], %select_n3A_490 {strides = array<i32>} : memref<48x128xf32, #tpu.memory_space<vmem>>, vector<16xf32>,
          %mul3A_494 = arith.mulf %select_n3A_490, %get3A_33 : vector<16xf32>
          %add3A_495 = arith.addf %broadcast_in_dim3A_469, %mul3A_494 : vector<16xf32>
          %get3A_496 = arith.index_cast %add3A_447 : i32 to index
          %get3A_497 = arith.constant 16 : index
          %get3A_498 = tpu.vector_load %arg24[%get3A_496, %get3A_497] {strides = array<i32>} : memref<48x128xf32, #tpu.memory_space<vmem>>, vector<16xf32>,
          %get3A_499 = arith.index_cast %add3A_447 : i32 to index
          %get3A_500 = arith.constant 16 : index
          %get3A_501 = tpu.vector_load %arg25[%get3A_499, %get3A_500] {strides = array<i32>} : memref<48x128xf32, #tpu.memory_space<vmem>>, vector<16xf32>,
          %add3A_502 = arith.addf %get3A_498, %get3A_501 : vector<16xf32>
          %get3A_503 = arith.index_cast %add3A_447 : i32 to index
          %get3A_504 = arith.constant 16 : index
          %get3A_505 = tpu.vector_load %arg26[%get3A_503, %get3A_504] {strides = array<i32>} : memref<48x128xf32, #tpu.memory_space<vmem>>, vector<16xf32>,
          %add3A_506 = arith.addf %add3A_502, %get3A_505 : vector<16xf32>
          %mul3A_507 = arith.mulf %gather3A_456, %get3A_3 : vector<16xf32>
          %sub3A_508 = arith.subf %add3A_506, %mul3A_507 : vector<16xf32>
          %mul3A_509 = arith.mulf %gather3A_467, %get3A_19 : vector<16xf32>
          %add3A_510 = arith.addf %sub3A_508, %mul3A_509 : vector<16xf32>
          %ge3A_511 = arith.constant 0.000000e+00 : f32
          %ge3A_512 = vector.broadcast %ge3A_511 : f32 to vector<16xf32>
          %ge3A_513 = arith.cmpf oge, %add3A_510, %ge3A_512 : vector<16xf32>
          %mul3A_514 = arith.constant 0.00999999977 : f32
          %mul3A_515 = vector.broadcast %mul3A_514 : f32 to vector<16xf32>
          %mul3A_516 = arith.mulf %mul3A_515, %add3A_510 : vector<16xf32>
          %select_n3A_517 = arith.select %ge3A_513, %add3A_510, %mul3A_516 : vector<16xi1>, vector<16xf32>
          %swap3A_518 = arith.index_cast %add3A_447 : i32 to index
          %swap3A_519 = arith.constant 16 : index
          %swap3A_520 = tpu.vector_load %arg26[%swap3A_518, %swap3A_519] {strides = array<i32>} : memref<48x128xf32, #tpu.memory_space<vmem>>, vector<16xf32>,
          tpu.vector_store %arg26[%swap3A_518, %swap3A_519], %select_n3A_517 {strides = array<i32>} : memref<48x128xf32, #tpu.memory_space<vmem>>, vector<16xf32>,
          %mul3A_521 = arith.mulf %select_n3A_517, %get3A_35 : vector<16xf32>
          %add3A_522 = arith.addf %add3A_495, %mul3A_521 : vector<16xf32>
          %get3A_523 = arith.index_cast %add3A_447 : i32 to index
          %get3A_524 = arith.constant 32 : index
          %get3A_525 = tpu.vector_load %arg24[%get3A_523, %get3A_524] {strides = array<i32>} : memref<48x128xf32, #tpu.memory_space<vmem>>, vector<16xf32>,
          %get3A_526 = arith.index_cast %add3A_447 : i32 to index
          %get3A_527 = arith.constant 32 : index
          %get3A_528 = tpu.vector_load %arg25[%get3A_526, %get3A_527] {strides = array<i32>} : memref<48x128xf32, #tpu.memory_space<vmem>>, vector<16xf32>,
          %add3A_529 = arith.addf %get3A_525, %get3A_528 : vector<16xf32>
          %get3A_530 = arith.index_cast %add3A_447 : i32 to index
          %get3A_531 = arith.constant 32 : index
          %get3A_532 = tpu.vector_load %arg26[%get3A_530, %get3A_531] {strides = array<i32>} : memref<48x128xf32, #tpu.memory_space<vmem>>, vector<16xf32>,
          %add3A_533 = arith.addf %add3A_529, %get3A_532 : vector<16xf32>
          %mul3A_534 = arith.mulf %gather3A_456, %get3A_5 : vector<16xf32>
          %sub3A_535 = arith.subf %add3A_533, %mul3A_534 : vector<16xf32>
          %mul3A_536 = arith.mulf %gather3A_467, %get3A_21 : vector<16xf32>
          %add3A_537 = arith.addf %sub3A_535, %mul3A_536 : vector<16xf32>
          %ge3A_538 = arith.constant 0.000000e+00 : f32
          %ge3A_539 = vector.broadcast %ge3A_538 : f32 to vector<16xf32>
          %ge3A_540 = arith.cmpf oge, %add3A_537, %ge3A_539 : vector<16xf32>
          %mul3A_541 = arith.constant 0.00999999977 : f32
          %mul3A_542 = vector.broadcast %mul3A_541 : f32 to vector<16xf32>
          %mul3A_543 = arith.mulf %mul3A_542, %add3A_537 : vector<16xf32>
          %select_n3A_544 = arith.select %ge3A_540, %add3A_537, %mul3A_543 : vector<16xi1>, vector<16xf32>
          %swap3A_545 = arith.index_cast %add3A_447 : i32 to index
          %swap3A_546 = arith.constant 32 : index
          %swap3A_547 = tpu.vector_load %arg26[%swap3A_545, %swap3A_546] {strides = array<i32>} : memref<48x128xf32, #tpu.memory_space<vmem>>, vector<16xf32>,
          tpu.vector_store %arg26[%swap3A_545, %swap3A_546], %select_n3A_544 {strides = array<i32>} : memref<48x128xf32, #tpu.memory_space<vmem>>, vector<16xf32>,
          %mul3A_548 = arith.mulf %select_n3A_544, %get3A_37 : vector<16xf32>
          %add3A_549 = arith.addf %add3A_522, %mul3A_548 : vector<16xf32>
          %get3A_550 = arith.index_cast %add3A_447 : i32 to index
          %get3A_551 = arith.constant 48 : index
          %get3A_552 = tpu.vector_load %arg24[%get3A_550, %get3A_551] {strides = array<i32>} : memref<48x128xf32, #tpu.memory_space<vmem>>, vector<16xf32>,
          %get3A_553 = arith.index_cast %add3A_447 : i32 to index
          %get3A_554 = arith.constant 48 : index
          %get3A_555 = tpu.vector_load %arg25[%get3A_553, %get3A_554] {strides = array<i32>} : memref<48x128xf32, #tpu.memory_space<vmem>>, vector<16xf32>,
          %add3A_556 = arith.addf %get3A_552, %get3A_555 : vector<16xf32>
          %get3A_557 = arith.index_cast %add3A_447 : i32 to index
          %get3A_558 = arith.constant 48 : index
          %get3A_559 = tpu.vector_load %arg26[%get3A_557, %get3A_558] {strides = array<i32>} : memref<48x128xf32, #tpu.memory_space<vmem>>, vector<16xf32>,
          %add3A_560 = arith.addf %add3A_556, %get3A_559 : vector<16xf32>
          %mul3A_561 = arith.mulf %gather3A_456, %get3A_7 : vector<16xf32>
          %sub3A_562 = arith.subf %add3A_560, %mul3A_561 : vector<16xf32>
          %mul3A_563 = arith.mulf %gather3A_467, %get3A_23 : vector<16xf32>
          %add3A_564 = arith.addf %sub3A_562, %mul3A_563 : vector<16xf32>
          %ge3A_565 = arith.constant 0.000000e+00 : f32
          %ge3A_566 = vector.broadcast %ge3A_565 : f32 to vector<16xf32>
          %ge3A_567 = arith.cmpf oge, %add3A_564, %ge3A_566 : vector<16xf32>
          %mul3A_568 = arith.constant 0.00999999977 : f32
          %mul3A_569 = vector.broadcast %mul3A_568 : f32 to vector<16xf32>
          %mul3A_570 = arith.mulf %mul3A_569, %add3A_564 : vector<16xf32>
          %select_n3A_571 = arith.select %ge3A_567, %add3A_564, %mul3A_570 : vector<16xi1>, vector<16xf32>
          %swap3A_572 = arith.index_cast %add3A_447 : i32 to index
          %swap3A_573 = arith.constant 48 : index
          %swap3A_574 = tpu.vector_load %arg26[%swap3A_572, %swap3A_573] {strides = array<i32>} : memref<48x128xf32, #tpu.memory_space<vmem>>, vector<16xf32>,
          tpu.vector_store %arg26[%swap3A_572, %swap3A_573], %select_n3A_571 {strides = array<i32>} : memref<48x128xf32, #tpu.memory_space<vmem>>, vector<16xf32>,
          %mul3A_575 = arith.mulf %select_n3A_571, %get3A_39 : vector<16xf32>
          %add3A_576 = arith.addf %add3A_549, %mul3A_575 : vector<16xf32>
          %get3A_577 = arith.index_cast %add3A_447 : i32 to index
          %get3A_578 = arith.constant 64 : index
          %get3A_579 = tpu.vector_load %arg24[%get3A_577, %get3A_578] {strides = array<i32>} : memref<48x128xf32, #tpu.memory_space<vmem>>, vector<16xf32>,
          %get3A_580 = arith.index_cast %add3A_447 : i32 to index
          %get3A_581 = arith.constant 64 : index
          %get3A_582 = tpu.vector_load %arg25[%get3A_580, %get3A_581] {strides = array<i32>} : memref<48x128xf32, #tpu.memory_space<vmem>>, vector<16xf32>,
          %add3A_583 = arith.addf %get3A_579, %get3A_582 : vector<16xf32>
          %get3A_584 = arith.index_cast %add3A_447 : i32 to index
          %get3A_585 = arith.constant 64 : index
          %get3A_586 = tpu.vector_load %arg26[%get3A_584, %get3A_585] {strides = array<i32>} : memref<48x128xf32, #tpu.memory_space<vmem>>, vector<16xf32>,
          %add3A_587 = arith.addf %add3A_583, %get3A_586 : vector<16xf32>
          %mul3A_588 = arith.mulf %gather3A_456, %get3A_9 : vector<16xf32>
          %sub3A_589 = arith.subf %add3A_587, %mul3A_588 : vector<16xf32>
          %mul3A_590 = arith.mulf %gather3A_467, %get3A_25 : vector<16xf32>
          %add3A_591 = arith.addf %sub3A_589, %mul3A_590 : vector<16xf32>
          %ge3A_592 = arith.constant 0.000000e+00 : f32
          %ge3A_593 = vector.broadcast %ge3A_592 : f32 to vector<16xf32>
          %ge3A_594 = arith.cmpf oge, %add3A_591, %ge3A_593 : vector<16xf32>
          %mul3A_595 = arith.constant 0.00999999977 : f32
          %mul3A_596 = vector.broadcast %mul3A_595 : f32 to vector<16xf32>
          %mul3A_597 = arith.mulf %mul3A_596, %add3A_591 : vector<16xf32>
          %select_n3A_598 = arith.select %ge3A_594, %add3A_591, %mul3A_597 : vector<16xi1>, vector<16xf32>
          %swap3A_599 = arith.index_cast %add3A_447 : i32 to index
          %swap3A_600 = arith.constant 64 : index
          %swap3A_601 = tpu.vector_load %arg26[%swap3A_599, %swap3A_600] {strides = array<i32>} : memref<48x128xf32, #tpu.memory_space<vmem>>, vector<16xf32>,
          tpu.vector_store %arg26[%swap3A_599, %swap3A_600], %select_n3A_598 {strides = array<i32>} : memref<48x128xf32, #tpu.memory_space<vmem>>, vector<16xf32>,
          %mul3A_602 = arith.mulf %select_n3A_598, %get3A_41 : vector<16xf32>
          %add3A_603 = arith.addf %add3A_576, %mul3A_602 : vector<16xf32>
          %get3A_604 = arith.index_cast %add3A_447 : i32 to index
          %get3A_605 = arith.constant 80 : index
          %get3A_606 = tpu.vector_load %arg24[%get3A_604, %get3A_605] {strides = array<i32>} : memref<48x128xf32, #tpu.memory_space<vmem>>, vector<16xf32>,
          %get3A_607 = arith.index_cast %add3A_447 : i32 to index
          %get3A_608 = arith.constant 80 : index
          %get3A_609 = tpu.vector_load %arg25[%get3A_607, %get3A_608] {strides = array<i32>} : memref<48x128xf32, #tpu.memory_space<vmem>>, vector<16xf32>,
          %add3A_610 = arith.addf %get3A_606, %get3A_609 : vector<16xf32>
          %get3A_611 = arith.index_cast %add3A_447 : i32 to index
          %get3A_612 = arith.constant 80 : index
          %get3A_613 = tpu.vector_load %arg26[%get3A_611, %get3A_612] {strides = array<i32>} : memref<48x128xf32, #tpu.memory_space<vmem>>, vector<16xf32>,
          %add3A_614 = arith.addf %add3A_610, %get3A_613 : vector<16xf32>
          %mul3A_615 = arith.mulf %gather3A_456, %get3A_11 : vector<16xf32>
          %sub3A_616 = arith.subf %add3A_614, %mul3A_615 : vector<16xf32>
          %mul3A_617 = arith.mulf %gather3A_467, %get3A_27 : vector<16xf32>
          %add3A_618 = arith.addf %sub3A_616, %mul3A_617 : vector<16xf32>
          %ge3A_619 = arith.constant 0.000000e+00 : f32
          %ge3A_620 = vector.broadcast %ge3A_619 : f32 to vector<16xf32>
          %ge3A_621 = arith.cmpf oge, %add3A_618, %ge3A_620 : vector<16xf32>
          %mul3A_622 = arith.constant 0.00999999977 : f32
          %mul3A_623 = vector.broadcast %mul3A_622 : f32 to vector<16xf32>
          %mul3A_624 = arith.mulf %mul3A_623, %add3A_618 : vector<16xf32>
          %select_n3A_625 = arith.select %ge3A_621, %add3A_618, %mul3A_624 : vector<16xi1>, vector<16xf32>
          %swap3A_626 = arith.index_cast %add3A_447 : i32 to index
          %swap3A_627 = arith.constant 80 : index
          %swap3A_628 = tpu.vector_load %arg26[%swap3A_626, %swap3A_627] {strides = array<i32>} : memref<48x128xf32, #tpu.memory_space<vmem>>, vector<16xf32>,
          tpu.vector_store %arg26[%swap3A_626, %swap3A_627], %select_n3A_625 {strides = array<i32>} : memref<48x128xf32, #tpu.memory_space<vmem>>, vector<16xf32>,
          %mul3A_629 = arith.mulf %select_n3A_625, %get3A_43 : vector<16xf32>
          %add3A_630 = arith.addf %add3A_603, %mul3A_629 : vector<16xf32>
          %get3A_631 = arith.index_cast %add3A_447 : i32 to index
          %get3A_632 = arith.constant 96 : index
          %get3A_633 = tpu.vector_load %arg24[%get3A_631, %get3A_632] {strides = array<i32>} : memref<48x128xf32, #tpu.memory_space<vmem>>, vector<16xf32>,
          %get3A_634 = arith.index_cast %add3A_447 : i32 to index
          %get3A_635 = arith.constant 96 : index
          %get3A_636 = tpu.vector_load %arg25[%get3A_634, %get3A_635] {strides = array<i32>} : memref<48x128xf32, #tpu.memory_space<vmem>>, vector<16xf32>,
          %add3A_637 = arith.addf %get3A_633, %get3A_636 : vector<16xf32>
          %get3A_638 = arith.index_cast %add3A_447 : i32 to index
          %get3A_639 = arith.constant 96 : index
          %get3A_640 = tpu.vector_load %arg26[%get3A_638, %get3A_639] {strides = array<i32>} : memref<48x128xf32, #tpu.memory_space<vmem>>, vector<16xf32>,
          %add3A_641 = arith.addf %add3A_637, %get3A_640 : vector<16xf32>
          %mul3A_642 = arith.mulf %gather3A_456, %get3A_13 : vector<16xf32>
          %sub3A_643 = arith.subf %add3A_641, %mul3A_642 : vector<16xf32>
          %mul3A_644 = arith.mulf %gather3A_467, %get3A_29 : vector<16xf32>
          %add3A_645 = arith.addf %sub3A_643, %mul3A_644 : vector<16xf32>
          %ge3A_646 = arith.constant 0.000000e+00 : f32
          %ge3A_647 = vector.broadcast %ge3A_646 : f32 to vector<16xf32>
          %ge3A_648 = arith.cmpf oge, %add3A_645, %ge3A_647 : vector<16xf32>
          %mul3A_649 = arith.constant 0.00999999977 : f32
          %mul3A_650 = vector.broadcast %mul3A_649 : f32 to vector<16xf32>
          %mul3A_651 = arith.mulf %mul3A_650, %add3A_645 : vector<16xf32>
          %select_n3A_652 = arith.select %ge3A_648, %add3A_645, %mul3A_651 : vector<16xi1>, vector<16xf32>
          %swap3A_653 = arith.index_cast %add3A_447 : i32 to index
          %swap3A_654 = arith.constant 96 : index
          %swap3A_655 = tpu.vector_load %arg26[%swap3A_653, %swap3A_654] {strides = array<i32>} : memref<48x128xf32, #tpu.memory_space<vmem>>, vector<16xf32>,
          tpu.vector_store %arg26[%swap3A_653, %swap3A_654], %select_n3A_652 {strides = array<i32>} : memref<48x128xf32, #tpu.memory_space<vmem>>, vector<16xf32>,
          %mul3A_656 = arith.mulf %select_n3A_652, %get3A_45 : vector<16xf32>
          %add3A_657 = arith.addf %add3A_630, %mul3A_656 : vector<16xf32>
          %get3A_658 = arith.index_cast %add3A_447 : i32 to index
          %get3A_659 = arith.constant 112 : index
          %get3A_660 = tpu.vector_load %arg24[%get3A_658, %get3A_659] {strides = array<i32>} : memref<48x128xf32, #tpu.memory_space<vmem>>, vector<16xf32>,
          %get3A_661 = arith.index_cast %add3A_447 : i32 to index
          %get3A_662 = arith.constant 112 : index
          %get3A_663 = tpu.vector_load %arg25[%get3A_661, %get3A_662] {strides = array<i32>} : memref<48x128xf32, #tpu.memory_space<vmem>>, vector<16xf32>,
          %add3A_664 = arith.addf %get3A_660, %get3A_663 : vector<16xf32>
          %get3A_665 = arith.index_cast %add3A_447 : i32 to index
          %get3A_666 = arith.constant 112 : index
          %get3A_667 = tpu.vector_load %arg26[%get3A_665, %get3A_666] {strides = array<i32>} : memref<48x128xf32, #tpu.memory_space<vmem>>, vector<16xf32>,
          %add3A_668 = arith.addf %add3A_664, %get3A_667 : vector<16xf32>
          %mul3A_669 = arith.mulf %gather3A_456, %get3A_15 : vector<16xf32>
          %sub3A_670 = arith.subf %add3A_668, %mul3A_669 : vector<16xf32>
          %mul3A_671 = arith.mulf %gather3A_467, %get3A_31 : vector<16xf32>
          %add3A_672 = arith.addf %sub3A_670, %mul3A_671 : vector<16xf32>
          %ge3A_673 = arith.constant 0.000000e+00 : f32
          %ge3A_674 = vector.broadcast %ge3A_673 : f32 to vector<16xf32>
          %ge3A_675 = arith.cmpf oge, %add3A_672, %ge3A_674 : vector<16xf32>
          %mul3A_676 = arith.constant 0.00999999977 : f32
          %mul3A_677 = vector.broadcast %mul3A_676 : f32 to vector<16xf32>
          %mul3A_678 = arith.mulf %mul3A_677, %add3A_672 : vector<16xf32>
          %select_n3A_679 = arith.select %ge3A_675, %add3A_672, %mul3A_678 : vector<16xi1>, vector<16xf32>
          %swap3A_680 = arith.index_cast %add3A_447 : i32 to index
          %swap3A_681 = arith.constant 112 : index
          %swap3A_682 = tpu.vector_load %arg26[%swap3A_680, %swap3A_681] {strides = array<i32>} : memref<48x128xf32, #tpu.memory_space<vmem>>, vector<16xf32>,
          tpu.vector_store %arg26[%swap3A_680, %swap3A_681], %select_n3A_679 {strides = array<i32>} : memref<48x128xf32, #tpu.memory_space<vmem>>, vector<16xf32>,
          %mul3A_683 = arith.mulf %select_n3A_679, %get3A_47 : vector<16xf32>
          %add3A_684 = arith.addf %add3A_657, %mul3A_683 : vector<16xf32>
          %reduce_sum3A = arith.constant true
          %reduce_sum3A_685 = vector.broadcast %reduce_sum3A : i1 to vector<16xi1>
          %reduce_sum3A_686 = tpu.scan <sum>, %add3A_684 masked %reduce_sum3A_685 : vector<16xf32>, vector<16xi1> -> vector<16xf32>
          %reduce_sum3A_687 = vector.extract %reduce_sum3A_686[15] : f32 from vector<16xf32>
          %eq3A = vector.broadcast %scan3A_443 : i32 to vector<16xi32>
          %eq3A_688 = arith.cmpi eq, %iota3A, %eq3A : vector<16xi32>
          %broadcast_in_dim3A_689 = vector.broadcast %reduce_sum3A_687 : f32 to vector<16xf32>
          %select_n3A_690 = arith.select %eq3A_688, %broadcast_in_dim3A_689, %scan3A_444 : vector<16xi1>, vector<16xf32>
          scf.yield %select_n3A_690 : vector<16xf32>
        }
        %scan3A_433 = arith.constant 16 : i32
        %mul3A_434 = arith.mulf %scan3A_432, %mul3A_425 : vector<16xf32>
        %exp3A_435 = math.exp %mul3A_434 : vector<16xf32>
        %mul3A_436 = arith.mulf %exp3A_435, %mul3A_425 : vector<16xf32>
        tpu.vector_store_idx %arg30[%get3A_381], %exp3A_435 {add = true} : memref<10112xf32, #tpu.memory_space<vmem>>[vector<16xi32>], vector<16xf32>,
        %scan3A_437 = arith.constant 0 : i32
        %scan3A_438 = arith.constant 0 : i32
        %scan3A_439 = arith.constant 16 : i32
        %scan3A_440 = arith.addi %scan3A_438, %scan3A_439 : i32
        %scan3A_441 = arith.constant 1 : i32
        scf.for %scan3A_443 = %scan3A_438 to %scan3A_440 step %scan3A_441  : i32 {
          %mul3A_444 = arith.constant 16 : i32
          %mul3A_445 = arith.muli %scan3A_377, %mul3A_444 : i32
          %add3A_446 = arith.addi %mul3A_445, %scan3A_443 : i32
          %broadcast_in_dim3A_447 = vector.broadcast %scan3A_443 : i32 to vector<16xi32>
          %lt3A = arith.constant 0 : i32
          %lt3A_448 = vector.broadcast %lt3A : i32 to vector<16xi32>
          %lt3A_449 = arith.cmpi slt, %broadcast_in_dim3A_447, %lt3A_448 : vector<16xi32>
          %add3A_450 = arith.constant 16 : i32
          %add3A_451 = vector.broadcast %add3A_450 : i32 to vector<16xi32>
          %add3A_452 = arith.addi %broadcast_in_dim3A_447, %add3A_451 : vector<16xi32>
          %select_n3A = arith.select %lt3A_449, %add3A_452, %broadcast_in_dim3A_447 : vector<16xi1>, vector<16xi32>
          %broadcast_in_dim3A_453 = vector.shape_cast %select_n3A : vector<16xi32> to vector<16x1xi32>
          %gather3A_454 = vector.shape_cast %broadcast_in_dim3A_453 : vector<16x1xi32> to vector<16xi32>
          %gather3A_455 = tpu.dynamic_gather %mul3A_436[%gather3A_454] in [0] : vector<16xf32>, vector<16xi32> -> vector<16xf32>
          %get3A_456 = arith.index_cast %add3A_446 : i32 to index
          %get3A_457 = arith.constant 0 : index
          %get3A_458 = tpu.vector_load %arg26[%get3A_456, %get3A_457] {strides = array<i32>} : memref<48x128xf32, #tpu.memory_space<vmem>>, vector<16xf32>,
          %mul3A_459 = arith.mulf %get3A_458, %gather3A_455 : vector<16xf32>
          %swap3A_460 = arith.index_cast %add3A_446 : i32 to index
          %swap3A_461 = arith.constant 0 : index
          %swap3A_462 = tpu.vector_load %arg26[%swap3A_460, %swap3A_461] {strides = array<i32>} : memref<48x128xf32, #tpu.memory_space<vmem>>, vector<16xf32>,
          tpu.vector_store %arg26[%swap3A_460, %swap3A_461], %mul3A_459 {strides = array<i32>} : memref<48x128xf32, #tpu.memory_space<vmem>>, vector<16xf32>,
          %get3A_463 = arith.index_cast %add3A_446 : i32 to index
          %get3A_464 = arith.constant 16 : index
          %get3A_465 = tpu.vector_load %arg26[%get3A_463, %get3A_464] {strides = array<i32>} : memref<48x128xf32, #tpu.memory_space<vmem>>, vector<16xf32>,
          %mul3A_466 = arith.mulf %get3A_465, %gather3A_455 : vector<16xf32>
          %swap3A_467 = arith.index_cast %add3A_446 : i32 to index
          %swap3A_468 = arith.constant 16 : index
          %swap3A_469 = tpu.vector_load %arg26[%swap3A_467, %swap3A_468] {strides = array<i32>} : memref<48x128xf32, #tpu.memory_space<vmem>>, vector<16xf32>,
          tpu.vector_store %arg26[%swap3A_467, %swap3A_468], %mul3A_466 {strides = array<i32>} : memref<48x128xf32, #tpu.memory_space<vmem>>, vector<16xf32>,
          %get3A_470 = arith.index_cast %add3A_446 : i32 to index
          %get3A_471 = arith.constant 32 : index
          %get3A_472 = tpu.vector_load %arg26[%get3A_470, %get3A_471] {strides = array<i32>} : memref<48x128xf32, #tpu.memory_space<vmem>>, vector<16xf32>,
          %mul3A_473 = arith.mulf %get3A_472, %gather3A_455 : vector<16xf32>
          %swap3A_474 = arith.index_cast %add3A_446 : i32 to index
          %swap3A_475 = arith.constant 32 : index
          %swap3A_476 = tpu.vector_load %arg26[%swap3A_474, %swap3A_475] {strides = array<i32>} : memref<48x128xf32, #tpu.memory_space<vmem>>, vector<16xf32>,
          tpu.vector_store %arg26[%swap3A_474, %swap3A_475], %mul3A_473 {strides = array<i32>} : memref<48x128xf32, #tpu.memory_space<vmem>>, vector<16xf32>,
          %get3A_477 = arith.index_cast %add3A_446 : i32 to index
          %get3A_478 = arith.constant 48 : index
          %get3A_479 = tpu.vector_load %arg26[%get3A_477, %get3A_478] {strides = array<i32>} : memref<48x128xf32, #tpu.memory_space<vmem>>, vector<16xf32>,
          %mul3A_480 = arith.mulf %get3A_479, %gather3A_455 : vector<16xf32>
          %swap3A_481 = arith.index_cast %add3A_446 : i32 to index
          %swap3A_482 = arith.constant 48 : index
          %swap3A_483 = tpu.vector_load %arg26[%swap3A_481, %swap3A_482] {strides = array<i32>} : memref<48x128xf32, #tpu.memory_space<vmem>>, vector<16xf32>,
          tpu.vector_store %arg26[%swap3A_481, %swap3A_482], %mul3A_480 {strides = array<i32>} : memref<48x128xf32, #tpu.memory_space<vmem>>, vector<16xf32>,
          %get3A_484 = arith.index_cast %add3A_446 : i32 to index
          %get3A_485 = arith.constant 64 : index
          %get3A_486 = tpu.vector_load %arg26[%get3A_484, %get3A_485] {strides = array<i32>} : memref<48x128xf32, #tpu.memory_space<vmem>>, vector<16xf32>,
          %mul3A_487 = arith.mulf %get3A_486, %gather3A_455 : vector<16xf32>
          %swap3A_488 = arith.index_cast %add3A_446 : i32 to index
          %swap3A_489 = arith.constant 64 : index
          %swap3A_490 = tpu.vector_load %arg26[%swap3A_488, %swap3A_489] {strides = array<i32>} : memref<48x128xf32, #tpu.memory_space<vmem>>, vector<16xf32>,
          tpu.vector_store %arg26[%swap3A_488, %swap3A_489], %mul3A_487 {strides = array<i32>} : memref<48x128xf32, #tpu.memory_space<vmem>>, vector<16xf32>,
          %get3A_491 = arith.index_cast %add3A_446 : i32 to index
          %get3A_492 = arith.constant 80 : index
          %get3A_493 = tpu.vector_load %arg26[%get3A_491, %get3A_492] {strides = array<i32>} : memref<48x128xf32, #tpu.memory_space<vmem>>, vector<16xf32>,
          %mul3A_494 = arith.mulf %get3A_493, %gather3A_455 : vector<16xf32>
          %swap3A_495 = arith.index_cast %add3A_446 : i32 to index
          %swap3A_496 = arith.constant 80 : index
          %swap3A_497 = tpu.vector_load %arg26[%swap3A_495, %swap3A_496] {strides = array<i32>} : memref<48x128xf32, #tpu.memory_space<vmem>>, vector<16xf32>,
          tpu.vector_store %arg26[%swap3A_495, %swap3A_496], %mul3A_494 {strides = array<i32>} : memref<48x128xf32, #tpu.memory_space<vmem>>, vector<16xf32>,
          %get3A_498 = arith.index_cast %add3A_446 : i32 to index
          %get3A_499 = arith.constant 96 : index
          %get3A_500 = tpu.vector_load %arg26[%get3A_498, %get3A_499] {strides = array<i32>} : memref<48x128xf32, #tpu.memory_space<vmem>>, vector<16xf32>,
          %mul3A_501 = arith.mulf %get3A_500, %gather3A_455 : vector<16xf32>
          %swap3A_502 = arith.index_cast %add3A_446 : i32 to index
          %swap3A_503 = arith.constant 96 : index
          %swap3A_504 = tpu.vector_load %arg26[%swap3A_502, %swap3A_503] {strides = array<i32>} : memref<48x128xf32, #tpu.memory_space<vmem>>, vector<16xf32>,
          tpu.vector_store %arg26[%swap3A_502, %swap3A_503], %mul3A_501 {strides = array<i32>} : memref<48x128xf32, #tpu.memory_space<vmem>>, vector<16xf32>,
          %get3A_505 = arith.index_cast %add3A_446 : i32 to index
          %get3A_506 = arith.constant 112 : index
          %get3A_507 = tpu.vector_load %arg26[%get3A_505, %get3A_506] {strides = array<i32>} : memref<48x128xf32, #tpu.memory_space<vmem>>, vector<16xf32>,
          %mul3A_508 = arith.mulf %get3A_507, %gather3A_455 : vector<16xf32>
          %swap3A_509 = arith.index_cast %add3A_446 : i32 to index
          %swap3A_510 = arith.constant 112 : index
          %swap3A_511 = tpu.vector_load %arg26[%swap3A_509, %swap3A_510] {strides = array<i32>} : memref<48x128xf32, #tpu.memory_space<vmem>>, vector<16xf32>,
          tpu.vector_store %arg26[%swap3A_509, %swap3A_510], %mul3A_508 {strides = array<i32>} : memref<48x128xf32, #tpu.memory_space<vmem>>, vector<16xf32>,
        }
        %scan3A_442 = arith.constant 16 : i32
      }
      %scan3A_376 = arith.constant 3 : i32
      "tpu.region"() ({
        %run_scoped3A = tpu.sem_alloc : memref<!tpu.dma_semaphore, #tpu.memory_space<semaphore_mem>>
        %dma_start3A_377 = arith.constant 0 : i32
        %dma_start3A_378 = arith.constant 0 : i32
        %dma_start3A_379 = tpu.memref_slice %arg31[%dma_start3A_377, %dma_start3A_378] : memref<10112x128xf32, #tpu.memory_space<vmem_shared>> -> memref<10112x128xf32, #tpu.memory_space<vmem_shared>>
        tpu.enqueue_indirect_dma source(%arg26 : memref<48x128xf32, #tpu.memory_space<vmem>>) target(%dma_start3A_379 : memref<10112x128xf32, #tpu.memory_space<vmem_shared>>) offsets(%arg19 : memref<48xi32, #tpu.memory_space<vmem>>) semaphore(%run_scoped3A : memref<!tpu.dma_semaphore, #tpu.memory_space<semaphore_mem>>) {add = true}
        %dma_wait3A_380 = arith.constant 0 : i32
        %dma_wait3A_381 = arith.constant 0 : i32
        %dma_wait3A_382 = tpu.memref_slice %arg31[%dma_wait3A_380, %dma_wait3A_381] : memref<10112x128xf32, #tpu.memory_space<vmem_shared>> -> memref<10112x128xf32, #tpu.memory_space<vmem_shared>>
        tpu.wait_indirect_dma semaphore(%run_scoped3A : memref<!tpu.dma_semaphore, #tpu.memory_space<semaphore_mem>>) src(%arg26 : memref<48x128xf32, #tpu.memory_space<vmem>>) dst(%dma_wait3A_382 : memref<10112x128xf32, #tpu.memory_space<vmem_shared>>)
        tpu.yield
      }) : () -> ()
    }
    %scan3A_123 = arith.constant 208 : i32
    %add3A_124 = arith.constant 9984 : i32
    %add3A_125 = arith.addi %mul3A_117, %add3A_124 : i32
    %dma_start3A = tpu.memref_slice %arg9[%add3A_125] : memref<320000xi32, #tpu.memory_space<hbm>> -> memref<16xi32, #tpu.memory_space<hbm>>
    %dma_start3A_126 = tpu.memref_slice %arg9[%add3A_125] : memref<320000xi32, #tpu.memory_space<hbm>> -> memref<16xi32, #tpu.memory_space<hbm>>
    tpu.enqueue_dma source(%dma_start3A_126 : memref<16xi32, #tpu.memory_space<hbm>>) target(%arg20 : memref<16xi32, #tpu.memory_space<vmem>>) target_semaphore(%arg32 : memref<!tpu.dma_semaphore, #tpu.memory_space<semaphore_mem>>)
    %dma_start3A_127 = tpu.memref_slice %arg10[%add3A_125] : memref<320000xi32, #tpu.memory_space<hbm>> -> memref<16xi32, #tpu.memory_space<hbm>>
    %dma_start3A_128 = tpu.memref_slice %arg10[%add3A_125] : memref<320000xi32, #tpu.memory_space<hbm>> -> memref<16xi32, #tpu.memory_space<hbm>>
    tpu.enqueue_dma source(%dma_start3A_128 : memref<16xi32, #tpu.memory_space<hbm>>) target(%arg21 : memref<16xi32, #tpu.memory_space<vmem>>) target_semaphore(%arg32 : memref<!tpu.dma_semaphore, #tpu.memory_space<semaphore_mem>>)
    %dma_start3A_129 = arith.constant 0 : i32
    %dma_start3A_130 = tpu.memref_slice %arg22[%dma_start3A_129] : memref<48xf32, #tpu.memory_space<vmem>> -> memref<16xf32, #tpu.memory_space<vmem>>
    %dma_start3A_131 = tpu.memref_slice %arg7[%add3A_125] : memref<320000xf32, #tpu.memory_space<hbm>> -> memref<16xf32, #tpu.memory_space<hbm>>
    %dma_start3A_132 = arith.constant 0 : i32
    %dma_start3A_133 = tpu.memref_slice %arg22[%dma_start3A_132] : memref<48xf32, #tpu.memory_space<vmem>> -> memref<16xf32, #tpu.memory_space<vmem>>
    %dma_start3A_134 = tpu.memref_slice %arg7[%add3A_125] : memref<320000xf32, #tpu.memory_space<hbm>> -> memref<16xf32, #tpu.memory_space<hbm>>
    tpu.enqueue_dma source(%dma_start3A_134 : memref<16xf32, #tpu.memory_space<hbm>>) target(%dma_start3A_133 : memref<16xf32, #tpu.memory_space<vmem>>) target_semaphore(%arg32 : memref<!tpu.dma_semaphore, #tpu.memory_space<semaphore_mem>>)
    %dma_start3A_135 = arith.constant 0 : i32
    %dma_start3A_136 = tpu.memref_slice %arg23[%dma_start3A_135] : memref<48xf32, #tpu.memory_space<vmem>> -> memref<16xf32, #tpu.memory_space<vmem>>
    %dma_start3A_137 = tpu.memref_slice %arg8[%add3A_125] : memref<320000xf32, #tpu.memory_space<hbm>> -> memref<16xf32, #tpu.memory_space<hbm>>
    %dma_start3A_138 = arith.constant 0 : i32
    %dma_start3A_139 = tpu.memref_slice %arg23[%dma_start3A_138] : memref<48xf32, #tpu.memory_space<vmem>> -> memref<16xf32, #tpu.memory_space<vmem>>
    %dma_start3A_140 = tpu.memref_slice %arg8[%add3A_125] : memref<320000xf32, #tpu.memory_space<hbm>> -> memref<16xf32, #tpu.memory_space<hbm>>
    tpu.enqueue_dma source(%dma_start3A_140 : memref<16xf32, #tpu.memory_space<hbm>>) target(%dma_start3A_139 : memref<16xf32, #tpu.memory_space<vmem>>) target_semaphore(%arg32 : memref<!tpu.dma_semaphore, #tpu.memory_space<semaphore_mem>>)
    %dma_start3A_141 = arith.constant 0 : i32
    %dma_start3A_142 = arith.constant 0 : i32
    %dma_start3A_143 = tpu.memref_slice %arg26[%dma_start3A_141, %dma_start3A_142] : memref<48x128xf32, #tpu.memory_space<vmem>> -> memref<16x128xf32, #tpu.memory_space<vmem>>
    %dma_start3A_144 = arith.constant 0 : i32
    %dma_start3A_145 = tpu.memref_slice %arg6[%add3A_125, %dma_start3A_144] : memref<320000x128xf32, #tpu.memory_space<hbm>> -> memref<16x128xf32, #tpu.memory_space<hbm>>
    %dma_start3A_146 = arith.constant 0 : i32
    %dma_start3A_147 = arith.constant 0 : i32
    %dma_start3A_148 = tpu.memref_slice %arg26[%dma_start3A_146, %dma_start3A_147] : memref<48x128xf32, #tpu.memory_space<vmem>> -> memref<16x128xf32, #tpu.memory_space<vmem>>
    %dma_start3A_149 = arith.constant 0 : i32
    %dma_start3A_150 = tpu.memref_slice %arg6[%add3A_125, %dma_start3A_149] : memref<320000x128xf32, #tpu.memory_space<hbm>> -> memref<16x128xf32, #tpu.memory_space<hbm>>
    tpu.enqueue_dma source(%dma_start3A_150 : memref<16x128xf32, #tpu.memory_space<hbm>>) target(%dma_start3A_148 : memref<16x128xf32, #tpu.memory_space<vmem>>) target_semaphore(%arg32 : memref<!tpu.dma_semaphore, #tpu.memory_space<semaphore_mem>>)
    %dma_wait3A = tpu.memref_slice %arg9[%add3A_125] : memref<320000xi32, #tpu.memory_space<hbm>> -> memref<16xi32, #tpu.memory_space<hbm>>
    %dma_wait3A_151 = tpu.memref_slice %arg9[%add3A_125] : memref<320000xi32, #tpu.memory_space<hbm>> -> memref<16xi32, #tpu.memory_space<hbm>>
    tpu.wait_dma2 semaphore(%arg32 : memref<!tpu.dma_semaphore, #tpu.memory_space<semaphore_mem>>) src(%dma_wait3A_151 : memref<16xi32, #tpu.memory_space<hbm>>) dst(%arg20 : memref<16xi32, #tpu.memory_space<vmem>>)
    %dma_wait3A_152 = tpu.memref_slice %arg10[%add3A_125] : memref<320000xi32, #tpu.memory_space<hbm>> -> memref<16xi32, #tpu.memory_space<hbm>>
    %dma_wait3A_153 = tpu.memref_slice %arg10[%add3A_125] : memref<320000xi32, #tpu.memory_space<hbm>> -> memref<16xi32, #tpu.memory_space<hbm>>
    tpu.wait_dma2 semaphore(%arg32 : memref<!tpu.dma_semaphore, #tpu.memory_space<semaphore_mem>>) src(%dma_wait3A_153 : memref<16xi32, #tpu.memory_space<hbm>>) dst(%arg21 : memref<16xi32, #tpu.memory_space<vmem>>)
    %dma_start3A_154 = arith.constant 0 : i32
    %dma_start3A_155 = arith.constant 0 : i32
    %dma_start3A_156 = tpu.memref_slice %arg24[%dma_start3A_154, %dma_start3A_155] : memref<48x128xf32, #tpu.memory_space<vmem>> -> memref<16x128xf32, #tpu.memory_space<vmem>>
    %dma_start3A_157 = arith.constant 0 : i32
    %dma_start3A_158 = arith.constant 0 : i32
    %dma_start3A_159 = tpu.memref_slice %arg2[%dma_start3A_157, %dma_start3A_158] : memref<10000x128xf32, #tpu.memory_space<hbm>> -> memref<10000x128xf32, #tpu.memory_space<hbm>>
    tpu.enqueue_indirect_dma source(%dma_start3A_159 : memref<10000x128xf32, #tpu.memory_space<hbm>>) target(%dma_start3A_156 : memref<16x128xf32, #tpu.memory_space<vmem>>) offsets(%arg20 : memref<16xi32, #tpu.memory_space<vmem>>) semaphore(%arg33 : memref<!tpu.dma_semaphore, #tpu.memory_space<semaphore_mem>>)
    %dma_start3A_160 = arith.constant 0 : i32
    %dma_start3A_161 = arith.constant 0 : i32
    %dma_start3A_162 = tpu.memref_slice %arg25[%dma_start3A_160, %dma_start3A_161] : memref<48x128xf32, #tpu.memory_space<vmem>> -> memref<16x128xf32, #tpu.memory_space<vmem>>
    %dma_start3A_163 = arith.constant 0 : i32
    %dma_start3A_164 = arith.constant 0 : i32
    %dma_start3A_165 = tpu.memref_slice %arg3[%dma_start3A_163, %dma_start3A_164] : memref<10000x128xf32, #tpu.memory_space<hbm>> -> memref<10000x128xf32, #tpu.memory_space<hbm>>
    tpu.enqueue_indirect_dma source(%dma_start3A_165 : memref<10000x128xf32, #tpu.memory_space<hbm>>) target(%dma_start3A_162 : memref<16x128xf32, #tpu.memory_space<vmem>>) offsets(%arg21 : memref<16xi32, #tpu.memory_space<vmem>>) semaphore(%arg33 : memref<!tpu.dma_semaphore, #tpu.memory_space<semaphore_mem>>)
    %dma_wait3A_166 = arith.constant 0 : i32
    %dma_wait3A_167 = tpu.memref_slice %arg22[%dma_wait3A_166] : memref<48xf32, #tpu.memory_space<vmem>> -> memref<16xf32, #tpu.memory_space<vmem>>
    %dma_wait3A_168 = tpu.memref_slice %arg7[%add3A_125] : memref<320000xf32, #tpu.memory_space<hbm>> -> memref<16xf32, #tpu.memory_space<hbm>>
    %dma_wait3A_169 = arith.constant 0 : i32
    %dma_wait3A_170 = tpu.memref_slice %arg22[%dma_wait3A_169] : memref<48xf32, #tpu.memory_space<vmem>> -> memref<16xf32, #tpu.memory_space<vmem>>
    %dma_wait3A_171 = tpu.memref_slice %arg7[%add3A_125] : memref<320000xf32, #tpu.memory_space<hbm>> -> memref<16xf32, #tpu.memory_space<hbm>>
    tpu.wait_dma2 semaphore(%arg32 : memref<!tpu.dma_semaphore, #tpu.memory_space<semaphore_mem>>) src(%dma_wait3A_171 : memref<16xf32, #tpu.memory_space<hbm>>) dst(%dma_wait3A_170 : memref<16xf32, #tpu.memory_space<vmem>>)
    %dma_wait3A_172 = arith.constant 0 : i32
    %dma_wait3A_173 = tpu.memref_slice %arg23[%dma_wait3A_172] : memref<48xf32, #tpu.memory_space<vmem>> -> memref<16xf32, #tpu.memory_space<vmem>>
    %dma_wait3A_174 = tpu.memref_slice %arg8[%add3A_125] : memref<320000xf32, #tpu.memory_space<hbm>> -> memref<16xf32, #tpu.memory_space<hbm>>
    %dma_wait3A_175 = arith.constant 0 : i32
    %dma_wait3A_176 = tpu.memref_slice %arg23[%dma_wait3A_175] : memref<48xf32, #tpu.memory_space<vmem>> -> memref<16xf32, #tpu.memory_space<vmem>>
    %dma_wait3A_177 = tpu.memref_slice %arg8[%add3A_125] : memref<320000xf32, #tpu.memory_space<hbm>> -> memref<16xf32, #tpu.memory_space<hbm>>
    tpu.wait_dma2 semaphore(%arg32 : memref<!tpu.dma_semaphore, #tpu.memory_space<semaphore_mem>>) src(%dma_wait3A_177 : memref<16xf32, #tpu.memory_space<hbm>>) dst(%dma_wait3A_176 : memref<16xf32, #tpu.memory_space<vmem>>)
    %get3A_178 = arith.constant 0 : index
    %get3A_179 = tpu.vector_load %arg20[%get3A_178] {strides = array<i32>} : memref<16xi32, #tpu.memory_space<vmem>>, vector<16xi32>,
    %get3A_180 = arith.constant 0 : index
    %get3A_181 = tpu.vector_load %arg21[%get3A_180] {strides = array<i32>} : memref<16xi32, #tpu.memory_space<vmem>>, vector<16xi32>,
    %gather3A = tpu.vector_load_idx %arg16[%get3A_179] : memref<10000xf32, #tpu.memory_space<vmem>>[vector<16xi32>], vector<16xf32>,
    %gather3A_182 = tpu.vector_load_idx %arg17[%get3A_179] : memref<10000xf32, #tpu.memory_space<vmem>>[vector<16xi32>], vector<16xf32>,
    %gather3A_183 = tpu.vector_load_idx %arg16[%get3A_181] : memref<10000xf32, #tpu.memory_space<vmem>>[vector<16xi32>], vector<16xf32>,
    %gather3A_184 = tpu.vector_load_idx %arg17[%get3A_181] : memref<10000xf32, #tpu.memory_space<vmem>>[vector<16xi32>], vector<16xf32>,
    %get3A_185 = arith.constant 0 : index
    %get3A_186 = tpu.vector_load %arg22[%get3A_185] {strides = array<i32>} : memref<48xf32, #tpu.memory_space<vmem>>, vector<16xf32>,
    %add3A_187 = arith.addf %gather3A, %get3A_186 : vector<16xf32>
    %add3A_188 = arith.addf %add3A_187, %gather3A_183 : vector<16xf32>
    %mul3A_189 = arith.constant 0.0036764706 : f32
    %mul3A_190 = vector.broadcast %mul3A_189 : f32 to vector<16xf32>
    %mul3A_191 = arith.mulf %add3A_188, %mul3A_190 : vector<16xf32>
    %get3A_192 = arith.constant 0 : index
    %get3A_193 = tpu.vector_load %arg23[%get3A_192] {strides = array<i32>} : memref<48xf32, #tpu.memory_space<vmem>>, vector<16xf32>,
    %add3A_194 = arith.addf %gather3A_182, %get3A_193 : vector<16xf32>
    %add3A_195 = arith.addf %add3A_194, %gather3A_184 : vector<16xf32>
    %mul3A_196 = arith.constant 0.0036764706 : f32
    %mul3A_197 = vector.broadcast %mul3A_196 : f32 to vector<16xf32>
    %mul3A_198 = arith.mulf %add3A_195, %mul3A_197 : vector<16xf32>
    %mul3A_199 = arith.mulf %mul3A_191, %mul3A_191 : vector<16xf32>
    %sub3A = arith.subf %mul3A_198, %mul3A_199 : vector<16xf32>
    %add3A_200 = arith.constant 9.99999974E-6 : f32
    %add3A_201 = vector.broadcast %add3A_200 : f32 to vector<16xf32>
    %add3A_202 = arith.addf %sub3A, %add3A_201 : vector<16xf32>
    %bitcast3A = vector.bitcast %add3A_202 : vector<16xf32> to vector<16xi32>
    %broadcast_in_dim3A_203 = arith.constant 1597463007 : i32
    %broadcast_in_dim3A_204 = vector.broadcast %broadcast_in_dim3A_203 : i32 to vector<16xi32>
    %shift_right_arithmetic3A = arith.constant 1 : i32
    %shift_right_arithmetic3A_205 = vector.broadcast %shift_right_arithmetic3A : i32 to vector<16xi32>
    %shift_right_arithmetic3A_206 = arith.shrsi %bitcast3A, %shift_right_arithmetic3A_205 : vector<16xi32>
    %sub3A_207 = arith.subi %broadcast_in_dim3A_204, %shift_right_arithmetic3A_206 : vector<16xi32>
    %bitcast3A_208 = vector.bitcast %sub3A_207 : vector<16xi32> to vector<16xf32>
    %mul3A_209 = arith.constant 5.000000e-01 : f32
    %mul3A_210 = vector.broadcast %mul3A_209 : f32 to vector<16xf32>
    %mul3A_211 = arith.mulf %mul3A_210, %add3A_202 : vector<16xf32>
    %mul3A_212 = arith.mulf %mul3A_211, %bitcast3A_208 : vector<16xf32>
    %mul3A_213 = arith.mulf %mul3A_212, %bitcast3A_208 : vector<16xf32>
    %sub3A_214 = arith.constant 1.500000e+00 : f32
    %sub3A_215 = vector.broadcast %sub3A_214 : f32 to vector<16xf32>
    %sub3A_216 = arith.subf %sub3A_215, %mul3A_213 : vector<16xf32>
    %mul3A_217 = arith.mulf %bitcast3A_208, %sub3A_216 : vector<16xf32>
    %mul3A_218 = arith.constant 5.000000e-01 : f32
    %mul3A_219 = vector.broadcast %mul3A_218 : f32 to vector<16xf32>
    %mul3A_220 = arith.mulf %mul3A_219, %add3A_202 : vector<16xf32>
    %mul3A_221 = arith.mulf %mul3A_220, %mul3A_217 : vector<16xf32>
    %mul3A_222 = arith.mulf %mul3A_221, %mul3A_217 : vector<16xf32>
    %sub3A_223 = arith.constant 1.500000e+00 : f32
    %sub3A_224 = vector.broadcast %sub3A_223 : f32 to vector<16xf32>
    %sub3A_225 = arith.subf %sub3A_224, %mul3A_222 : vector<16xf32>
    %mul3A_226 = arith.mulf %mul3A_217, %sub3A_225 : vector<16xf32>
    %mul3A_227 = arith.constant 5.000000e-01 : f32
    %mul3A_228 = vector.broadcast %mul3A_227 : f32 to vector<16xf32>
    %mul3A_229 = arith.mulf %mul3A_228, %add3A_202 : vector<16xf32>
    %mul3A_230 = arith.mulf %mul3A_229, %mul3A_226 : vector<16xf32>
    %mul3A_231 = arith.mulf %mul3A_230, %mul3A_226 : vector<16xf32>
    %sub3A_232 = arith.constant 1.500000e+00 : f32
    %sub3A_233 = vector.broadcast %sub3A_232 : f32 to vector<16xf32>
    %sub3A_234 = arith.subf %sub3A_233, %mul3A_231 : vector<16xf32>
    %mul3A_235 = arith.mulf %mul3A_226, %sub3A_234 : vector<16xf32>
    %swap3A = arith.constant 0 : index
    %swap3A_236 = tpu.vector_load %arg22[%swap3A] {strides = array<i32>} : memref<48xf32, #tpu.memory_space<vmem>>, vector<16xf32>,
    tpu.vector_store %arg22[%swap3A], %mul3A_191 {strides = array<i32>} : memref<48xf32, #tpu.memory_space<vmem>>, vector<16xf32>,
    %mul3A_237 = arith.mulf %add3A_202, %mul3A_235 : vector<16xf32>
    %swap3A_238 = arith.constant 0 : index
    %swap3A_239 = tpu.vector_load %arg23[%swap3A_238] {strides = array<i32>} : memref<48xf32, #tpu.memory_space<vmem>>, vector<16xf32>,
    tpu.vector_store %arg23[%swap3A_238], %mul3A_237 {strides = array<i32>} : memref<48xf32, #tpu.memory_space<vmem>>, vector<16xf32>,
    %dma_wait3A_240 = arith.constant 0 : i32
    %dma_wait3A_241 = arith.constant 0 : i32
    %dma_wait3A_242 = tpu.memref_slice %arg26[%dma_wait3A_240, %dma_wait3A_241] : memref<48x128xf32, #tpu.memory_space<vmem>> -> memref<16x128xf32, #tpu.memory_space<vmem>>
    %dma_wait3A_243 = arith.constant 0 : i32
    %dma_wait3A_244 = tpu.memref_slice %arg6[%add3A_125, %dma_wait3A_243] : memref<320000x128xf32, #tpu.memory_space<hbm>> -> memref<16x128xf32, #tpu.memory_space<hbm>>
    %dma_wait3A_245 = arith.constant 0 : i32
    %dma_wait3A_246 = arith.constant 0 : i32
    %dma_wait3A_247 = tpu.memref_slice %arg26[%dma_wait3A_245, %dma_wait3A_246] : memref<48x128xf32, #tpu.memory_space<vmem>> -> memref<16x128xf32, #tpu.memory_space<vmem>>
    %dma_wait3A_248 = arith.constant 0 : i32
    %dma_wait3A_249 = tpu.memref_slice %arg6[%add3A_125, %dma_wait3A_248] : memref<320000x128xf32, #tpu.memory_space<hbm>> -> memref<16x128xf32, #tpu.memory_space<hbm>>
    tpu.wait_dma2 semaphore(%arg32 : memref<!tpu.dma_semaphore, #tpu.memory_space<semaphore_mem>>) src(%dma_wait3A_249 : memref<16x128xf32, #tpu.memory_space<hbm>>) dst(%dma_wait3A_247 : memref<16x128xf32, #tpu.memory_space<vmem>>)
    %dma_wait3A_250 = arith.constant 0 : i32
    %dma_wait3A_251 = arith.constant 0 : i32
    %dma_wait3A_252 = tpu.memref_slice %arg24[%dma_wait3A_250, %dma_wait3A_251] : memref<48x128xf32, #tpu.memory_space<vmem>> -> memref<16x128xf32, #tpu.memory_space<vmem>>
    %dma_wait3A_253 = arith.constant 0 : i32
    %dma_wait3A_254 = arith.constant 0 : i32
    %dma_wait3A_255 = tpu.memref_slice %arg2[%dma_wait3A_253, %dma_wait3A_254] : memref<10000x128xf32, #tpu.memory_space<hbm>> -> memref<10000x128xf32, #tpu.memory_space<hbm>>
    tpu.wait_indirect_dma semaphore(%arg33 : memref<!tpu.dma_semaphore, #tpu.memory_space<semaphore_mem>>) src(%dma_wait3A_255 : memref<10000x128xf32, #tpu.memory_space<hbm>>) dst(%dma_wait3A_252 : memref<16x128xf32, #tpu.memory_space<vmem>>)
    %dma_wait3A_256 = arith.constant 0 : i32
    %dma_wait3A_257 = arith.constant 0 : i32
    %dma_wait3A_258 = tpu.memref_slice %arg25[%dma_wait3A_256, %dma_wait3A_257] : memref<48x128xf32, #tpu.memory_space<vmem>> -> memref<16x128xf32, #tpu.memory_space<vmem>>
    %dma_wait3A_259 = arith.constant 0 : i32
    %dma_wait3A_260 = arith.constant 0 : i32
    %dma_wait3A_261 = tpu.memref_slice %arg3[%dma_wait3A_259, %dma_wait3A_260] : memref<10000x128xf32, #tpu.memory_space<hbm>> -> memref<10000x128xf32, #tpu.memory_space<hbm>>
    tpu.wait_indirect_dma semaphore(%arg33 : memref<!tpu.dma_semaphore, #tpu.memory_space<semaphore_mem>>) src(%dma_wait3A_261 : memref<10000x128xf32, #tpu.memory_space<hbm>>) dst(%dma_wait3A_258 : memref<16x128xf32, #tpu.memory_space<vmem>>)
    %get3A_262 = arith.constant 0 : index
    %get3A_263 = tpu.vector_load %arg21[%get3A_262] {strides = array<i32>} : memref<16xi32, #tpu.memory_space<vmem>>, vector<16xi32>,
    %get3A_264 = arith.constant 0 : index
    %get3A_265 = tpu.vector_load %arg22[%get3A_264] {strides = array<i32>} : memref<48xf32, #tpu.memory_space<vmem>>, vector<16xf32>,
    %get3A_266 = arith.constant 0 : index
    %get3A_267 = tpu.vector_load %arg23[%get3A_266] {strides = array<i32>} : memref<48xf32, #tpu.memory_space<vmem>>, vector<16xf32>,
    %mul3A_268 = arith.mulf %get3A_267, %get3A_267 : vector<16xf32>
    %bitcast3A_269 = vector.bitcast %mul3A_268 : vector<16xf32> to vector<16xi32>
    %broadcast_in_dim3A_270 = arith.constant 1597463007 : i32
    %broadcast_in_dim3A_271 = vector.broadcast %broadcast_in_dim3A_270 : i32 to vector<16xi32>
    %shift_right_arithmetic3A_272 = arith.constant 1 : i32
    %shift_right_arithmetic3A_273 = vector.broadcast %shift_right_arithmetic3A_272 : i32 to vector<16xi32>
    %shift_right_arithmetic3A_274 = arith.shrsi %bitcast3A_269, %shift_right_arithmetic3A_273 : vector<16xi32>
    %sub3A_275 = arith.subi %broadcast_in_dim3A_271, %shift_right_arithmetic3A_274 : vector<16xi32>
    %bitcast3A_276 = vector.bitcast %sub3A_275 : vector<16xi32> to vector<16xf32>
    %mul3A_277 = arith.constant 5.000000e-01 : f32
    %mul3A_278 = vector.broadcast %mul3A_277 : f32 to vector<16xf32>
    %mul3A_279 = arith.mulf %mul3A_278, %mul3A_268 : vector<16xf32>
    %mul3A_280 = arith.mulf %mul3A_279, %bitcast3A_276 : vector<16xf32>
    %mul3A_281 = arith.mulf %mul3A_280, %bitcast3A_276 : vector<16xf32>
    %sub3A_282 = arith.constant 1.500000e+00 : f32
    %sub3A_283 = vector.broadcast %sub3A_282 : f32 to vector<16xf32>
    %sub3A_284 = arith.subf %sub3A_283, %mul3A_281 : vector<16xf32>
    %mul3A_285 = arith.mulf %bitcast3A_276, %sub3A_284 : vector<16xf32>
    %mul3A_286 = arith.constant 5.000000e-01 : f32
    %mul3A_287 = vector.broadcast %mul3A_286 : f32 to vector<16xf32>
    %mul3A_288 = arith.mulf %mul3A_287, %mul3A_268 : vector<16xf32>
    %mul3A_289 = arith.mulf %mul3A_288, %mul3A_285 : vector<16xf32>
    %mul3A_290 = arith.mulf %mul3A_289, %mul3A_285 : vector<16xf32>
    %sub3A_291 = arith.constant 1.500000e+00 : f32
    %sub3A_292 = vector.broadcast %sub3A_291 : f32 to vector<16xf32>
    %sub3A_293 = arith.subf %sub3A_292, %mul3A_290 : vector<16xf32>
    %mul3A_294 = arith.mulf %mul3A_285, %sub3A_293 : vector<16xf32>
    %mul3A_295 = arith.constant 5.000000e-01 : f32
    %mul3A_296 = vector.broadcast %mul3A_295 : f32 to vector<16xf32>
    %mul3A_297 = arith.mulf %mul3A_296, %mul3A_268 : vector<16xf32>
    %mul3A_298 = arith.mulf %mul3A_297, %mul3A_294 : vector<16xf32>
    %mul3A_299 = arith.mulf %mul3A_298, %mul3A_294 : vector<16xf32>
    %sub3A_300 = arith.constant 1.500000e+00 : f32
    %sub3A_301 = vector.broadcast %sub3A_300 : f32 to vector<16xf32>
    %sub3A_302 = arith.subf %sub3A_301, %mul3A_299 : vector<16xf32>
    %mul3A_303 = arith.mulf %mul3A_294, %sub3A_302 : vector<16xf32>
    %broadcast_in_dim3A_304 = arith.constant 0.000000e+00 : f32
    %broadcast_in_dim3A_305 = vector.broadcast %broadcast_in_dim3A_304 : f32 to vector<16xf32>
    %scan3A_306 = arith.constant 0 : i32
    %scan3A_307 = arith.constant 16 : i32
    %scan3A_308 = arith.addi %scan3A_306, %scan3A_307 : i32
    %scan3A_309 = arith.constant 1 : i32
    %scan3A_310 = scf.for %scan3A_325 = %scan3A_306 to %scan3A_308 step %scan3A_309 iter_args(%scan3A_326 = %broadcast_in_dim3A_305) -> (vector<16xf32>)  : i32 {
      %add3A_327 = arith.constant 0 : i32
      %add3A_328 = arith.addi %add3A_327, %scan3A_325 : i32
      %broadcast_in_dim3A_329 = vector.broadcast %scan3A_325 : i32 to vector<16xi32>
      %lt3A = arith.constant 0 : i32
      %lt3A_330 = vector.broadcast %lt3A : i32 to vector<16xi32>
      %lt3A_331 = arith.cmpi slt, %broadcast_in_dim3A_329, %lt3A_330 : vector<16xi32>
      %add3A_332 = arith.constant 16 : i32
      %add3A_333 = vector.broadcast %add3A_332 : i32 to vector<16xi32>
      %add3A_334 = arith.addi %broadcast_in_dim3A_329, %add3A_333 : vector<16xi32>
      %select_n3A = arith.select %lt3A_331, %add3A_334, %broadcast_in_dim3A_329 : vector<16xi1>, vector<16xi32>
      %broadcast_in_dim3A_335 = vector.shape_cast %select_n3A : vector<16xi32> to vector<16x1xi32>
      %gather3A_336 = vector.shape_cast %broadcast_in_dim3A_335 : vector<16x1xi32> to vector<16xi32>
      %gather3A_337 = tpu.dynamic_gather %get3A_265[%gather3A_336] in [0] : vector<16xf32>, vector<16xi32> -> vector<16xf32>
      %broadcast_in_dim3A_338 = vector.broadcast %scan3A_325 : i32 to vector<16xi32>
      %lt3A_339 = arith.constant 0 : i32
      %lt3A_340 = vector.broadcast %lt3A_339 : i32 to vector<16xi32>
      %lt3A_341 = arith.cmpi slt, %broadcast_in_dim3A_338, %lt3A_340 : vector<16xi32>
      %add3A_342 = arith.constant 16 : i32
      %add3A_343 = vector.broadcast %add3A_342 : i32 to vector<16xi32>
      %add3A_344 = arith.addi %broadcast_in_dim3A_338, %add3A_343 : vector<16xi32>
      %select_n3A_345 = arith.select %lt3A_341, %add3A_344, %broadcast_in_dim3A_338 : vector<16xi1>, vector<16xi32>
      %broadcast_in_dim3A_346 = vector.shape_cast %select_n3A_345 : vector<16xi32> to vector<16x1xi32>
      %gather3A_347 = vector.shape_cast %broadcast_in_dim3A_346 : vector<16x1xi32> to vector<16xi32>
      %gather3A_348 = tpu.dynamic_gather %get3A_267[%gather3A_347] in [0] : vector<16xf32>, vector<16xi32> -> vector<16xf32>
      %broadcast_in_dim3A_349 = arith.constant 0.000000e+00 : f32
      %broadcast_in_dim3A_350 = vector.broadcast %broadcast_in_dim3A_349 : f32 to vector<16xf32>
      %get3A_351 = arith.index_cast %add3A_328 : i32 to index
      %get3A_352 = arith.constant 0 : index
      %get3A_353 = tpu.vector_load %arg24[%get3A_351, %get3A_352] {strides = array<i32>} : memref<48x128xf32, #tpu.memory_space<vmem>>, vector<16xf32>,
      %get3A_354 = arith.index_cast %add3A_328 : i32 to index
      %get3A_355 = arith.constant 0 : index
      %get3A_356 = tpu.vector_load %arg25[%get3A_354, %get3A_355] {strides = array<i32>} : memref<48x128xf32, #tpu.memory_space<vmem>>, vector<16xf32>,
      %add3A_357 = arith.addf %get3A_353, %get3A_356 : vector<16xf32>
      %get3A_358 = arith.index_cast %add3A_328 : i32 to index
      %get3A_359 = arith.constant 0 : index
      %get3A_360 = tpu.vector_load %arg26[%get3A_358, %get3A_359] {strides = array<i32>} : memref<48x128xf32, #tpu.memory_space<vmem>>, vector<16xf32>,
      %add3A_361 = arith.addf %add3A_357, %get3A_360 : vector<16xf32>
      %mul3A_362 = arith.mulf %gather3A_337, %get3A_1 : vector<16xf32>
      %sub3A_363 = arith.subf %add3A_361, %mul3A_362 : vector<16xf32>
      %mul3A_364 = arith.mulf %gather3A_348, %get3A_17 : vector<16xf32>
      %add3A_365 = arith.addf %sub3A_363, %mul3A_364 : vector<16xf32>
      %ge3A = arith.constant 0.000000e+00 : f32
      %ge3A_366 = vector.broadcast %ge3A : f32 to vector<16xf32>
      %ge3A_367 = arith.cmpf oge, %add3A_365, %ge3A_366 : vector<16xf32>
      %mul3A_368 = arith.constant 0.00999999977 : f32
      %mul3A_369 = vector.broadcast %mul3A_368 : f32 to vector<16xf32>
      %mul3A_370 = arith.mulf %mul3A_369, %add3A_365 : vector<16xf32>
      %select_n3A_371 = arith.select %ge3A_367, %add3A_365, %mul3A_370 : vector<16xi1>, vector<16xf32>
      %swap3A_372 = arith.index_cast %add3A_328 : i32 to index
      %swap3A_373 = arith.constant 0 : index
      %swap3A_374 = tpu.vector_load %arg26[%swap3A_372, %swap3A_373] {strides = array<i32>} : memref<48x128xf32, #tpu.memory_space<vmem>>, vector<16xf32>,
      tpu.vector_store %arg26[%swap3A_372, %swap3A_373], %select_n3A_371 {strides = array<i32>} : memref<48x128xf32, #tpu.memory_space<vmem>>, vector<16xf32>,
      %mul3A_375 = arith.mulf %select_n3A_371, %get3A_33 : vector<16xf32>
      %add3A_376 = arith.addf %broadcast_in_dim3A_350, %mul3A_375 : vector<16xf32>
      %get3A_377 = arith.index_cast %add3A_328 : i32 to index
      %get3A_378 = arith.constant 16 : index
      %get3A_379 = tpu.vector_load %arg24[%get3A_377, %get3A_378] {strides = array<i32>} : memref<48x128xf32, #tpu.memory_space<vmem>>, vector<16xf32>,
      %get3A_380 = arith.index_cast %add3A_328 : i32 to index
      %get3A_381 = arith.constant 16 : index
      %get3A_382 = tpu.vector_load %arg25[%get3A_380, %get3A_381] {strides = array<i32>} : memref<48x128xf32, #tpu.memory_space<vmem>>, vector<16xf32>,
      %add3A_383 = arith.addf %get3A_379, %get3A_382 : vector<16xf32>
      %get3A_384 = arith.index_cast %add3A_328 : i32 to index
      %get3A_385 = arith.constant 16 : index
      %get3A_386 = tpu.vector_load %arg26[%get3A_384, %get3A_385] {strides = array<i32>} : memref<48x128xf32, #tpu.memory_space<vmem>>, vector<16xf32>,
      %add3A_387 = arith.addf %add3A_383, %get3A_386 : vector<16xf32>
      %mul3A_388 = arith.mulf %gather3A_337, %get3A_3 : vector<16xf32>
      %sub3A_389 = arith.subf %add3A_387, %mul3A_388 : vector<16xf32>
      %mul3A_390 = arith.mulf %gather3A_348, %get3A_19 : vector<16xf32>
      %add3A_391 = arith.addf %sub3A_389, %mul3A_390 : vector<16xf32>
      %ge3A_392 = arith.constant 0.000000e+00 : f32
      %ge3A_393 = vector.broadcast %ge3A_392 : f32 to vector<16xf32>
      %ge3A_394 = arith.cmpf oge, %add3A_391, %ge3A_393 : vector<16xf32>
      %mul3A_395 = arith.constant 0.00999999977 : f32
      %mul3A_396 = vector.broadcast %mul3A_395 : f32 to vector<16xf32>
      %mul3A_397 = arith.mulf %mul3A_396, %add3A_391 : vector<16xf32>
      %select_n3A_398 = arith.select %ge3A_394, %add3A_391, %mul3A_397 : vector<16xi1>, vector<16xf32>
      %swap3A_399 = arith.index_cast %add3A_328 : i32 to index
      %swap3A_400 = arith.constant 16 : index
      %swap3A_401 = tpu.vector_load %arg26[%swap3A_399, %swap3A_400] {strides = array<i32>} : memref<48x128xf32, #tpu.memory_space<vmem>>, vector<16xf32>,
      tpu.vector_store %arg26[%swap3A_399, %swap3A_400], %select_n3A_398 {strides = array<i32>} : memref<48x128xf32, #tpu.memory_space<vmem>>, vector<16xf32>,
      %mul3A_402 = arith.mulf %select_n3A_398, %get3A_35 : vector<16xf32>
      %add3A_403 = arith.addf %add3A_376, %mul3A_402 : vector<16xf32>
      %get3A_404 = arith.index_cast %add3A_328 : i32 to index
      %get3A_405 = arith.constant 32 : index
      %get3A_406 = tpu.vector_load %arg24[%get3A_404, %get3A_405] {strides = array<i32>} : memref<48x128xf32, #tpu.memory_space<vmem>>, vector<16xf32>,
      %get3A_407 = arith.index_cast %add3A_328 : i32 to index
      %get3A_408 = arith.constant 32 : index
      %get3A_409 = tpu.vector_load %arg25[%get3A_407, %get3A_408] {strides = array<i32>} : memref<48x128xf32, #tpu.memory_space<vmem>>, vector<16xf32>,
      %add3A_410 = arith.addf %get3A_406, %get3A_409 : vector<16xf32>
      %get3A_411 = arith.index_cast %add3A_328 : i32 to index
      %get3A_412 = arith.constant 32 : index
      %get3A_413 = tpu.vector_load %arg26[%get3A_411, %get3A_412] {strides = array<i32>} : memref<48x128xf32, #tpu.memory_space<vmem>>, vector<16xf32>,
      %add3A_414 = arith.addf %add3A_410, %get3A_413 : vector<16xf32>
      %mul3A_415 = arith.mulf %gather3A_337, %get3A_5 : vector<16xf32>
      %sub3A_416 = arith.subf %add3A_414, %mul3A_415 : vector<16xf32>
      %mul3A_417 = arith.mulf %gather3A_348, %get3A_21 : vector<16xf32>
      %add3A_418 = arith.addf %sub3A_416, %mul3A_417 : vector<16xf32>
      %ge3A_419 = arith.constant 0.000000e+00 : f32
      %ge3A_420 = vector.broadcast %ge3A_419 : f32 to vector<16xf32>
      %ge3A_421 = arith.cmpf oge, %add3A_418, %ge3A_420 : vector<16xf32>
      %mul3A_422 = arith.constant 0.00999999977 : f32
      %mul3A_423 = vector.broadcast %mul3A_422 : f32 to vector<16xf32>
      %mul3A_424 = arith.mulf %mul3A_423, %add3A_418 : vector<16xf32>
      %select_n3A_425 = arith.select %ge3A_421, %add3A_418, %mul3A_424 : vector<16xi1>, vector<16xf32>
      %swap3A_426 = arith.index_cast %add3A_328 : i32 to index
      %swap3A_427 = arith.constant 32 : index
      %swap3A_428 = tpu.vector_load %arg26[%swap3A_426, %swap3A_427] {strides = array<i32>} : memref<48x128xf32, #tpu.memory_space<vmem>>, vector<16xf32>,
      tpu.vector_store %arg26[%swap3A_426, %swap3A_427], %select_n3A_425 {strides = array<i32>} : memref<48x128xf32, #tpu.memory_space<vmem>>, vector<16xf32>,
      %mul3A_429 = arith.mulf %select_n3A_425, %get3A_37 : vector<16xf32>
      %add3A_430 = arith.addf %add3A_403, %mul3A_429 : vector<16xf32>
      %get3A_431 = arith.index_cast %add3A_328 : i32 to index
      %get3A_432 = arith.constant 48 : index
      %get3A_433 = tpu.vector_load %arg24[%get3A_431, %get3A_432] {strides = array<i32>} : memref<48x128xf32, #tpu.memory_space<vmem>>, vector<16xf32>,
      %get3A_434 = arith.index_cast %add3A_328 : i32 to index
      %get3A_435 = arith.constant 48 : index
      %get3A_436 = tpu.vector_load %arg25[%get3A_434, %get3A_435] {strides = array<i32>} : memref<48x128xf32, #tpu.memory_space<vmem>>, vector<16xf32>,
      %add3A_437 = arith.addf %get3A_433, %get3A_436 : vector<16xf32>
      %get3A_438 = arith.index_cast %add3A_328 : i32 to index
      %get3A_439 = arith.constant 48 : index
      %get3A_440 = tpu.vector_load %arg26[%get3A_438, %get3A_439] {strides = array<i32>} : memref<48x128xf32, #tpu.memory_space<vmem>>, vector<16xf32>,
      %add3A_441 = arith.addf %add3A_437, %get3A_440 : vector<16xf32>
      %mul3A_442 = arith.mulf %gather3A_337, %get3A_7 : vector<16xf32>
      %sub3A_443 = arith.subf %add3A_441, %mul3A_442 : vector<16xf32>
      %mul3A_444 = arith.mulf %gather3A_348, %get3A_23 : vector<16xf32>
      %add3A_445 = arith.addf %sub3A_443, %mul3A_444 : vector<16xf32>
      %ge3A_446 = arith.constant 0.000000e+00 : f32
      %ge3A_447 = vector.broadcast %ge3A_446 : f32 to vector<16xf32>
      %ge3A_448 = arith.cmpf oge, %add3A_445, %ge3A_447 : vector<16xf32>
      %mul3A_449 = arith.constant 0.00999999977 : f32
      %mul3A_450 = vector.broadcast %mul3A_449 : f32 to vector<16xf32>
      %mul3A_451 = arith.mulf %mul3A_450, %add3A_445 : vector<16xf32>
      %select_n3A_452 = arith.select %ge3A_448, %add3A_445, %mul3A_451 : vector<16xi1>, vector<16xf32>
      %swap3A_453 = arith.index_cast %add3A_328 : i32 to index
      %swap3A_454 = arith.constant 48 : index
      %swap3A_455 = tpu.vector_load %arg26[%swap3A_453, %swap3A_454] {strides = array<i32>} : memref<48x128xf32, #tpu.memory_space<vmem>>, vector<16xf32>,
      tpu.vector_store %arg26[%swap3A_453, %swap3A_454], %select_n3A_452 {strides = array<i32>} : memref<48x128xf32, #tpu.memory_space<vmem>>, vector<16xf32>,
      %mul3A_456 = arith.mulf %select_n3A_452, %get3A_39 : vector<16xf32>
      %add3A_457 = arith.addf %add3A_430, %mul3A_456 : vector<16xf32>
      %get3A_458 = arith.index_cast %add3A_328 : i32 to index
      %get3A_459 = arith.constant 64 : index
      %get3A_460 = tpu.vector_load %arg24[%get3A_458, %get3A_459] {strides = array<i32>} : memref<48x128xf32, #tpu.memory_space<vmem>>, vector<16xf32>,
      %get3A_461 = arith.index_cast %add3A_328 : i32 to index
      %get3A_462 = arith.constant 64 : index
      %get3A_463 = tpu.vector_load %arg25[%get3A_461, %get3A_462] {strides = array<i32>} : memref<48x128xf32, #tpu.memory_space<vmem>>, vector<16xf32>,
      %add3A_464 = arith.addf %get3A_460, %get3A_463 : vector<16xf32>
      %get3A_465 = arith.index_cast %add3A_328 : i32 to index
      %get3A_466 = arith.constant 64 : index
      %get3A_467 = tpu.vector_load %arg26[%get3A_465, %get3A_466] {strides = array<i32>} : memref<48x128xf32, #tpu.memory_space<vmem>>, vector<16xf32>,
      %add3A_468 = arith.addf %add3A_464, %get3A_467 : vector<16xf32>
      %mul3A_469 = arith.mulf %gather3A_337, %get3A_9 : vector<16xf32>
      %sub3A_470 = arith.subf %add3A_468, %mul3A_469 : vector<16xf32>
      %mul3A_471 = arith.mulf %gather3A_348, %get3A_25 : vector<16xf32>
      %add3A_472 = arith.addf %sub3A_470, %mul3A_471 : vector<16xf32>
      %ge3A_473 = arith.constant 0.000000e+00 : f32
      %ge3A_474 = vector.broadcast %ge3A_473 : f32 to vector<16xf32>
      %ge3A_475 = arith.cmpf oge, %add3A_472, %ge3A_474 : vector<16xf32>
      %mul3A_476 = arith.constant 0.00999999977 : f32
      %mul3A_477 = vector.broadcast %mul3A_476 : f32 to vector<16xf32>
      %mul3A_478 = arith.mulf %mul3A_477, %add3A_472 : vector<16xf32>
      %select_n3A_479 = arith.select %ge3A_475, %add3A_472, %mul3A_478 : vector<16xi1>, vector<16xf32>
      %swap3A_480 = arith.index_cast %add3A_328 : i32 to index
      %swap3A_481 = arith.constant 64 : index
      %swap3A_482 = tpu.vector_load %arg26[%swap3A_480, %swap3A_481] {strides = array<i32>} : memref<48x128xf32, #tpu.memory_space<vmem>>, vector<16xf32>,
      tpu.vector_store %arg26[%swap3A_480, %swap3A_481], %select_n3A_479 {strides = array<i32>} : memref<48x128xf32, #tpu.memory_space<vmem>>, vector<16xf32>,
      %mul3A_483 = arith.mulf %select_n3A_479, %get3A_41 : vector<16xf32>
      %add3A_484 = arith.addf %add3A_457, %mul3A_483 : vector<16xf32>
      %get3A_485 = arith.index_cast %add3A_328 : i32 to index
      %get3A_486 = arith.constant 80 : index
      %get3A_487 = tpu.vector_load %arg24[%get3A_485, %get3A_486] {strides = array<i32>} : memref<48x128xf32, #tpu.memory_space<vmem>>, vector<16xf32>,
      %get3A_488 = arith.index_cast %add3A_328 : i32 to index
      %get3A_489 = arith.constant 80 : index
      %get3A_490 = tpu.vector_load %arg25[%get3A_488, %get3A_489] {strides = array<i32>} : memref<48x128xf32, #tpu.memory_space<vmem>>, vector<16xf32>,
      %add3A_491 = arith.addf %get3A_487, %get3A_490 : vector<16xf32>
      %get3A_492 = arith.index_cast %add3A_328 : i32 to index
      %get3A_493 = arith.constant 80 : index
      %get3A_494 = tpu.vector_load %arg26[%get3A_492, %get3A_493] {strides = array<i32>} : memref<48x128xf32, #tpu.memory_space<vmem>>, vector<16xf32>,
      %add3A_495 = arith.addf %add3A_491, %get3A_494 : vector<16xf32>
      %mul3A_496 = arith.mulf %gather3A_337, %get3A_11 : vector<16xf32>
      %sub3A_497 = arith.subf %add3A_495, %mul3A_496 : vector<16xf32>
      %mul3A_498 = arith.mulf %gather3A_348, %get3A_27 : vector<16xf32>
      %add3A_499 = arith.addf %sub3A_497, %mul3A_498 : vector<16xf32>
      %ge3A_500 = arith.constant 0.000000e+00 : f32
      %ge3A_501 = vector.broadcast %ge3A_500 : f32 to vector<16xf32>
      %ge3A_502 = arith.cmpf oge, %add3A_499, %ge3A_501 : vector<16xf32>
      %mul3A_503 = arith.constant 0.00999999977 : f32
      %mul3A_504 = vector.broadcast %mul3A_503 : f32 to vector<16xf32>
      %mul3A_505 = arith.mulf %mul3A_504, %add3A_499 : vector<16xf32>
      %select_n3A_506 = arith.select %ge3A_502, %add3A_499, %mul3A_505 : vector<16xi1>, vector<16xf32>
      %swap3A_507 = arith.index_cast %add3A_328 : i32 to index
      %swap3A_508 = arith.constant 80 : index
      %swap3A_509 = tpu.vector_load %arg26[%swap3A_507, %swap3A_508] {strides = array<i32>} : memref<48x128xf32, #tpu.memory_space<vmem>>, vector<16xf32>,
      tpu.vector_store %arg26[%swap3A_507, %swap3A_508], %select_n3A_506 {strides = array<i32>} : memref<48x128xf32, #tpu.memory_space<vmem>>, vector<16xf32>,
      %mul3A_510 = arith.mulf %select_n3A_506, %get3A_43 : vector<16xf32>
      %add3A_511 = arith.addf %add3A_484, %mul3A_510 : vector<16xf32>
      %get3A_512 = arith.index_cast %add3A_328 : i32 to index
      %get3A_513 = arith.constant 96 : index
      %get3A_514 = tpu.vector_load %arg24[%get3A_512, %get3A_513] {strides = array<i32>} : memref<48x128xf32, #tpu.memory_space<vmem>>, vector<16xf32>,
      %get3A_515 = arith.index_cast %add3A_328 : i32 to index
      %get3A_516 = arith.constant 96 : index
      %get3A_517 = tpu.vector_load %arg25[%get3A_515, %get3A_516] {strides = array<i32>} : memref<48x128xf32, #tpu.memory_space<vmem>>, vector<16xf32>,
      %add3A_518 = arith.addf %get3A_514, %get3A_517 : vector<16xf32>
      %get3A_519 = arith.index_cast %add3A_328 : i32 to index
      %get3A_520 = arith.constant 96 : index
      %get3A_521 = tpu.vector_load %arg26[%get3A_519, %get3A_520] {strides = array<i32>} : memref<48x128xf32, #tpu.memory_space<vmem>>, vector<16xf32>,
      %add3A_522 = arith.addf %add3A_518, %get3A_521 : vector<16xf32>
      %mul3A_523 = arith.mulf %gather3A_337, %get3A_13 : vector<16xf32>
      %sub3A_524 = arith.subf %add3A_522, %mul3A_523 : vector<16xf32>
      %mul3A_525 = arith.mulf %gather3A_348, %get3A_29 : vector<16xf32>
      %add3A_526 = arith.addf %sub3A_524, %mul3A_525 : vector<16xf32>
      %ge3A_527 = arith.constant 0.000000e+00 : f32
      %ge3A_528 = vector.broadcast %ge3A_527 : f32 to vector<16xf32>
      %ge3A_529 = arith.cmpf oge, %add3A_526, %ge3A_528 : vector<16xf32>
      %mul3A_530 = arith.constant 0.00999999977 : f32
      %mul3A_531 = vector.broadcast %mul3A_530 : f32 to vector<16xf32>
      %mul3A_532 = arith.mulf %mul3A_531, %add3A_526 : vector<16xf32>
      %select_n3A_533 = arith.select %ge3A_529, %add3A_526, %mul3A_532 : vector<16xi1>, vector<16xf32>
      %swap3A_534 = arith.index_cast %add3A_328 : i32 to index
      %swap3A_535 = arith.constant 96 : index
      %swap3A_536 = tpu.vector_load %arg26[%swap3A_534, %swap3A_535] {strides = array<i32>} : memref<48x128xf32, #tpu.memory_space<vmem>>, vector<16xf32>,
      tpu.vector_store %arg26[%swap3A_534, %swap3A_535], %select_n3A_533 {strides = array<i32>} : memref<48x128xf32, #tpu.memory_space<vmem>>, vector<16xf32>,
      %mul3A_537 = arith.mulf %select_n3A_533, %get3A_45 : vector<16xf32>
      %add3A_538 = arith.addf %add3A_511, %mul3A_537 : vector<16xf32>
      %get3A_539 = arith.index_cast %add3A_328 : i32 to index
      %get3A_540 = arith.constant 112 : index
      %get3A_541 = tpu.vector_load %arg24[%get3A_539, %get3A_540] {strides = array<i32>} : memref<48x128xf32, #tpu.memory_space<vmem>>, vector<16xf32>,
      %get3A_542 = arith.index_cast %add3A_328 : i32 to index
      %get3A_543 = arith.constant 112 : index
      %get3A_544 = tpu.vector_load %arg25[%get3A_542, %get3A_543] {strides = array<i32>} : memref<48x128xf32, #tpu.memory_space<vmem>>, vector<16xf32>,
      %add3A_545 = arith.addf %get3A_541, %get3A_544 : vector<16xf32>
      %get3A_546 = arith.index_cast %add3A_328 : i32 to index
      %get3A_547 = arith.constant 112 : index
      %get3A_548 = tpu.vector_load %arg26[%get3A_546, %get3A_547] {strides = array<i32>} : memref<48x128xf32, #tpu.memory_space<vmem>>, vector<16xf32>,
      %add3A_549 = arith.addf %add3A_545, %get3A_548 : vector<16xf32>
      %mul3A_550 = arith.mulf %gather3A_337, %get3A_15 : vector<16xf32>
      %sub3A_551 = arith.subf %add3A_549, %mul3A_550 : vector<16xf32>
      %mul3A_552 = arith.mulf %gather3A_348, %get3A_31 : vector<16xf32>
      %add3A_553 = arith.addf %sub3A_551, %mul3A_552 : vector<16xf32>
      %ge3A_554 = arith.constant 0.000000e+00 : f32
      %ge3A_555 = vector.broadcast %ge3A_554 : f32 to vector<16xf32>
      %ge3A_556 = arith.cmpf oge, %add3A_553, %ge3A_555 : vector<16xf32>
      %mul3A_557 = arith.constant 0.00999999977 : f32
      %mul3A_558 = vector.broadcast %mul3A_557 : f32 to vector<16xf32>
      %mul3A_559 = arith.mulf %mul3A_558, %add3A_553 : vector<16xf32>
      %select_n3A_560 = arith.select %ge3A_556, %add3A_553, %mul3A_559 : vector<16xi1>, vector<16xf32>
      %swap3A_561 = arith.index_cast %add3A_328 : i32 to index
      %swap3A_562 = arith.constant 112 : index
      %swap3A_563 = tpu.vector_load %arg26[%swap3A_561, %swap3A_562] {strides = array<i32>} : memref<48x128xf32, #tpu.memory_space<vmem>>, vector<16xf32>,
      tpu.vector_store %arg26[%swap3A_561, %swap3A_562], %select_n3A_560 {strides = array<i32>} : memref<48x128xf32, #tpu.memory_space<vmem>>, vector<16xf32>,
      %mul3A_564 = arith.mulf %select_n3A_560, %get3A_47 : vector<16xf32>
      %add3A_565 = arith.addf %add3A_538, %mul3A_564 : vector<16xf32>
      %reduce_sum3A = arith.constant true
      %reduce_sum3A_566 = vector.broadcast %reduce_sum3A : i1 to vector<16xi1>
      %reduce_sum3A_567 = tpu.scan <sum>, %add3A_565 masked %reduce_sum3A_566 : vector<16xf32>, vector<16xi1> -> vector<16xf32>
      %reduce_sum3A_568 = vector.extract %reduce_sum3A_567[15] : f32 from vector<16xf32>
      %eq3A = vector.broadcast %scan3A_325 : i32 to vector<16xi32>
      %eq3A_569 = arith.cmpi eq, %iota3A, %eq3A : vector<16xi32>
      %broadcast_in_dim3A_570 = vector.broadcast %reduce_sum3A_568 : f32 to vector<16xf32>
      %select_n3A_571 = arith.select %eq3A_569, %broadcast_in_dim3A_570, %scan3A_326 : vector<16xi1>, vector<16xf32>
      scf.yield %select_n3A_571 : vector<16xf32>
    }
    %scan3A_311 = arith.constant 16 : i32
    %mul3A_312 = arith.mulf %scan3A_310, %mul3A_303 : vector<16xf32>
    %exp3A = math.exp %mul3A_312 : vector<16xf32>
    %mul3A_313 = arith.mulf %exp3A, %mul3A_303 : vector<16xf32>
    tpu.vector_store_idx %arg30[%get3A_263], %exp3A {add = true} : memref<10112xf32, #tpu.memory_space<vmem>>[vector<16xi32>], vector<16xf32>,
    %scan3A_314 = arith.constant 0 : i32
    %scan3A_315 = arith.constant 0 : i32
    %scan3A_316 = arith.constant 16 : i32
    %scan3A_317 = arith.addi %scan3A_315, %scan3A_316 : i32
    %scan3A_318 = arith.constant 1 : i32
    scf.for %scan3A_325 = %scan3A_315 to %scan3A_317 step %scan3A_318  : i32 {
      %add3A_326 = arith.constant 0 : i32
      %add3A_327 = arith.addi %add3A_326, %scan3A_325 : i32
      %broadcast_in_dim3A_328 = vector.broadcast %scan3A_325 : i32 to vector<16xi32>
      %lt3A = arith.constant 0 : i32
      %lt3A_329 = vector.broadcast %lt3A : i32 to vector<16xi32>
      %lt3A_330 = arith.cmpi slt, %broadcast_in_dim3A_328, %lt3A_329 : vector<16xi32>
      %add3A_331 = arith.constant 16 : i32
      %add3A_332 = vector.broadcast %add3A_331 : i32 to vector<16xi32>
      %add3A_333 = arith.addi %broadcast_in_dim3A_328, %add3A_332 : vector<16xi32>
      %select_n3A = arith.select %lt3A_330, %add3A_333, %broadcast_in_dim3A_328 : vector<16xi1>, vector<16xi32>
      %broadcast_in_dim3A_334 = vector.shape_cast %select_n3A : vector<16xi32> to vector<16x1xi32>
      %gather3A_335 = vector.shape_cast %broadcast_in_dim3A_334 : vector<16x1xi32> to vector<16xi32>
      %gather3A_336 = tpu.dynamic_gather %mul3A_313[%gather3A_335] in [0] : vector<16xf32>, vector<16xi32> -> vector<16xf32>
      %get3A_337 = arith.index_cast %add3A_327 : i32 to index
      %get3A_338 = arith.constant 0 : index
      %get3A_339 = tpu.vector_load %arg26[%get3A_337, %get3A_338] {strides = array<i32>} : memref<48x128xf32, #tpu.memory_space<vmem>>, vector<16xf32>,
      %mul3A_340 = arith.mulf %get3A_339, %gather3A_336 : vector<16xf32>
      %swap3A_341 = arith.index_cast %add3A_327 : i32 to index
      %swap3A_342 = arith.constant 0 : index
      %swap3A_343 = tpu.vector_load %arg26[%swap3A_341, %swap3A_342] {strides = array<i32>} : memref<48x128xf32, #tpu.memory_space<vmem>>, vector<16xf32>,
      tpu.vector_store %arg26[%swap3A_341, %swap3A_342], %mul3A_340 {strides = array<i32>} : memref<48x128xf32, #tpu.memory_space<vmem>>, vector<16xf32>,
      %get3A_344 = arith.index_cast %add3A_327 : i32 to index
      %get3A_345 = arith.constant 16 : index
      %get3A_346 = tpu.vector_load %arg26[%get3A_344, %get3A_345] {strides = array<i32>} : memref<48x128xf32, #tpu.memory_space<vmem>>, vector<16xf32>,
      %mul3A_347 = arith.mulf %get3A_346, %gather3A_336 : vector<16xf32>
      %swap3A_348 = arith.index_cast %add3A_327 : i32 to index
      %swap3A_349 = arith.constant 16 : index
      %swap3A_350 = tpu.vector_load %arg26[%swap3A_348, %swap3A_349] {strides = array<i32>} : memref<48x128xf32, #tpu.memory_space<vmem>>, vector<16xf32>,
      tpu.vector_store %arg26[%swap3A_348, %swap3A_349], %mul3A_347 {strides = array<i32>} : memref<48x128xf32, #tpu.memory_space<vmem>>, vector<16xf32>,
      %get3A_351 = arith.index_cast %add3A_327 : i32 to index
      %get3A_352 = arith.constant 32 : index
      %get3A_353 = tpu.vector_load %arg26[%get3A_351, %get3A_352] {strides = array<i32>} : memref<48x128xf32, #tpu.memory_space<vmem>>, vector<16xf32>,
      %mul3A_354 = arith.mulf %get3A_353, %gather3A_336 : vector<16xf32>
      %swap3A_355 = arith.index_cast %add3A_327 : i32 to index
      %swap3A_356 = arith.constant 32 : index
      %swap3A_357 = tpu.vector_load %arg26[%swap3A_355, %swap3A_356] {strides = array<i32>} : memref<48x128xf32, #tpu.memory_space<vmem>>, vector<16xf32>,
      tpu.vector_store %arg26[%swap3A_355, %swap3A_356], %mul3A_354 {strides = array<i32>} : memref<48x128xf32, #tpu.memory_space<vmem>>, vector<16xf32>,
      %get3A_358 = arith.index_cast %add3A_327 : i32 to index
      %get3A_359 = arith.constant 48 : index
      %get3A_360 = tpu.vector_load %arg26[%get3A_358, %get3A_359] {strides = array<i32>} : memref<48x128xf32, #tpu.memory_space<vmem>>, vector<16xf32>,
      %mul3A_361 = arith.mulf %get3A_360, %gather3A_336 : vector<16xf32>
      %swap3A_362 = arith.index_cast %add3A_327 : i32 to index
      %swap3A_363 = arith.constant 48 : index
      %swap3A_364 = tpu.vector_load %arg26[%swap3A_362, %swap3A_363] {strides = array<i32>} : memref<48x128xf32, #tpu.memory_space<vmem>>, vector<16xf32>,
      tpu.vector_store %arg26[%swap3A_362, %swap3A_363], %mul3A_361 {strides = array<i32>} : memref<48x128xf32, #tpu.memory_space<vmem>>, vector<16xf32>,
      %get3A_365 = arith.index_cast %add3A_327 : i32 to index
      %get3A_366 = arith.constant 64 : index
      %get3A_367 = tpu.vector_load %arg26[%get3A_365, %get3A_366] {strides = array<i32>} : memref<48x128xf32, #tpu.memory_space<vmem>>, vector<16xf32>,
      %mul3A_368 = arith.mulf %get3A_367, %gather3A_336 : vector<16xf32>
      %swap3A_369 = arith.index_cast %add3A_327 : i32 to index
      %swap3A_370 = arith.constant 64 : index
      %swap3A_371 = tpu.vector_load %arg26[%swap3A_369, %swap3A_370] {strides = array<i32>} : memref<48x128xf32, #tpu.memory_space<vmem>>, vector<16xf32>,
      tpu.vector_store %arg26[%swap3A_369, %swap3A_370], %mul3A_368 {strides = array<i32>} : memref<48x128xf32, #tpu.memory_space<vmem>>, vector<16xf32>,
      %get3A_372 = arith.index_cast %add3A_327 : i32 to index
      %get3A_373 = arith.constant 80 : index
      %get3A_374 = tpu.vector_load %arg26[%get3A_372, %get3A_373] {strides = array<i32>} : memref<48x128xf32, #tpu.memory_space<vmem>>, vector<16xf32>,
      %mul3A_375 = arith.mulf %get3A_374, %gather3A_336 : vector<16xf32>
      %swap3A_376 = arith.index_cast %add3A_327 : i32 to index
      %swap3A_377 = arith.constant 80 : index
      %swap3A_378 = tpu.vector_load %arg26[%swap3A_376, %swap3A_377] {strides = array<i32>} : memref<48x128xf32, #tpu.memory_space<vmem>>, vector<16xf32>,
      tpu.vector_store %arg26[%swap3A_376, %swap3A_377], %mul3A_375 {strides = array<i32>} : memref<48x128xf32, #tpu.memory_space<vmem>>, vector<16xf32>,
      %get3A_379 = arith.index_cast %add3A_327 : i32 to index
      %get3A_380 = arith.constant 96 : index
      %get3A_381 = tpu.vector_load %arg26[%get3A_379, %get3A_380] {strides = array<i32>} : memref<48x128xf32, #tpu.memory_space<vmem>>, vector<16xf32>,
      %mul3A_382 = arith.mulf %get3A_381, %gather3A_336 : vector<16xf32>
      %swap3A_383 = arith.index_cast %add3A_327 : i32 to index
      %swap3A_384 = arith.constant 96 : index
      %swap3A_385 = tpu.vector_load %arg26[%swap3A_383, %swap3A_384] {strides = array<i32>} : memref<48x128xf32, #tpu.memory_space<vmem>>, vector<16xf32>,
      tpu.vector_store %arg26[%swap3A_383, %swap3A_384], %mul3A_382 {strides = array<i32>} : memref<48x128xf32, #tpu.memory_space<vmem>>, vector<16xf32>,
      %get3A_386 = arith.index_cast %add3A_327 : i32 to index
      %get3A_387 = arith.constant 112 : index
      %get3A_388 = tpu.vector_load %arg26[%get3A_386, %get3A_387] {strides = array<i32>} : memref<48x128xf32, #tpu.memory_space<vmem>>, vector<16xf32>,
      %mul3A_389 = arith.mulf %get3A_388, %gather3A_336 : vector<16xf32>
      %swap3A_390 = arith.index_cast %add3A_327 : i32 to index
      %swap3A_391 = arith.constant 112 : index
      %swap3A_392 = tpu.vector_load %arg26[%swap3A_390, %swap3A_391] {strides = array<i32>} : memref<48x128xf32, #tpu.memory_space<vmem>>, vector<16xf32>,
      tpu.vector_store %arg26[%swap3A_390, %swap3A_391], %mul3A_389 {strides = array<i32>} : memref<48x128xf32, #tpu.memory_space<vmem>>, vector<16xf32>,
    }
    %scan3A_319 = arith.constant 16 : i32
    "tpu.region"() ({
      %run_scoped3A = tpu.sem_alloc : memref<!tpu.dma_semaphore, #tpu.memory_space<semaphore_mem>>
      %dma_start3A_325 = arith.constant 0 : i32
      %dma_start3A_326 = arith.constant 0 : i32
      %dma_start3A_327 = tpu.memref_slice %arg26[%dma_start3A_325, %dma_start3A_326] : memref<48x128xf32, #tpu.memory_space<vmem>> -> memref<16x128xf32, #tpu.memory_space<vmem>>
      %dma_start3A_328 = arith.constant 0 : i32
      %dma_start3A_329 = arith.constant 0 : i32
      %dma_start3A_330 = tpu.memref_slice %arg31[%dma_start3A_328, %dma_start3A_329] : memref<10112x128xf32, #tpu.memory_space<vmem_shared>> -> memref<10112x128xf32, #tpu.memory_space<vmem_shared>>
      tpu.enqueue_indirect_dma source(%dma_start3A_327 : memref<16x128xf32, #tpu.memory_space<vmem>>) target(%dma_start3A_330 : memref<10112x128xf32, #tpu.memory_space<vmem_shared>>) offsets(%arg21 : memref<16xi32, #tpu.memory_space<vmem>>) semaphore(%run_scoped3A : memref<!tpu.dma_semaphore, #tpu.memory_space<semaphore_mem>>) {add = true}
      %dma_wait3A_331 = arith.constant 0 : i32
      %dma_wait3A_332 = arith.constant 0 : i32
      %dma_wait3A_333 = tpu.memref_slice %arg26[%dma_wait3A_331, %dma_wait3A_332] : memref<48x128xf32, #tpu.memory_space<vmem>> -> memref<16x128xf32, #tpu.memory_space<vmem>>
      %dma_wait3A_334 = arith.constant 0 : i32
      %dma_wait3A_335 = arith.constant 0 : i32
      %dma_wait3A_336 = tpu.memref_slice %arg31[%dma_wait3A_334, %dma_wait3A_335] : memref<10112x128xf32, #tpu.memory_space<vmem_shared>> -> memref<10112x128xf32, #tpu.memory_space<vmem_shared>>
      tpu.wait_indirect_dma semaphore(%run_scoped3A : memref<!tpu.dma_semaphore, #tpu.memory_space<semaphore_mem>>) src(%dma_wait3A_333 : memref<16x128xf32, #tpu.memory_space<vmem>>) dst(%dma_wait3A_336 : memref<10112x128xf32, #tpu.memory_space<vmem_shared>>)
      tpu.yield
    }) : () -> ()
    %barrier3A_320 = arith.constant 0 : index
    tpu.barrier barrier_id(%barrier3A_320)
    %mul3A_321 = arith.constant 632 : i32
    %mul3A_322 = arith.muli %arg1, %mul3A_321 : i32
    %mul3A_323 = arith.constant 632 : i32
    %mul3A_324 = arith.muli %arg1, %mul3A_323 : i32
    "tpu.region"() ({
      %run_scoped3A = tpu.sem_alloc : memref<!tpu.dma_semaphore, #tpu.memory_space<semaphore_mem>>
      %dma_start3A_325 = arith.constant 0 : i32
      %dma_start3A_326 = tpu.memref_slice %arg14[%arg0, %mul3A_324, %dma_start3A_325] : memref<2x10112x128xf32, #tpu.memory_space<hbm>> -> memref<1x632x128xf32, #tpu.memory_space<hbm>>
      %dma_start3A_327 = tpu.memref_squeeze %dma_start3A_326 : memref<1x632x128xf32, #tpu.memory_space<hbm>> -> memref<632x128xf32, #tpu.memory_space<hbm>>
      %dma_start3A_328 = arith.constant 0 : i32
      %dma_start3A_329 = tpu.memref_slice %arg31[%mul3A_322, %dma_start3A_328] : memref<10112x128xf32, #tpu.memory_space<vmem_shared>> -> memref<632x128xf32, #tpu.memory_space<vmem_shared>>
      tpu.enqueue_dma source(%dma_start3A_329 : memref<632x128xf32, #tpu.memory_space<vmem_shared>>) target(%dma_start3A_327 : memref<632x128xf32, #tpu.memory_space<hbm>>) target_semaphore(%run_scoped3A : memref<!tpu.dma_semaphore, #tpu.memory_space<semaphore_mem>>)
      %dma_wait3A_330 = arith.constant 0 : i32
      %dma_wait3A_331 = tpu.memref_slice %arg14[%arg0, %mul3A_324, %dma_wait3A_330] : memref<2x10112x128xf32, #tpu.memory_space<hbm>> -> memref<1x632x128xf32, #tpu.memory_space<hbm>>
      %dma_wait3A_332 = tpu.memref_squeeze %dma_wait3A_331 : memref<1x632x128xf32, #tpu.memory_space<hbm>> -> memref<632x128xf32, #tpu.memory_space<hbm>>
      %dma_wait3A_333 = arith.constant 0 : i32
      %dma_wait3A_334 = tpu.memref_slice %arg31[%mul3A_322, %dma_wait3A_333] : memref<10112x128xf32, #tpu.memory_space<vmem_shared>> -> memref<632x128xf32, #tpu.memory_space<vmem_shared>>
      tpu.wait_dma2 semaphore(%run_scoped3A : memref<!tpu.dma_semaphore, #tpu.memory_space<semaphore_mem>>) src(%dma_wait3A_334 : memref<632x128xf32, #tpu.memory_space<vmem_shared>>) dst(%dma_wait3A_332 : memref<632x128xf32, #tpu.memory_space<hbm>>)
      tpu.yield
    }) : () -> ()
    "tpu.region"() ({
      %run_scoped3A = tpu.sem_alloc : memref<!tpu.dma_semaphore, #tpu.memory_space<semaphore_mem>>
      %dma_start3A_325 = arith.constant 0 : i32
      %dma_start3A_326 = tpu.memref_slice %arg15[%add3A, %dma_start3A_325] : memref<32x10112xf32, #tpu.memory_space<hbm>> -> memref<1x10112xf32, #tpu.memory_space<hbm>>
      %dma_start3A_327 = tpu.memref_squeeze %dma_start3A_326 : memref<1x10112xf32, #tpu.memory_space<hbm>> -> memref<10112xf32, #tpu.memory_space<hbm>>
      %dma_start3A_328 = arith.constant 0 : i32
      %dma_start3A_329 = tpu.memref_slice %arg15[%add3A, %dma_start3A_328] : memref<32x10112xf32, #tpu.memory_space<hbm>> -> memref<1x10112xf32, #tpu.memory_space<hbm>>
      %dma_start3A_330 = tpu.memref_squeeze %dma_start3A_329 : memref<1x10112xf32, #tpu.memory_space<hbm>> -> memref<10112xf32, #tpu.memory_space<hbm>>
      tpu.enqueue_dma source(%arg30 : memref<10112xf32, #tpu.memory_space<vmem>>) target(%dma_start3A_330 : memref<10112xf32, #tpu.memory_space<hbm>>) target_semaphore(%run_scoped3A : memref<!tpu.dma_semaphore, #tpu.memory_space<semaphore_mem>>)
      %dma_wait3A_331 = arith.constant 0 : i32
      %dma_wait3A_332 = tpu.memref_slice %arg15[%add3A, %dma_wait3A_331] : memref<32x10112xf32, #tpu.memory_space<hbm>> -> memref<1x10112xf32, #tpu.memory_space<hbm>>
      %dma_wait3A_333 = tpu.memref_squeeze %dma_wait3A_332 : memref<1x10112xf32, #tpu.memory_space<hbm>> -> memref<10112xf32, #tpu.memory_space<hbm>>
      %dma_wait3A_334 = arith.constant 0 : i32
      %dma_wait3A_335 = tpu.memref_slice %arg15[%add3A, %dma_wait3A_334] : memref<32x10112xf32, #tpu.memory_space<hbm>> -> memref<1x10112xf32, #tpu.memory_space<hbm>>
      %dma_wait3A_336 = tpu.memref_squeeze %dma_wait3A_335 : memref<1x10112xf32, #tpu.memory_space<hbm>> -> memref<10112xf32, #tpu.memory_space<hbm>>
      tpu.wait_dma2 semaphore(%run_scoped3A : memref<!tpu.dma_semaphore, #tpu.memory_space<semaphore_mem>>) src(%arg30 : memref<10112xf32, #tpu.memory_space<vmem>>) dst(%dma_wait3A_336 : memref<10112xf32, #tpu.memory_space<hbm>>)
      tpu.yield
    }) : () -> ()
    return
  }
}

module attributes {stable_mosaic.version = 14 : i64} {
  func.func @_edge_pre_body(%arg0: i32, %arg1: memref<2048x16xf32, #tpu.memory_space<vmem>>, %arg2: memref<16x128xf32, #tpu.memory_space<vmem>>, %arg3: memref<2048x128xf32, #tpu.memory_space<vmem>>, %arg4: memref<2048xf32, #tpu.memory_space<vmem>>, %arg5: memref<2048xf32, #tpu.memory_space<vmem>>) attributes {dimension_semantics = [#tpu.dimension_semantics<arbitrary>], iteration_bounds = array<i64: 157>, scalar_prefetch = 0 : i64, scratch_operands = 0 : i64, tpu.core_type = #tpu.core_type<tc>, window_params = [{transform_indices = @transform_0, window_bounds = array<i64: 2048, 16>}, {pipeline_mode = #tpu.pipeline_mode<synchronous>, transform_indices = @transform_1, window_bounds = array<i64: 16, 128>}, {transform_indices = @transform_2, window_bounds = array<i64: 2048, 128>}, {transform_indices = @transform_3, window_bounds = array<i64: 2048>}, {transform_indices = @transform_4, window_bounds = array<i64: 2048>}]} {
    %get3A = arith.constant 0 : index
    %get3A_0 = arith.constant 0 : index
    %get3A_1 = vector.load %arg1[%get3A, %get3A_0] : memref<2048x16xf32, #tpu.memory_space<vmem>>, vector<2048x16xf32>
    %get3A_2 = arith.constant 0 : index
    %get3A_3 = arith.constant 0 : index
    %get3A_4 = vector.load %arg2[%get3A_2, %get3A_3] : memref<16x128xf32, #tpu.memory_space<vmem>>, vector<16x128xf32>
    %dot_general3A = arith.constant dense<0.000000e+00> : vector<2048x128xf32>
    %dot_general3A_5 = tpu.matmul %get3A_1, %get3A_4, %dot_general3A {dimension_numbers = #tpu.dot_dimension_numbers<[1], [0], [0], [1], [0, 0, 1, 1], [], []>, transpose_lhs_hint = false} : vector<2048x16xf32>, vector<16x128xf32>, vector<2048x128xf32> -> vector<2048x128xf32>
    %swap3A = arith.constant 0 : index
    %swap3A_6 = arith.constant 0 : index
    %swap3A_7 = vector.load %arg3[%swap3A, %swap3A_6] : memref<2048x128xf32, #tpu.memory_space<vmem>>, vector<2048x128xf32>
    tpu.vector_store %arg3[%swap3A, %swap3A_6], %dot_general3A_5 {strides = array<i32>} : memref<2048x128xf32, #tpu.memory_space<vmem>>, vector<2048x128xf32>,
    %reduce_sum3A = arith.constant dense<0.000000e+00> : vector<2048xf32>
    %reduce_sum3A_8 = vector.multi_reduction <add>, %get3A_1, %reduce_sum3A [1] : vector<2048x16xf32> to vector<2048xf32>
    %swap3A_9 = arith.constant 0 : index
    %swap3A_10 = vector.load %arg4[%swap3A_9] : memref<2048xf32, #tpu.memory_space<vmem>>, vector<2048xf32>
    tpu.vector_store %arg4[%swap3A_9], %reduce_sum3A_8 {strides = array<i32>} : memref<2048xf32, #tpu.memory_space<vmem>>, vector<2048xf32>,
    %mul3A = arith.mulf %get3A_1, %get3A_1 : vector<2048x16xf32>
    %reduce_sum3A_11 = arith.constant dense<0.000000e+00> : vector<2048xf32>
    %reduce_sum3A_12 = vector.multi_reduction <add>, %mul3A, %reduce_sum3A_11 [1] : vector<2048x16xf32> to vector<2048xf32>
    %swap3A_13 = arith.constant 0 : index
    %swap3A_14 = vector.load %arg5[%swap3A_13] : memref<2048xf32, #tpu.memory_space<vmem>>, vector<2048xf32>
    tpu.vector_store %arg5[%swap3A_13], %reduce_sum3A_12 {strides = array<i32>} : memref<2048xf32, #tpu.memory_space<vmem>>, vector<2048xf32>,
    return
  }
  func.func @transform_0(%arg0: i32) -> (i32, i32) {
    %c0_i32 = arith.constant 0 : i32
    %c0_i32_0 = arith.constant 0 : i32
    return %arg0, %c0_i32 : i32, i32
  }
  func.func @transform_1(%arg0: i32) -> (i32, i32) {
    %c0_i32 = arith.constant 0 : i32
    %c0_i32_0 = arith.constant 0 : i32
    %c0_i32_1 = arith.constant 0 : i32
    return %c0_i32, %c0_i32_0 : i32, i32
  }
  func.func @transform_2(%arg0: i32) -> (i32, i32) {
    %c0_i32 = arith.constant 0 : i32
    %c0_i32_0 = arith.constant 0 : i32
    return %arg0, %c0_i32 : i32, i32
  }
  func.func @transform_3(%arg0: i32) -> i32 {
    %c0_i32 = arith.constant 0 : i32
    return %arg0 : i32
  }
  func.func @transform_4(%arg0: i32) -> i32 {
    %c0_i32 = arith.constant 0 : i32
    return %arg0 : i32
  }
}

module attributes {stable_mosaic.version = 14 : i64} {
  func.func @_node_pre_body(%arg0: i32, %arg1: memref<1024x128xf32, #tpu.memory_space<vmem>>, %arg2: memref<128x128xf32, #tpu.memory_space<vmem>>, %arg3: memref<128x128xf32, #tpu.memory_space<vmem>>, %arg4: memref<1024x128xf32, #tpu.memory_space<vmem>>, %arg5: memref<1024x128xf32, #tpu.memory_space<vmem>>, %arg6: memref<1024xf32, #tpu.memory_space<vmem>>, %arg7: memref<1024xf32, #tpu.memory_space<vmem>>) attributes {dimension_semantics = [#tpu.dimension_semantics<arbitrary>], iteration_bounds = array<i64: 10>, scalar_prefetch = 0 : i64, scratch_operands = 0 : i64, tpu.core_type = #tpu.core_type<tc>, window_params = [{transform_indices = @transform_0, window_bounds = array<i64: 1024, 128>}, {pipeline_mode = #tpu.pipeline_mode<synchronous>, transform_indices = @transform_1, window_bounds = array<i64: 128, 128>}, {pipeline_mode = #tpu.pipeline_mode<synchronous>, transform_indices = @transform_2, window_bounds = array<i64: 128, 128>}, {transform_indices = @transform_3, window_bounds = array<i64: 1024, 128>}, {transform_indices = @transform_4, window_bounds = array<i64: 1024, 128>}, {transform_indices = @transform_5, window_bounds = array<i64: 1024>}, {transform_indices = @transform_6, window_bounds = array<i64: 1024>}]} {
    %get3A = arith.constant 0 : index
    %get3A_0 = arith.constant 0 : index
    %get3A_1 = vector.load %arg1[%get3A, %get3A_0] : memref<1024x128xf32, #tpu.memory_space<vmem>>, vector<1024x128xf32>
    %get3A_2 = arith.constant 0 : index
    %get3A_3 = arith.constant 0 : index
    %get3A_4 = vector.load %arg2[%get3A_2, %get3A_3] : memref<128x128xf32, #tpu.memory_space<vmem>>, vector<128x128xf32>
    %dot_general3A = arith.constant dense<0.000000e+00> : vector<1024x128xf32>
    %dot_general3A_5 = tpu.matmul %get3A_1, %get3A_4, %dot_general3A {dimension_numbers = #tpu.dot_dimension_numbers<[1], [0], [0], [1], [0, 0, 1, 1], [], []>, transpose_lhs_hint = false} : vector<1024x128xf32>, vector<128x128xf32>, vector<1024x128xf32> -> vector<1024x128xf32>
    %swap3A = arith.constant 0 : index
    %swap3A_6 = arith.constant 0 : index
    %swap3A_7 = vector.load %arg4[%swap3A, %swap3A_6] : memref<1024x128xf32, #tpu.memory_space<vmem>>, vector<1024x128xf32>
    tpu.vector_store %arg4[%swap3A, %swap3A_6], %dot_general3A_5 {strides = array<i32>} : memref<1024x128xf32, #tpu.memory_space<vmem>>, vector<1024x128xf32>,
    %get3A_8 = arith.constant 0 : index
    %get3A_9 = arith.constant 0 : index
    %get3A_10 = vector.load %arg3[%get3A_8, %get3A_9] : memref<128x128xf32, #tpu.memory_space<vmem>>, vector<128x128xf32>
    %dot_general3A_11 = arith.constant dense<0.000000e+00> : vector<1024x128xf32>
    %dot_general3A_12 = tpu.matmul %get3A_1, %get3A_10, %dot_general3A_11 {dimension_numbers = #tpu.dot_dimension_numbers<[1], [0], [0], [1], [0, 0, 1, 1], [], []>, transpose_lhs_hint = false} : vector<1024x128xf32>, vector<128x128xf32>, vector<1024x128xf32> -> vector<1024x128xf32>
    %swap3A_13 = arith.constant 0 : index
    %swap3A_14 = arith.constant 0 : index
    %swap3A_15 = vector.load %arg5[%swap3A_13, %swap3A_14] : memref<1024x128xf32, #tpu.memory_space<vmem>>, vector<1024x128xf32>
    tpu.vector_store %arg5[%swap3A_13, %swap3A_14], %dot_general3A_12 {strides = array<i32>} : memref<1024x128xf32, #tpu.memory_space<vmem>>, vector<1024x128xf32>,
    %reduce_sum3A = arith.constant dense<0.000000e+00> : vector<1024xf32>
    %reduce_sum3A_16 = vector.multi_reduction <add>, %get3A_1, %reduce_sum3A [1] : vector<1024x128xf32> to vector<1024xf32>
    %swap3A_17 = arith.constant 0 : index
    %swap3A_18 = vector.load %arg6[%swap3A_17] : memref<1024xf32, #tpu.memory_space<vmem>>, vector<1024xf32>
    tpu.vector_store %arg6[%swap3A_17], %reduce_sum3A_16 {strides = array<i32>} : memref<1024xf32, #tpu.memory_space<vmem>>, vector<1024xf32>,
    %mul3A = arith.mulf %get3A_1, %get3A_1 : vector<1024x128xf32>
    %reduce_sum3A_19 = arith.constant dense<0.000000e+00> : vector<1024xf32>
    %reduce_sum3A_20 = vector.multi_reduction <add>, %mul3A, %reduce_sum3A_19 [1] : vector<1024x128xf32> to vector<1024xf32>
    %swap3A_21 = arith.constant 0 : index
    %swap3A_22 = vector.load %arg7[%swap3A_21] : memref<1024xf32, #tpu.memory_space<vmem>>, vector<1024xf32>
    tpu.vector_store %arg7[%swap3A_21], %reduce_sum3A_20 {strides = array<i32>} : memref<1024xf32, #tpu.memory_space<vmem>>, vector<1024xf32>,
    return
  }
  func.func @transform_0(%arg0: i32) -> (i32, i32) {
    %c0_i32 = arith.constant 0 : i32
    %c0_i32_0 = arith.constant 0 : i32
    return %arg0, %c0_i32 : i32, i32
  }
  func.func @transform_1(%arg0: i32) -> (i32, i32) {
    %c0_i32 = arith.constant 0 : i32
    %c0_i32_0 = arith.constant 0 : i32
    %c0_i32_1 = arith.constant 0 : i32
    return %c0_i32, %c0_i32_0 : i32, i32
  }
  func.func @transform_2(%arg0: i32) -> (i32, i32) {
    %c0_i32 = arith.constant 0 : i32
    %c0_i32_0 = arith.constant 0 : i32
    %c0_i32_1 = arith.constant 0 : i32
    return %c0_i32, %c0_i32_0 : i32, i32
  }
  func.func @transform_3(%arg0: i32) -> (i32, i32) {
    %c0_i32 = arith.constant 0 : i32
    %c0_i32_0 = arith.constant 0 : i32
    return %arg0, %c0_i32 : i32, i32
  }
  func.func @transform_4(%arg0: i32) -> (i32, i32) {
    %c0_i32 = arith.constant 0 : i32
    %c0_i32_0 = arith.constant 0 : i32
    return %arg0, %c0_i32 : i32, i32
  }
  func.func @transform_5(%arg0: i32) -> i32 {
    %c0_i32 = arith.constant 0 : i32
    return %arg0 : i32
  }
  func.func @transform_6(%arg0: i32) -> i32 {
    %c0_i32 = arith.constant 0 : i32
    return %arg0 : i32
  }
}

module attributes {stable_mosaic.version = 14 : i64} {
  func.func @_node_post_body(%arg0: i32, %arg1: memref<1024x128xf32, #tpu.memory_space<vmem>>, %arg2: memref<2x1024x128xf32, #tpu.memory_space<vmem>>, %arg3: memref<32x1024xf32, #tpu.memory_space<vmem>>, %arg4: memref<256x128xf32, #tpu.memory_space<vmem>>, %arg5: memref<1x128xf32, #tpu.memory_space<vmem>>, %arg6: memref<1024x128xf32, #tpu.memory_space<vmem>>) attributes {dimension_semantics = [#tpu.dimension_semantics<arbitrary>], iteration_bounds = array<i64: 10>, scalar_prefetch = 0 : i64, scratch_operands = 0 : i64, tpu.core_type = #tpu.core_type<tc>, window_params = [{transform_indices = @transform_0, window_bounds = array<i64: 1024, 128>}, {transform_indices = @transform_1, window_bounds = array<i64: 2, 1024, 128>}, {transform_indices = @transform_2, window_bounds = array<i64: 32, 1024>}, {pipeline_mode = #tpu.pipeline_mode<synchronous>, transform_indices = @transform_3, window_bounds = array<i64: 256, 128>}, {pipeline_mode = #tpu.pipeline_mode<synchronous>, transform_indices = @transform_4, window_bounds = array<i64: 1, 128>}, {transform_indices = @transform_5, window_bounds = array<i64: 1024, 128>}]} {
    %get3A = arith.constant 0 : index
    %get3A_0 = arith.constant 0 : index
    %get3A_1 = arith.constant 0 : index
    %get3A_2 = vector.load %arg2[%get3A, %get3A_0, %get3A_1] : memref<2x1024x128xf32, #tpu.memory_space<vmem>>, vector<2x1024x128xf32>
    %slice3A = vector.extract_strided_slice %get3A_2 {offsets = [0, 0, 0], sizes = [1, 1024, 128], strides = [1, 1, 1]} : vector<2x1024x128xf32> to vector<1x1024x128xf32>
    %squeeze3A = vector.shape_cast %slice3A : vector<1x1024x128xf32> to vector<1024x128xf32>
    %slice3A_3 = vector.extract_strided_slice %get3A_2 {offsets = [1, 0, 0], sizes = [1, 1024, 128], strides = [1, 1, 1]} : vector<2x1024x128xf32> to vector<1x1024x128xf32>
    %squeeze3A_4 = vector.shape_cast %slice3A_3 : vector<1x1024x128xf32> to vector<1024x128xf32>
    %add3A = arith.addf %squeeze3A, %squeeze3A_4 : vector<1024x128xf32>
    %get3A_5 = arith.constant 0 : index
    %get3A_6 = arith.constant 0 : index
    %get3A_7 = vector.load %arg3[%get3A_5, %get3A_6] : memref<32x1024xf32, #tpu.memory_space<vmem>>, vector<32x1024xf32>
    %reduce_sum3A = arith.constant dense<0.000000e+00> : vector<1024xf32>
    %reduce_sum3A_8 = vector.multi_reduction <add>, %get3A_7, %reduce_sum3A [0] : vector<32x1024xf32> to vector<1024xf32>
    %max3A = arith.constant 9.99999968E-21 : f32
    %max3A_9 = vector.broadcast %max3A : f32 to vector<1024xf32>
    %max3A_10 = arith.maximumf %reduce_sum3A_8, %max3A_9 : vector<1024xf32>
    %broadcast_in_dim3A = vector.shape_cast %max3A_10 : vector<1024xf32> to vector<1024x1xf32>
    %div3A = vector.broadcast %broadcast_in_dim3A : vector<1024x1xf32> to vector<1024x128xf32>
    %div3A_11 = arith.divf %add3A, %div3A : vector<1024x128xf32>
    %get3A_12 = arith.constant 0 : index
    %get3A_13 = arith.constant 0 : index
    %get3A_14 = vector.load %arg1[%get3A_12, %get3A_13] : memref<1024x128xf32, #tpu.memory_space<vmem>>, vector<1024x128xf32>
    %concatenate3A = tpu.concatenate %get3A_14, %div3A_11 in 1 : vector<1024x128xf32>, vector<1024x128xf32> -> vector<1024x256xf32>
    %reduce_sum3A_15 = arith.constant dense<0.000000e+00> : vector<1024xf32>
    %reduce_sum3A_16 = vector.multi_reduction <add>, %concatenate3A, %reduce_sum3A_15 [1] : vector<1024x256xf32> to vector<1024xf32>
    %broadcast_in_dim3A_17 = vector.shape_cast %reduce_sum3A_16 : vector<1024xf32> to vector<1024x1xf32>
    %div3A_18 = arith.constant 2.560000e+02 : f32
    %div3A_19 = vector.broadcast %div3A_18 : f32 to vector<1024x1xf32>
    %div3A_20 = arith.divf %broadcast_in_dim3A_17, %div3A_19 : vector<1024x1xf32>
    %mul3A = arith.mulf %concatenate3A, %concatenate3A : vector<1024x256xf32>
    %reduce_sum3A_21 = arith.constant dense<0.000000e+00> : vector<1024xf32>
    %reduce_sum3A_22 = vector.multi_reduction <add>, %mul3A, %reduce_sum3A_21 [1] : vector<1024x256xf32> to vector<1024xf32>
    %broadcast_in_dim3A_23 = vector.shape_cast %reduce_sum3A_22 : vector<1024xf32> to vector<1024x1xf32>
    %div3A_24 = arith.constant 2.560000e+02 : f32
    %div3A_25 = vector.broadcast %div3A_24 : f32 to vector<1024x1xf32>
    %div3A_26 = arith.divf %broadcast_in_dim3A_23, %div3A_25 : vector<1024x1xf32>
    %mul3A_27 = arith.mulf %div3A_20, %div3A_20 : vector<1024x1xf32>
    %sub3A = arith.subf %div3A_26, %mul3A_27 : vector<1024x1xf32>
    %sub3A_28 = vector.broadcast %div3A_20 : vector<1024x1xf32> to vector<1024x256xf32>
    %sub3A_29 = arith.subf %concatenate3A, %sub3A_28 : vector<1024x256xf32>
    %add3A_30 = arith.constant 9.99999974E-6 : f32
    %add3A_31 = vector.broadcast %add3A_30 : f32 to vector<1024x1xf32>
    %add3A_32 = arith.addf %sub3A, %add3A_31 : vector<1024x1xf32>
    %rsqrt3A = math.rsqrt %add3A_32 : vector<1024x1xf32>
    %mul3A_33 = vector.broadcast %rsqrt3A : vector<1024x1xf32> to vector<1024x256xf32>
    %mul3A_34 = arith.mulf %sub3A_29, %mul3A_33 : vector<1024x256xf32>
    %get3A_35 = arith.constant 0 : index
    %get3A_36 = arith.constant 0 : index
    %get3A_37 = vector.load %arg4[%get3A_35, %get3A_36] : memref<256x128xf32, #tpu.memory_space<vmem>>, vector<256x128xf32>
    %dot_general3A = arith.constant dense<0.000000e+00> : vector<1024x128xf32>
    %dot_general3A_38 = tpu.matmul %mul3A_34, %get3A_37, %dot_general3A {dimension_numbers = #tpu.dot_dimension_numbers<[1], [0], [0], [1], [0, 0, 1, 1], [], []>, transpose_lhs_hint = false} : vector<1024x256xf32>, vector<256x128xf32>, vector<1024x128xf32> -> vector<1024x128xf32>
    %get3A_39 = arith.constant 0 : index
    %get3A_40 = arith.constant 0 : index
    %get3A_41 = vector.load %arg5[%get3A_39, %get3A_40] : memref<1x128xf32, #tpu.memory_space<vmem>>, vector<1x128xf32>
    %add3A_42 = vector.broadcast %get3A_41 : vector<1x128xf32> to vector<1024x128xf32>
    %add3A_43 = arith.addf %dot_general3A_38, %add3A_42 : vector<1024x128xf32>
    %ge3A = arith.constant 0.000000e+00 : f32
    %ge3A_44 = vector.broadcast %ge3A : f32 to vector<1024x128xf32>
    %ge3A_45 = arith.cmpf oge, %add3A_43, %ge3A_44 : vector<1024x128xf32>
    %mul3A_46 = arith.constant 0.00999999977 : f32
    %mul3A_47 = vector.broadcast %mul3A_46 : f32 to vector<1024x128xf32>
    %mul3A_48 = arith.mulf %mul3A_47, %add3A_43 : vector<1024x128xf32>
    %select_n3A = arith.select %ge3A_45, %add3A_43, %mul3A_48 : vector<1024x128xi1>, vector<1024x128xf32>
    %swap3A = arith.constant 0 : index
    %swap3A_49 = arith.constant 0 : index
    %swap3A_50 = vector.load %arg6[%swap3A, %swap3A_49] : memref<1024x128xf32, #tpu.memory_space<vmem>>, vector<1024x128xf32>
    tpu.vector_store %arg6[%swap3A, %swap3A_49], %select_n3A {strides = array<i32>} : memref<1024x128xf32, #tpu.memory_space<vmem>>, vector<1024x128xf32>,
    return
  }
  func.func @transform_0(%arg0: i32) -> (i32, i32) {
    %c0_i32 = arith.constant 0 : i32
    %c0_i32_0 = arith.constant 0 : i32
    return %arg0, %c0_i32 : i32, i32
  }
  func.func @transform_1(%arg0: i32) -> (i32, i32, i32) {
    %c0_i32 = arith.constant 0 : i32
    %c0_i32_0 = arith.constant 0 : i32
    %c0_i32_1 = arith.constant 0 : i32
    return %c0_i32, %arg0, %c0_i32_0 : i32, i32, i32
  }
  func.func @transform_2(%arg0: i32) -> (i32, i32) {
    %c0_i32 = arith.constant 0 : i32
    %c0_i32_0 = arith.constant 0 : i32
    return %c0_i32, %arg0 : i32, i32
  }
  func.func @transform_3(%arg0: i32) -> (i32, i32) {
    %c0_i32 = arith.constant 0 : i32
    %c0_i32_0 = arith.constant 0 : i32
    %c0_i32_1 = arith.constant 0 : i32
    return %c0_i32, %c0_i32_0 : i32, i32
  }
  func.func @transform_4(%arg0: i32) -> (i32, i32) {
    %c0_i32 = arith.constant 0 : i32
    %c0_i32_0 = arith.constant 0 : i32
    %c0_i32_1 = arith.constant 0 : i32
    return %c0_i32, %c0_i32_0 : i32, i32
  }
  func.func @transform_5(%arg0: i32) -> (i32, i32) {
    %c0_i32 = arith.constant 0 : i32
    %c0_i32_0 = arith.constant 0 : i32
    return %arg0, %c0_i32 : i32, i32
  }
}

</mosaic_0001>

<sc_bundles>
// kernel: kernel.6.cloned.1.call-start
scs
__scs_entry_jumppad:
0x0: {  	(pc) =	sbr.rel $0x88, $3  }
0x1: {  	(tag) =	ssettag $0x0;
	lr =	simm.s32 $0x1  }
0x2: {  	[smem:$0x3F99] =	sst lr;
	_ =	strace $0xD0000000  }
0x3: {  	_ = 	snop  }
0x4: {  	_ = 	snop  }
0x5: {  	_ = 	snop  }
0x6: {  	_ = 	snop  }
0x7: {  	_ = 	snop  }
__scs_overlays_trampoline_lowered:
0x8: {  	[smem:$0x3FA8] =	sst s0  }
0x9: {  	[smem:$0x3FA9] =	sst s1  }
0xa: {  	[smem:$0x3FAA] =	sst s2  }
0xb: {  	[smem:$0x3FAB] =	sst s3  }
0xc: {  	[smem:$0x3FAC] =	sst s4  }
0xd: {  	[smem:$0x3FAD] =	sst s5  }
0xe: {  	[smem:$0x3FAE] =	sst s6  }
0xf: {  	[smem:$0x3FAF] =	sst s7  }
0x10: {  	[smem:$0x3FB0] =	sst s8  }
0x11: {  	[smem:$0x3FB1] =	sst s9;
	s0 =	simm.s32 @!p0 $0x0  }
0x12: {  	s1 =	sld [smem:$0x3F97];
	s0 =	simm.s32 @p0 $0x1  }
0x13: {  	[smem:$0x3FB2] =	sst s0;
	s0 =	simm.s32 @!p1 $0x0  }
0x14: {  	s2 =	sld [smem:$0x3F96];
	s0 =	simm.s32 @p1 $0x1  }
0x15: {  	[smem:$0x3FB3] =	sst s0;
	s0 =	simm.s32 @!p2 $0x0  }
0x16: {  	s3 =	sld [smem:$0x3FDB];
	s0 =	simm.s32 @p2 $0x1  }
0x17: {  	s4 =	simm.s32 $0x1BF5;
	[smem:$0x3FB5] =	sst s0  }
0x18: {  	s0 =	sld [smem:$0x3F98];
	_ =	swait.ge [sflag:s4], $0x0  }
0x19: {  	s7 =	sld [smem:$0x3F99]  }
0x1a: {  	s8 =	sadd.s32 $0xFFFFE003, lr  }
0x1b: {  	s9 =	sadd.s32 $0xFFFFFEF7, lr;
	s5 =	simm.s32 $0xFFFFFFFF;
	p2 =	slt.u32 s8, $0xFFFFF086  }
0x1c: {  	p1 =	slt.u32 s9, $0xF7A;
	s5 =	simm.s32 @!p2 $0x0  }
0x1d: {  	s5 =	simm.s32 @p1 $0x1;
	p0 =	seq.s32 s7, s2  }
0x1e: {  	s7 =	smul.u32 @!p0 $0xF7A, s2;
	p2 =	seq.s32 @!p0 s5, $0x0  }
0x1f: {  	s9 =	smul.u32 $0xF7A, s1;
	s8 =	simm.s32 @!p0 $0x1BF5;
	p2 =	por !p2, p0  }
0x20: {  	[sflag:s8] =	ssyncset.s32 @!p0 $0xFFFFF086;
	s6 =	sadd.s32 @!p0 s3, s7;
	s7 =	simm.s32 @!p0 $0x108  }
0x21: {  	s3 =	sadd.s32 s3, s9;
	s6 =	sadd.s32 @!p0 $0x88, s6;
	s7 =	simm.s32 @p2 $0x1082  }
0x22: {  	[simem:s7], [sflag:s8] =	dma.local @!p0 [hbm:s6], $0xF7A  }
0x23: {  	s9 =	sor.u32 $0xD0000000, s2;
	s6 =	simm.s32 $0x108;
	_ =	swait.ge @!p0 [sflag:s8], $0x0  }
0x24: {  	s3 =	sadd.s32 $0x88, s3;
	s6 =	simm.s32 @!p1 $0x1082;
	[sflag:s4] =	ssyncset.s32 $0xFFFFF086  }
0x25: {  	[simem:s6], [sflag:s4] =	dma.local [hbm:s3], $0xF7A  }
0x26: {  	[smem:$0x3F99] =	sst s1;
	(tag) =	ssettag s2;
	_ =	strace s9  }
0x27: {  	s1 =	sld [smem:$0x3FA9]  }
0x28: {  	s2 =	sld [smem:$0x3FAA]  }
0x29: {  	s4 =	sld [smem:$0x3FAC]  }
0x2a: {  	p0 =	seq.s32 s5, $0x0;
	s5 =	sld [smem:$0x3FAD]  }
0x2b: {  	s6 =	sld [smem:$0x3FAE]  }
0x2c: {  	s7 =	sld [smem:$0x3FAF]  }
0x2d: {  	s3 =	simm.s32 $0x108;
	s8 =	sld [smem:$0x3FB0]  }
0x2e: {  	s3 =	simm.s32 @!p0 $0x1082;
	s9 =	sld [smem:$0x3FB1]  }
0x2f: {  	lr =	sadd.s32 s0, s3;
	s0 =	sld [smem:$0x3FA8]  }
0x30: {  	s3 =	sld [smem:$0x3FAB]  }
0x31: {  	[smem:$0x3FB4] =	sst s10  }
0x32: {  	s10 =	sld [smem:$0x3FB2];
	_ =	sdelay $0x3  }
0x33: {  	p0 =	seq.s32 s10, $0x1;
	s10 =	sld [smem:$0x3FB4];
	_ =	sdelay $0x3  }
0x34: {  	[smem:$0x3FB4] =	sst s10  }
0x35: {  	s10 =	sld [smem:$0x3FB3];
	_ =	sdelay $0x3  }
0x36: {  	p1 =	seq.s32 s10, $0x1;
	s10 =	sld [smem:$0x3FB4];
	_ =	sdelay $0x3  }
0x37: {  	[smem:$0x3FB4] =	sst s10  }
0x38: {  	s10 =	sld [smem:$0x3FB5]  }
0x39: {  	_ = 	snop;
	(pc) =	sbr.ind lr, $3  }
0x3a: {  	_ = 	snop  }
0x3b: {  	_ = 	snop  }
0x3c: {  	p2 =	seq.s32 s10, $0x1;
	s10 =	sld [smem:$0x3FB4]  }
0x3d: {  	_ =	shalt  }
0x3e: {  	_ =	shalt  }
0x3f: {  	_ =	shalt  }
0x40: {  	_ =	shalt  }
0x41: {  	_ =	shalt  }
0x42: {  	_ =	shalt  }
0x43: {  	_ =	shalt  }
0x44: {  	_ =	shalt  }
0x45: {  	_ =	shalt  }
0x46: {  	_ =	shalt  }
0x47: {  	_ =	shalt  }
0x48: {  	_ =	shalt  }
0x49: {  	_ =	shalt  }
0x4a: {  	_ =	shalt  }
0x4b: {  	_ =	shalt  }
0x4c: {  	_ =	shalt  }
0x4d: {  	_ =	shalt  }
0x4e: {  	_ =	shalt  }
0x4f: {  	_ =	shalt  }
0x50: {  	_ =	shalt  }
0x51: {  	_ =	shalt  }
0x52: {  	_ =	shalt  }
0x53: {  	_ =	shalt  }
0x54: {  	_ =	shalt  }
0x55: {  	_ =	shalt  }
0x56: {  	_ =	shalt  }
0x57: {  	_ =	shalt  }
0x58: {  	_ =	shalt  }
0x59: {  	_ =	shalt  }
0x5a: {  	_ =	shalt  }
0x5b: {  	_ =	shalt  }
0x5c: {  	_ =	shalt  }
0x5d: {  	_ =	shalt  }
0x5e: {  	_ =	shalt  }
0x5f: {  	_ =	shalt  }
0x60: {  	_ =	shalt  }
0x61: {  	_ =	shalt  }
0x62: {  	_ =	shalt  }
0x63: {  	_ =	shalt  }
0x64: {  	_ =	shalt  }
0x65: {  	_ =	shalt  }
0x66: {  	_ =	shalt  }
0x67: {  	_ =	shalt  }
0x68: {  	_ =	shalt  }
0x69: {  	_ =	shalt  }
0x6a: {  	_ =	shalt  }
0x6b: {  	_ =	shalt  }
0x6c: {  	_ =	shalt  }
0x6d: {  	_ =	shalt  }
0x6e: {  	_ =	shalt  }
0x6f: {  	_ =	shalt  }
0x70: {  	_ =	shalt  }
0x71: {  	_ =	shalt  }
0x72: {  	_ =	shalt  }
0x73: {  	_ =	shalt  }
0x74: {  	_ =	shalt  }
0x75: {  	_ =	shalt  }
0x76: {  	_ =	shalt  }
0x77: {  	_ =	shalt  }
0x78: {  	_ =	shalt  }
0x79: {  	_ =	shalt  }
0x7a: {  	_ =	shalt  }
0x7b: {  	_ =	shalt  }
0x7c: {  	_ =	shalt  }
0x7d: {  	_ =	shalt  }
0x7e: {  	_ =	shalt  }
0x7f: {  	_ =	shalt  }
0x80: {  	_ =	shalt  }
0x81: {  	_ =	shalt  }
0x82: {  	_ =	shalt  }
0x83: {  	_ =	shalt  }
0x84: {  	_ =	shalt  }
0x85: {  	_ =	shalt  }
0x86: {  	_ =	shalt  }
0x87: {  	_ =	shalt  }
.Lfunc_end0:
.L_simem_size_0:
called_computation_lowered:
.L_overlay_start_0:
0x88: {  	s2 =	sld [smem:$0x3FD9]  }
0x89: {  	s3 =	sld [smem:$0x3FFE];
	_ =	sdelay $0x1  }
0x8a: {  	s1 =	srdreg.scid  }
0x8b: {  	s0 =	sand.u32 $0x1, s1  }
0x8c: {  	s17 =	sshll.u32 s0, $0xA;
	s2 =	sadd.s32 s3, s2  }
0x8d: {  	s2 =	sadd.s32 s2, s17  }
0x8e: {  	[smem:$0x3FC0] =	sst s2  }
0x8f: {  	_ = 	snop  }
0x90: {  	s2 =	sld [smem:$0x3FC5]  }
0x91: {  	s18 =	sld [smem:$0x3FC4]  }
0x92: {  	s4 =	sld [smem:$0x3FD0];
	(tm) =	ssettm $0x1  }
0x93: {  	s5 =	sld [smem:$0x3FFB];
	_ =	sdelay $0x3  }
0x94: {  	_ =	strace s5  }
0x95: {  	s5 =	sld [smem:$0x3FFC];
	_ =	sdelay $0x3  }
0x96: {  	_ =	strace s5  }
0x97: {  	s5 =	sld [smem:$0x3FFD];
	_ =	sdelay $0x3  }
0x98: {  	_ =	strace s5  }
0x99: {  	_ =	strace $0x8FFFFFFF  }
0x9a: {  	s19 =	sld [smem:$0x3FDB];
	_ =	sdelay $0x1  }
0x9b: {  	s6 =	simm.s32 $_scs_section_size  }
0x9c: {  	s7 =	simm.s32 $_size__tile_overlayer_lowered;
	s8 =	simm.s32 $_tile_overlayer_lowered  }
0x9d: {  	s22 =	simm.s32 $0x1BFF;
	s21 =	sshll.u32 s8, $0x1;
	s5 =	sadd.s32 s6, s19  }
0x9e: {  	s9 =	simm.s32 $0x0;
	s20 =	sshll.u32 s7, $0x1;
	s7 =	sadd.s32 s21, s5  }
0x9f: {  	[timem:s9], [sflag:s22] =	dma.local [hbm:s7], s20  }
0xa0: {  	_ =	swait.ge [sflag:s22], s20  }
0xa1: {  	s6 =	ssub.s32 $0x0, s20;
	[sflag:s22] =	ssyncset.done $0x0  }
0xa2: {  	[sflag:s22] =	ssyncadd.s32 s6;
	_ =	sdelay $0x1  }
0xa3: {  	s23 =	simm.s32 $0x1B8B  }
0xa4: {  	_ =	swait.ge [sflag:s23], $0x1  }
0xa5: {  	[sflag:s23] =	ssyncset.done $0x0  }
0xa6: {  	s25 =	simm.s32 $0x1B8E;
	s24 =	sld [smem:$0x3FFE];
	[sflag:s23] =	ssyncadd.s32 $0xFFFFFFFF  }
0xa7: {  	s26 =	simm.s32 $execute0_lowered;
	[smem:$0x3FD2] =	sst s25  }
0xa8: {  	s7 =	sshll.u32 s26, $0x1;
	_ =	strace $0x80000046;
	[dreg:$0x1] =	wrdreg $0xFFFFFFFF  }
0xa9: {  	s28 =	simm.s32 $_size_execute0_lowered;
	s5 =	sadd.s32 s5, s7;
	[dreg:$0x0] =	wrdreg $0x0  }
0xaa: {  	s7 =	sshll.u32 s28, $0x1;
	[dreg:$0x2] =	wrdreg s5  }
0xab: {  	[dreg:$0x3] =	wrdreg s7  }
0xac: {  	[dreg:$0x4] =	wrdreg $0xC0  }
0xad: {  	_ =	task [dreg:s9], $0x5FFFF  }
0xae: {  	[dreg:$0x1] =	wrdreg $0xFFFFFFFF  }
0xaf: {  	[dreg:$0x0] =	wrdreg $0x60  }
0xb0: {  	[dreg:$0x2] =	wrdreg s4  }
0xb1: {  	[dreg:$0x3] =	wrdreg s24  }
0xb2: {  	[dreg:$0x4] =	wrdreg s2  }
0xb3: {  	[dreg:$0x5] =	wrdreg s18  }
0xb4: {  	[dreg:$0x6] =	wrdreg $0xC3000  }
0xb5: {  	[dreg:$0x7] =	wrdreg $0x9  }
0xb6: {  	_ =	task.clear_ibuf [dreg:s9], $0x8FFFF;
	_ =	strace $0x90000046  }
0xb7: {  	s29 =	simm.s32 $0x9;
	_ =	strace $0x80000048  }
0xb8: {  	_ =	swait.ge [sflag:s29], $0x1  }
0xb9: {  	[sflag:s29] =	ssyncadd.s32 $0xFFFFFFFF  }
0xba: {  	_ =	strace $0x90000048  }
0xbb: {  	_ =	sfence  }
0xbc: {  	s30 =	sld [smem:$0x0];
	_ =	sdelay $0x2  }
0xbd: {  	s31 =	sshll.u32 s1, $0xD;
	s1 =	sshrl.u32 s1, $0x2  }
0xbe: {  	s3 =	sand.u32 $0x4000, s31;
	s1 =	sadd.s32 s1, s30  }
0xbf: {  	s0 =	sor.u32 s3, s0;
	s1 =	sshll.u32 s1, $0x11  }
0xc0: {  	s0 =	sor.u32 s1, s0  }
0xc1: {  	s0 =	sadd.s32 $0x8F2B, s0  }
0xc2: {  	[sflag:s0] =	ssyncadd.remote.s32 $0x1  }
0xc3: {  	_ =	sfence.sel $0xFFFF  }
0xc4: {  	[dreg:$0x0] =	wrdreg $0xFFFFFFFF;
	(pc) =	sbr.abs _section_cstart, $3  }
0xc5: {  	[dreg:$0x1] =	wrdreg $0xFFFFFFFF  }
0xc6: {  	_ =	task.clear_ibuf [dreg:s9], $0x2FFFF;
	_ =	strace $0x9FFFFFFF  }
0xc7: {  	(tm) =	ssettm $0x7FFFFFFF  }
tec
execute0_lowered:
.L_overlay_start_1:
0x0: {  	(tag) =	ssettag $0x1  }
0x1: {  	s0 =	rddreg [dreg:$0x1]  }
0x2: {  	s7 =	rddreg [dreg:$0x4];
	s1 =	simm.s32 $0x0;
	s15 =	srdreg.scid  }
0x3: {  	s8 =	stileid.u32;
	[smem:$0x7FF] =	sst s1  }
0x4: {  	s6 =	sadd.s32 $0x15E00, s0;
	s13 =	sadd.s32 $0x3D000, s0;
	s14 =	sadd.s32 $0x3D600, s0  }
0x5: {  	s1 =	sand.u32 $0x1, s15;
	s3 =	smul.u32 $0x13C00, s8;
	s4 =	sshll.u32 s8, $0x1  }
0x6: {  	s5 =	sshrl.u32 s8, $0x2;
	s9 =	sadd.s32 $0x4F7E00, s0;
	s18 =	smul.u32 $0x4F000, s8  }
0x7: {  	_ =	strace $0x80000047;
	[dreg:$0x6] =	wrdreg s13;
	s2 =	smul.u32 $0x13C000, s1  }
0x8: {  	[dreg:$0x7] =	wrdreg s14;
	s4 =	sor.u32 s1, s4;
	s16 =	smul.u32 $0x13C00, s5  }
0x9: {  	[dreg:$0x8] =	wrdreg s9;
	s1 =	ssub.s32 $0x2, s1;
	s17 =	sshll.u32 s4, $0x7  }
0xa: {  	s19 =	sshrl.u32 s1, $0x1;
	s21 =	sshrl.u32 s18, $0x2;
	s2 =	sadd.s32 s3, s2  }
0xb: {  	s5 =	sand.u32 $0x380, s17;
	s1 =	ssub.s32 s1, s19;
	s7 =	sadd.s32 s21, s7  }
0xc: {  	s3 =	sor.u32 s16, s5;
	s5 =	smax.u32 s1, $0x1;
	[dreg:$0x9] =	wrdreg s7  }
0xd: {  	s10 =	sadd.s32 $0x4F8000, s0;
	s8 =	sadd.s32 $0x1800, s7;
	[dreg:$0x11] =	wrdreg s5  }
0xe: {  	s11 =	sadd.s32 $0x2200, s0;
	s9 =	sadd.s32 $0x3000, s7;
	[dreg:$0x12] =	wrdreg s8  }
0xf: {  	s12 =	sadd.s32 $0xC000, s0;
	s15 =	sadd.s32 $0x4800, s7;
	[dreg:$0x13] =	wrdreg s9  }
0x10: {  	s13 =	sadd.s32 $0x4EE000, s0;
	s17 =	sadd.s32 $0x6000, s7;
	[dreg:$0x14] =	wrdreg s15  }
0x11: {  	s14 =	sadd.s32 $0x4E4200, s0;
	s18 =	sadd.s32 $0x7800, s7;
	[dreg:$0x15] =	wrdreg s17  }
0x12: {  	s2 =	sshrl.u32 s2, $0x3;
	s19 =	sadd.s32 $0x9000, s7;
	[dreg:$0x16] =	wrdreg s18  }
0x13: {  	s16 =	smul.u32 $0x2710, s4;
	s21 =	sadd.s32 $0xC000, s7;
	[dreg:$0x17] =	wrdreg s19  }
0x14: {  	s2 =	sadd.s32 s2, s0;
	s3 =	sshrl.u32 s3, $0x3;
	[dreg:$0x19] =	wrdreg s21  }
0x15: {  	s0 =	sadd.s32 s3, s0;
	s20 =	sadd.s32 $0x2700, s16;
	s2 =	sadd.s32 $0x3DC00, s2  }
0x16: {  	s22 =	sshrl.u32 s20, $0x3;
	[dreg:$0xf] =	wrdreg s2;
	s0 =	sadd.s32 $0x8CC00, s0  }
0x17: {  	s4 =	sshll.u32 s20, $0x4;
	s20 =	sadd.s32 $0xA800, s7;
	[dreg:$0x10] =	wrdreg s0  }
0x18: {  	s23 =	sadd.s32 s13, s22;
	[dreg:$0x18] =	wrdreg s20  }
0x19: {  	s28 =	simm.s32 $0x30;
	s24 =	sadd.s32 s14, s22;
	[dreg:$0xa] =	wrdreg s23  }
0x1a: {  	s29 =	simm.s32 $0x5200;
	s25 =	sadd.s32 s11, s22;
	[dreg:$0xb] =	wrdreg s24  }
0x1b: {  	s30 =	simm.s32 $0x6A00;
	s26 =	sadd.s32 s12, s22;
	[dreg:$0xc] =	wrdreg s25  }
0x1c: {  	s31 =	simm.s32 $0x2;
	s3 =	sadd.s32 s10, s4;
	[dreg:$0xd] =	wrdreg s26  }
0x1d: {  	s19 =	simm.s32 $0x3;
	s22 =	sadd.s32 $0xD800, s7;
	[dreg:$0xe] =	wrdreg s3  }
0x1e: {  	s21 =	simm.s32 $0x8200;
	[dreg:$0x1a] =	wrdreg s22;
	s23 =	sadd.s32 $0xF000, s7  }
0x1f: {  	s2 =	simm.s32 $0x0;
	s24 =	sadd.s32 $0x10800, s7;
	[dreg:$0x1b] =	wrdreg s23  }
0x20: {  	s20 =	simm.s32 $0x2780;
	s25 =	sadd.s32 $0x12000, s7;
	[dreg:$0x1c] =	wrdreg s24  }
0x21: {  	s0 =	simm.s32 $0x9B80;
	s26 =	sadd.s32 $0x13800, s7;
	[dreg:$0x1d] =	wrdreg s25  }
0x22: {  	s22 =	simm.s32 $0x4F00;
	[dreg:$0x1e] =	wrdreg s26;
	s23 =	simm.s32 $0x4F80  }
0x23: {  	v0 =	vimm.f32 $0.0e+00;
	v1 =	vlaneseq.u32;
	s24 =	simm.s32 $0x5100;
	s25 =	simm.s32 $0x5180;
	s26 =	simm.s32 $0x1  }
.LBB2_1:
0x24: {  	[dreg:$0x1f] =	wrdreg s2  }
0x25: {  	s4 =	simm.s32 $0x0;
	s1 =	rddreg [dreg:$0x6]  }
0x26: {  	[tilespmem:s4], [sflag:$0x3] =	stream.linear.gather [hbm4b:s1+s4], $0x2780, $0x38;
	[tilespmem:$0x1FF00] =	vst v63  }
0x27: {  	_ =	swait.ge [sflag:s19], $0x2780  }
0x28: {  	[sflag:s19] =	ssyncset.done $0x0  }
0x29: {  	s5 =	rddreg [dreg:$0x7];
	[sflag:s19] =	ssyncadd.s32 $0xFFFFD880  }
0x2a: {  	[tilespmem:s20], [sflag:$0x3] =	stream.linear.gather [hbm4b:s5+s4], $0x2780, $0x38;
	[tilespmem:$0x1FF00] =	vst v63  }
0x2b: {  	_ =	swait.ge [sflag:s19], $0x2780  }
0x2c: {  	[sflag:s19] =	ssyncset.done $0x0  }
0x2d: {  	s3 =	simm.s32 $0x9A00;
	s8 =	rddreg [dreg:$0x8];
	[sflag:s19] =	ssyncadd.s32 $0xFFFFD880  }
0x2e: {  	[tilespmem:s3], [sflag:$0x3] =	stream.linear.gather [hbm4b:s8+s4], $0x80, $0x38;
	[tilespmem:$0x1FF00] =	vst v63  }
0x2f: {  	_ =	swait.ge [sflag:s19], $0x80  }
0x30: {  	[sflag:s19] =	ssyncset.done $0x0  }
0x31: {  	[sflag:s19] =	ssyncadd.s32 $0xFFFFFF80  }
0x32: {  	s15 =	simm.s32 $0x9A80;
	s9 =	rddreg [dreg:$0x2]  }
0x33: {  	[tilespmem:s15], [sflag:$0x3] =	stream.linear.gather [hbm4b:s9+s4], $0x80, $0x38;
	[tilespmem:$0x1FF00] =	vst v63  }
0x34: {  	_ =	swait.ge [sflag:s19], $0x80  }
0x35: {  	[sflag:s19] =	ssyncset.done $0x0  }
0x36: {  	[sflag:s19] =	ssyncadd.s32 $0xFFFFFF80  }
0x37: {  	s18 =	simm.s32 $0x9B00;
	s17 =	rddreg [dreg:$0x3]  }
0x38: {  	[tilespmem:s18], [sflag:$0x3] =	stream.linear.gather [hbm4b:s17+s4], $0x80, $0x38;
	[tilespmem:$0x1FF00] =	vst v63  }
0x39: {  	_ =	swait.ge [sflag:s19], $0x80  }
0x3a: {  	[sflag:s19] =	ssyncset.done $0x0  }
0x3b: {  	[sflag:s19] =	ssyncadd.s32 $0xFFFFFF80  }
0x3c: {  	v24 =	vld [tilespmem:$0x9A00]  }
0x3d: {  	v22 =	vld [tilespmem:$0x9A10]  }
0x3e: {  	v20 =	vld [tilespmem:$0x9A20]  }
0x3f: {  	v18 =	vld [tilespmem:$0x9A30]  }
0x40: {  	v16 =	vld [tilespmem:$0x9A40]  }
0x41: {  	v14 =	vld [tilespmem:$0x9A50]  }
0x42: {  	v12 =	vld [tilespmem:$0x9A60]  }
0x43: {  	v3 =	vld [tilespmem:$0x9A70]  }
0x44: {  	v25 =	vld [tilespmem:$0x9A80]  }
0x45: {  	v23 =	vld [tilespmem:$0x9A90]  }
0x46: {  	v21 =	vld [tilespmem:$0x9AA0]  }
0x47: {  	v19 =	vld [tilespmem:$0x9AB0]  }
0x48: {  	v17 =	vld [tilespmem:$0x9AC0]  }
0x49: {  	v15 =	vld [tilespmem:$0x9AD0]  }
0x4a: {  	v13 =	vld [tilespmem:$0x9AE0]  }
0x4b: {  	v6 =	vld [tilespmem:$0x9AF0]  }
0x4c: {  	v10 =	vld [tilespmem:$0x9B00]  }
0x4d: {  	v11 =	vld [tilespmem:$0x9B10]  }
0x4e: {  	v9 =	vld [tilespmem:$0x9B20]  }
0x4f: {  	v8 =	vld [tilespmem:$0x9B30]  }
0x50: {  	v7 =	vld [tilespmem:$0x9B40]  }
0x51: {  	v5 =	vld [tilespmem:$0x9B50]  }
0x52: {  	v4 =	vld [tilespmem:$0x9B60]  }
0x53: {  	s1 =	simm.s32 $0x0;
	v2 =	vld [tilespmem:$0x9B70]  }
.LBB2_2:
0x54: {  	p0 =	sne.s32 s1, $0x9DC0  }
.Ltmp0:
0x55: {  	_ = 	snop;
	(pc) =	sbr.rel @p0 .LBB2_2-.Ltmp0, $3  }
0x56: {  	_ =	sdelay $0x1  }
0x57: {  	s2 =	sshra.s32 s1, $0x2  }
0x58: {  	s1 =	sadd.s32 $0x40, s1;
	[tilespmem:s2+$0x9B80] =	vst v0  }
0x59: {  	s1 =	simm.s32 $0x0;
	s2 =	simm.s32 $0x200  }
.LBB2_4:
0x5a: {  	p0 =	sne.s32 s2, $0x5E00;
	[tilespmem:s1+$0x8270] =	vst v0  }
0x5b: {  	[tilespmem:s1+$0x8200] =	vst v0  }
0x5c: {  	[tilespmem:s1+$0x8210] =	vst v0  }
.Ltmp1:
0x5d: {  	[tilespmem:s1+$0x8220] =	vst v0;
	(pc) =	sbr.rel @p0 .LBB2_4-.Ltmp1, $4  }
0x5e: {  	[tilespmem:s1+$0x8230] =	vst v0  }
0x5f: {  	[tilespmem:s1+$0x8240] =	vst v0  }
0x60: {  	[tilespmem:s1+$0x8250] =	vst v0  }
0x61: {  	[tilespmem:s1+$0x8260] =	vst v0;
	s1 =	sshra.s32 s2, $0x2;
	s2 =	sadd.s32 $0x200, s2  }
0x62: {  	[tilespmem:s1+$0x8270] =	vst v0  }
0x63: {  	[tilespmem:s1+$0x8200] =	vst v0  }
0x64: {  	[tilespmem:s1+$0x8210] =	vst v0  }
0x65: {  	[tilespmem:s1+$0x8220] =	vst v0  }
0x66: {  	[tilespmem:s1+$0x8230] =	vst v0  }
0x67: {  	[tilespmem:s1+$0x8240] =	vst v0  }
0x68: {  	[tilespmem:s1+$0x8250] =	vst v0  }
0x69: {  	[tilespmem:s1+$0x8260] =	vst v0  }
0x6a: {  	[spmem:s7] =	stream.linear.scatter [tilespmem:s21], [sflag:$0x3], $0x1800, $0x38;
	[tilespmem:$0x1FF00] =	vst v63  }
0x6b: {  	_ =	swait.ge [sflag:s19], $0x1800  }
0x6c: {  	[sflag:s19] =	ssyncset.done $0x0  }
0x6d: {  	s15 =	rddreg [dreg:$0x12];
	[sflag:s19] =	ssyncadd.s32 $0xFFFFE800  }
0x6e: {  	[spmem:s15] =	stream.linear.scatter [tilespmem:s21], [sflag:$0x3], $0x1800, $0x38;
	[tilespmem:$0x1FF00] =	vst v63  }
0x6f: {  	_ =	swait.ge [sflag:s19], $0x1800  }
0x70: {  	[sflag:s19] =	ssyncset.done $0x0  }
0x71: {  	s17 =	rddreg [dreg:$0x13];
	[sflag:s19] =	ssyncadd.s32 $0xFFFFE800  }
0x72: {  	[spmem:s17] =	stream.linear.scatter [tilespmem:s21], [sflag:$0x3], $0x1800, $0x38;
	[tilespmem:$0x1FF00] =	vst v63  }
0x73: {  	_ =	swait.ge [sflag:s19], $0x1800  }
0x74: {  	[sflag:s19] =	ssyncset.done $0x0  }
0x75: {  	s18 =	rddreg [dreg:$0x14];
	[sflag:s19] =	ssyncadd.s32 $0xFFFFE800  }
0x76: {  	[spmem:s18] =	stream.linear.scatter [tilespmem:s21], [sflag:$0x3], $0x1800, $0x38;
	[tilespmem:$0x1FF00] =	vst v63  }
0x77: {  	_ =	swait.ge [sflag:s19], $0x1800  }
0x78: {  	[sflag:s19] =	ssyncset.done $0x0  }
0x79: {  	s2 =	rddreg [dreg:$0x15];
	[sflag:s19] =	ssyncadd.s32 $0xFFFFE800  }
0x7a: {  	[spmem:s2] =	stream.linear.scatter [tilespmem:s21], [sflag:$0x3], $0x1800, $0x38;
	[tilespmem:$0x1FF00] =	vst v63  }
0x7b: {  	_ =	swait.ge [sflag:s19], $0x1800  }
0x7c: {  	[sflag:s19] =	ssyncset.done $0x0  }
0x7d: {  	s3 =	rddreg [dreg:$0x16];
	[sflag:s19] =	ssyncadd.s32 $0xFFFFE800  }
0x7e: {  	[spmem:s3] =	stream.linear.scatter [tilespmem:s21], [sflag:$0x3], $0x1800, $0x38;
	[tilespmem:$0x1FF00] =	vst v63  }
0x7f: {  	_ =	swait.ge [sflag:s19], $0x1800  }
0x80: {  	[sflag:s19] =	ssyncset.done $0x0  }
0x81: {  	s4 =	rddreg [dreg:$0x17];
	[sflag:s19] =	ssyncadd.s32 $0xFFFFE800  }
0x82: {  	[spmem:s4] =	stream.linear.scatter [tilespmem:s21], [sflag:$0x3], $0x1800, $0x38;
	[tilespmem:$0x1FF00] =	vst v63  }
0x83: {  	_ =	swait.ge [sflag:s19], $0x1800  }
0x84: {  	[sflag:s19] =	ssyncset.done $0x0  }
0x85: {  	s5 =	rddreg [dreg:$0x18];
	[sflag:s19] =	ssyncadd.s32 $0xFFFFE800  }
0x86: {  	[spmem:s5] =	stream.linear.scatter [tilespmem:s21], [sflag:$0x3], $0x1800, $0x38;
	[tilespmem:$0x1FF00] =	vst v63  }
0x87: {  	_ =	swait.ge [sflag:s19], $0x1800  }
0x88: {  	[sflag:s19] =	ssyncset.done $0x0  }
0x89: {  	s7 =	rddreg [dreg:$0x19];
	[sflag:s19] =	ssyncadd.s32 $0xFFFFE800  }
0x8a: {  	[spmem:s7] =	stream.linear.scatter [tilespmem:s21], [sflag:$0x3], $0x1800, $0x38;
	[tilespmem:$0x1FF00] =	vst v63  }
0x8b: {  	_ =	swait.ge [sflag:s19], $0x1800  }
0x8c: {  	[sflag:s19] =	ssyncset.done $0x0  }
0x8d: {  	s8 =	rddreg [dreg:$0x1a];
	[sflag:s19] =	ssyncadd.s32 $0xFFFFE800  }
0x8e: {  	[spmem:s8] =	stream.linear.scatter [tilespmem:s21], [sflag:$0x3], $0x1800, $0x38;
	[tilespmem:$0x1FF00] =	vst v63  }
0x8f: {  	_ =	swait.ge [sflag:s19], $0x1800  }
0x90: {  	[sflag:s19] =	ssyncset.done $0x0  }
0x91: {  	s9 =	rddreg [dreg:$0x1b];
	[sflag:s19] =	ssyncadd.s32 $0xFFFFE800  }
0x92: {  	[spmem:s9] =	stream.linear.scatter [tilespmem:s21], [sflag:$0x3], $0x1800, $0x38;
	[tilespmem:$0x1FF00] =	vst v63  }
0x93: {  	_ =	swait.ge [sflag:s19], $0x1800  }
0x94: {  	[sflag:s19] =	ssyncset.done $0x0  }
0x95: {  	s15 =	rddreg [dreg:$0x1c];
	[sflag:s19] =	ssyncadd.s32 $0xFFFFE800  }
0x96: {  	[spmem:s15] =	stream.linear.scatter [tilespmem:s21], [sflag:$0x3], $0x1800, $0x38;
	[tilespmem:$0x1FF00] =	vst v63  }
0x97: {  	_ =	swait.ge [sflag:s19], $0x1800  }
0x98: {  	[sflag:s19] =	ssyncset.done $0x0  }
0x99: {  	s17 =	rddreg [dreg:$0x1d];
	[sflag:s19] =	ssyncadd.s32 $0xFFFFE800  }
0x9a: {  	[spmem:s17] =	stream.linear.scatter [tilespmem:s21], [sflag:$0x3], $0x1800, $0x38;
	[tilespmem:$0x1FF00] =	vst v63  }
0x9b: {  	_ =	swait.ge [sflag:s19], $0x1800  }
0x9c: {  	[sflag:s19] =	ssyncset.done $0x0  }
0x9d: {  	s18 =	rddreg [dreg:$0x1e];
	[sflag:s19] =	ssyncadd.s32 $0xFFFFE800  }
0x9e: {  	[spmem:s18] =	stream.linear.scatter [tilespmem:s21], [sflag:$0x3], $0x400, $0x38;
	[tilespmem:$0x1FF00] =	vst v63  }
0x9f: {  	_ =	swait.ge [sflag:s19], $0x400  }
0xa0: {  	[sflag:s19] =	ssyncset.done $0x0  }
0xa1: {  	[sflag:s19] =	ssyncadd.s32 $0xFFFFFC00  }
0xa2: {  	s7 =	simm.s32 $0x0;
	s8 =	simm.s32 $0x0;
	[bflag:$0x0] =	sbarrier.arrive $0xFFFF  }
.LBB2_6:
0xa3: {  	s1 =	smul.u32 $0x30, s8;
	_ =	sdelay $0x1  }
0xa4: {  	s1 =	sadd.s32 s16, s1  }
0xa5: {  	s2 =	sshrl.u32 s1, $0x3  }
0xa6: {  	s3 =	sadd.s32 s13, s2  }
0xa7: {  	[tilespmem:s22], [sflag:$0x1] =	stream.linear.gather [hbm4b:s3+s7], $0x30, $0x38;
	[tilespmem:$0x1FF00] =	vst v63  }
0xa8: {  	s15 =	sadd.s32 s14, s2  }
0xa9: {  	[tilespmem:s23], [sflag:$0x1] =	stream.linear.gather [hbm4b:s15+s7], $0x30, $0x38;
	[tilespmem:$0x1FF00] =	vst v63  }
0xaa: {  	s17 =	sadd.s32 s11, s2  }
0xab: {  	[tilespmem:s24], [sflag:$0x1] =	stream.linear.gather [hbm4b:s17+s7], $0x30, $0x38;
	[tilespmem:$0x1FF00] =	vst v63  }
0xac: {  	s1 =	sshll.u32 s1, $0x4;
	s2 =	sadd.s32 s12, s2  }
0xad: {  	[tilespmem:s25], [sflag:$0x1] =	stream.linear.gather [hbm4b:s2+s7], $0x30, $0x38;
	[tilespmem:$0x1FF00] =	vst v63  }
0xae: {  	s1 =	sadd.s32 s10, s1  }
0xaf: {  	[tilespmem:s21], [sflag:$0x1] =	stream.linear.gather [hbm4b:s1+s7], $0x1800, $0x38;
	[tilespmem:$0x1FF00] =	vst v63  }
0xb0: {  	_ =	swait.ge [sflag:s26], $0x30  }
0xb1: {  	[sflag:s26] =	ssyncset.done $0x0  }
0xb2: {  	[sflag:s26] =	ssyncadd.s32 $0xFFFFFFD0  }
0xb3: {  	_ =	swait.ge [sflag:s26], $0x30  }
0xb4: {  	[sflag:s26] =	ssyncset.done $0x0  }
0xb5: {  	[sflag:s26] =	ssyncadd.s32 $0xFFFFFFD0  }
0xb6: {  	s18 =	rddreg [dreg:$0x0]  }
0xb7: {  	[tilespmem:s29], [sflag:$0x2] =	stream.indirect.gather [hbm4b:s18+s28], $0x80, s22, s28, $0xb8;
	[tilespmem:$0x1FF00] =	vst v63  }
0xb8: {  	_ = 	snop  }
0xb9: {  	[tilespmem:s30], [sflag:$0x2] =	stream.indirect.gather [hbm4b:s6+s28], $0x80, s23, s28, $0xb8;
	[tilespmem:$0x1FF00] =	vst v63  }
0xba: {  	_ =	swait.ge [sflag:s26], $0x30  }
0xbb: {  	[sflag:s26] =	ssyncset.done $0x0  }
0xbc: {  	[sflag:s26] =	ssyncadd.s32 $0xFFFFFFD0  }
0xbd: {  	_ =	swait.ge [sflag:s26], $0x30  }
0xbe: {  	[sflag:s26] =	ssyncset.done $0x0  }
0xbf: {  	[sflag:s26] =	ssyncadd.s32 $0xFFFFFFD0  }
0xc0: {  	v26 =	vld [tilespmem:$0x4F00];
	_ =	sdelay $0x1  }
0xc1: {  	v27 =	vld [tilespmem:$0x4F80];
	_ =	sdelay $0x3  }
0xc2: {  	v29 =	vld [tilespmem:$0x5100]  }
0xc3: {  	v31 =	vld [tilespmem:$0x5180]  }
0xc4: {  	v28 =	vld.idx.msk [tilespmem:v26+s7+$0x0], $0xffff  }
0xc5: {  	v26 =	vld.idx.msk [tilespmem:v26+s20+$0x0], $0xffff  }
0xc6: {  	v30 =	vld.idx.msk [tilespmem:v27+s7+$0x0], $0xffff;
	_ =	sdelay $0x1  }
0xc7: {  	v27 =	vld.idx.msk [tilespmem:v27+s20+$0x0], $0xffff  }
0xc8: {  	v28 =	vadd.f32 v29, v28;
	_ =	sdelay $0x1  }
0xc9: {  	v26 =	vadd.f32 v31, v26;
	v28 =	vadd.f32 v28, v30;
	_ =	sdelay $0x1  }
0xca: {  	v26 =	vadd.f32 v26, v27;
	v28 =	vmul.f32 $3.676470600e-03, v28;
	_ =	sdelay $0x1  }
0xcb: {  	v26 =	vmul.f32 $3.676470600e-03, v26;
	v27 =	vmul.f32 v28, v28;
	_ =	sdelay $0x1  }
0xcc: {  	v26 =	vsub.f32 v26, v27;
	_ =	sdelay $0x1  }
0xcd: {  	v26 =	vadd.f32 $9.999999740e-06, v26;
	_ =	sdelay $0x1  }
0xce: {  	v27 =	vshra.s32 v26, $0x1;
	v44 =	vmul.f32 $5.000000000e-01, v26  }
0xcf: {  	v27 =	vsub.s32 $0x5F3759DF, v27  }
0xd0: {  	v45 =	vmul.f32 v27, v44;
	_ =	sdelay $0x1  }
0xd1: {  	v30 =	vmul.f32 v27, v45;
	_ =	sdelay $0x1  }
0xd2: {  	v30 =	vsub.f32 $1.500000000e+00, v30;
	_ =	sdelay $0x1  }
0xd3: {  	v27 =	vmul.f32 v27, v30;
	_ =	sdelay $0x1  }
0xd4: {  	v30 =	vmul.f32 v27, v44;
	_ =	sdelay $0x1  }
0xd5: {  	v30 =	vmul.f32 v30, v27;
	_ =	sdelay $0x1  }
0xd6: {  	v30 =	vsub.f32 $1.500000000e+00, v30;
	_ =	sdelay $0x1  }
0xd7: {  	v27 =	vmul.f32 v30, v27;
	_ =	sdelay $0x1  }
0xd8: {  	v29 =	vmul.f32 v27, v44;
	_ =	sdelay $0x1  }
0xd9: {  	v29 =	vmul.f32 v29, v27  }
0xda: {  	v46 =	vld [tilespmem:$0x4F10]  }
0xdb: {  	v29 =	vsub.f32 $1.500000000e+00, v29  }
0xdc: {  	v47 =	vld [tilespmem:$0x4F90]  }
0xdd: {  	v27 =	vmul.f32 v29, v27;
	_ =	sdelay $0x1  }
0xde: {  	v26 =	vmul.f32 v27, v26  }
0xdf: {  	v48 =	vld [tilespmem:$0x5110];
	[tilespmem:$0x5100] =	vst v28  }
0xe0: {  	v50 =	vld [tilespmem:$0x5190];
	[tilespmem:$0x5180] =	vst v26  }
0xe1: {  	v26 =	vld.idx.msk [tilespmem:v46+s7+$0x0], $0xffff  }
0xe2: {  	v27 =	vld.idx.msk [tilespmem:v46+s20+$0x0], $0xffff  }
0xe3: {  	v49 =	vld.idx.msk [tilespmem:v47+s7+$0x0], $0xffff;
	_ =	sdelay $0x1  }
0xe4: {  	v29 =	vld.idx.msk [tilespmem:v47+s20+$0x0], $0xffff  }
0xe5: {  	v26 =	vadd.f32 v48, v26;
	_ =	sdelay $0x1  }
0xe6: {  	v27 =	vadd.f32 v50, v27;
	v26 =	vadd.f32 v26, v49;
	_ =	sdelay $0x1  }
0xe7: {  	v27 =	vadd.f32 v27, v29;
	v26 =	vmul.f32 $3.676470600e-03, v26;
	_ =	sdelay $0x1  }
0xe8: {  	v27 =	vmul.f32 $3.676470600e-03, v27;
	v51 =	vmul.f32 v26, v26;
	_ =	sdelay $0x1  }
0xe9: {  	v27 =	vsub.f32 v27, v51;
	_ =	sdelay $0x1  }
0xea: {  	v27 =	vadd.f32 $9.999999740e-06, v27;
	_ =	sdelay $0x1  }
0xeb: {  	v52 =	vshra.s32 v27, $0x1;
	v53 =	vmul.f32 $5.000000000e-01, v27  }
0xec: {  	v28 =	vsub.s32 $0x5F3759DF, v52  }
0xed: {  	v54 =	vmul.f32 v28, v53;
	_ =	sdelay $0x1  }
0xee: {  	v30 =	vmul.f32 v28, v54;
	_ =	sdelay $0x1  }
0xef: {  	v30 =	vsub.f32 $1.500000000e+00, v30;
	_ =	sdelay $0x1  }
0xf0: {  	v28 =	vmul.f32 v28, v30;
	_ =	sdelay $0x1  }
0xf1: {  	v30 =	vmul.f32 v28, v53;
	_ =	sdelay $0x1  }
0xf2: {  	v30 =	vmul.f32 v30, v28;
	_ =	sdelay $0x1  }
0xf3: {  	v30 =	vsub.f32 $1.500000000e+00, v30;
	_ =	sdelay $0x1  }
0xf4: {  	v28 =	vmul.f32 v30, v28;
	_ =	sdelay $0x1  }
0xf5: {  	v29 =	vmul.f32 v28, v53;
	_ =	sdelay $0x1  }
0xf6: {  	v29 =	vmul.f32 v29, v28  }
0xf7: {  	v55 =	vld [tilespmem:$0x4F20]  }
0xf8: {  	v29 =	vsub.f32 $1.500000000e+00, v29  }
0xf9: {  	v56 =	vld [tilespmem:$0x4FA0]  }
0xfa: {  	v28 =	vmul.f32 v29, v28;
	_ =	sdelay $0x1  }
0xfb: {  	v27 =	vmul.f32 v28, v27  }
0xfc: {  	v57 =	vld [tilespmem:$0x5120];
	[tilespmem:$0x5110] =	vst v26  }
0xfd: {  	v59 =	vld [tilespmem:$0x51A0];
	[tilespmem:$0x5190] =	vst v27  }
0xfe: {  	v26 =	vld.idx.msk [tilespmem:v55+s7+$0x0], $0xffff  }
0xff: {  	v27 =	vld.idx.msk [tilespmem:v55+s20+$0x0], $0xffff  }
0x100: {  	v58 =	vld.idx.msk [tilespmem:v56+s7+$0x0], $0xffff;
	_ =	sdelay $0x1  }
0x101: {  	v29 =	vld.idx.msk [tilespmem:v56+s20+$0x0], $0xffff  }
0x102: {  	v26 =	vadd.f32 v57, v26;
	_ =	sdelay $0x1  }
0x103: {  	v27 =	vadd.f32 v59, v27;
	v26 =	vadd.f32 v26, v58;
	_ =	sdelay $0x1  }
0x104: {  	v27 =	vadd.f32 v27, v29;
	v26 =	vmul.f32 $3.676470600e-03, v26;
	_ =	sdelay $0x1  }
0x105: {  	v27 =	vmul.f32 $3.676470600e-03, v27;
	v60 =	vmul.f32 v26, v26;
	_ =	sdelay $0x1  }
0x106: {  	v27 =	vsub.f32 v27, v60;
	_ =	sdelay $0x1  }
0x107: {  	v27 =	vadd.f32 $9.999999740e-06, v27;
	_ =	sdelay $0x1  }
0x108: {  	v61 =	vshra.s32 v27, $0x1;
	v62 =	vmul.f32 $5.000000000e-01, v27  }
0x109: {  	v28 =	vsub.s32 $0x5F3759DF, v61  }
0x10a: {  	v63 =	vmul.f32 v28, v62;
	_ =	sdelay $0x1  }
0x10b: {  	v30 =	vmul.f32 v28, v63;
	_ =	sdelay $0x1  }
0x10c: {  	v30 =	vsub.f32 $1.500000000e+00, v30;
	_ =	sdelay $0x1  }
0x10d: {  	v28 =	vmul.f32 v28, v30;
	_ =	sdelay $0x1  }
0x10e: {  	v30 =	vmul.f32 v28, v62;
	_ =	sdelay $0x1  }
0x10f: {  	v30 =	vmul.f32 v30, v28;
	_ =	sdelay $0x1  }
0x110: {  	v30 =	vsub.f32 $1.500000000e+00, v30;
	_ =	sdelay $0x1  }
0x111: {  	v28 =	vmul.f32 v30, v28;
	_ =	sdelay $0x1  }
0x112: {  	v29 =	vmul.f32 v28, v62;
	_ =	sdelay $0x1  }
0x113: {  	v29 =	vmul.f32 v29, v28;
	_ =	sdelay $0x1  }
0x114: {  	v29 =	vsub.f32 $1.500000000e+00, v29;
	_ =	sdelay $0x1  }
0x115: {  	v28 =	vmul.f32 v29, v28;
	_ =	sdelay $0x1  }
0x116: {  	v27 =	vmul.f32 v28, v27  }
0x117: {  	[tilespmem:$0x5120] =	vst v26  }
0x118: {  	[tilespmem:$0x51A0] =	vst v27  }
0x119: {  	_ =	swait.ge [sflag:s26], $0x1800  }
0x11a: {  	[sflag:s26] =	ssyncset.done $0x0  }
0x11b: {  	[sflag:s26] =	ssyncadd.s32 $0xFFFFE800  }
0x11c: {  	_ =	swait.ge [sflag:s31], $0x1800  }
0x11d: {  	[sflag:s31] =	ssyncset.done $0x0  }
0x11e: {  	[sflag:s31] =	ssyncadd.s32 $0xFFFFE800  }
0x11f: {  	_ =	swait.ge [sflag:s31], $0x1800  }
0x120: {  	s3 =	simm.s32 $0x0;
	s15 =	simm.s32 $0x5240;
	[sflag:s31] =	ssyncset.done $0x0  }
0x121: {  	s2 =	simm.s32 $0x8240;
	s18 =	simm.s32 $0x6A40;
	[sflag:s31] =	ssyncadd.s32 $0xFFFFE800  }
.LBB2_7:
0x122: {  	v26 =	vld [tilespmem:s18+$0xFFFFFFC0]  }
0x123: {  	s1 =	sshll.u32 s3, $0x4;
	v28 =	vld [tilespmem:s15+$0xFFFFFFC0]  }
0x124: {  	v29 =	vld [tilespmem:s1+$0x5100]  }
0x125: {  	v30 =	vld [tilespmem:s2+$0xFFFFFFC0]  }
0x126: {  	v27 =	vld [tilespmem:s1+$0x5180]  }
0x127: {  	s4 =	simm.s32 $0x0  }
0x128: {  	v33 =	vmov s4  }
0x129: {  	v26 =	vadd.f32 v26, v28;
	v31 =	vperm.xlane v29, v33;
	_ =	sdelay $0x1  }
0x12a: {  	v28 =	vperm.xlane v27, v33;
	v26 =	vadd.f32 v30, v26;
	v30 =	vmul.f32 v31, v24;
	_ =	sdelay $0x1  }
0x12b: {  	v26 =	vsub.f32 v26, v30;
	v30 =	vmul.f32 v28, v25;
	_ =	sdelay $0x1  }
0x12c: {  	v30 =	vadd.f32 v26, v30;
	_ =	sdelay $0x1  }
0x12d: {  	v32 =	vmul.f32 $9.999999770e-03, v30  }
0x12e: {  	vm0 =	vge.f32 v30, $0.0e+00  }
0x12f: {  	v30 =	vsel vm0, v30, v32  }
0x130: {  	v26 =	vld [tilespmem:s1+$0x4F80];
	[tilespmem:s2+$0xFFFFFFC0] =	vst v30  }
0x131: {  	v52 =	vld [tilespmem:s15+$0xFFFFFFD0]  }
0x132: {  	v34 =	vld [tilespmem:s18+$0xFFFFFFD0];
	_ =	sdelay $0x1  }
0x133: {  	v35 =	vld [tilespmem:s2+$0xFFFFFFD0];
	_ =	sdelay $0x2  }
0x134: {  	v32 =	vadd.f32 v34, v52;
	_ =	sdelay $0x1  }
0x135: {  	v53 =	vmul.f32 v31, v22;
	v32 =	vadd.f32 v35, v32;
	_ =	sdelay $0x1  }
0x136: {  	v54 =	vmul.f32 v28, v23;
	v32 =	vsub.f32 v32, v53;
	_ =	sdelay $0x1  }
0x137: {  	v32 =	vadd.f32 v32, v54;
	_ =	sdelay $0x1  }
0x138: {  	v55 =	vmul.f32 $9.999999770e-03, v32  }
0x139: {  	vm0 =	vge.f32 v32, $0.0e+00  }
0x13a: {  	v32 =	vsel vm0, v32, v55  }
0x13b: {  	[tilespmem:s2+$0xFFFFFFD0] =	vst v32  }
0x13c: {  	v56 =	vld [tilespmem:s15+$0xFFFFFFE0]  }
0x13d: {  	v57 =	vld [tilespmem:s18+$0xFFFFFFE0];
	_ =	sdelay $0x1  }
0x13e: {  	v36 =	vld [tilespmem:s2+$0xFFFFFFE0];
	_ =	sdelay $0x2  }
0x13f: {  	v34 =	vadd.f32 v57, v56;
	_ =	sdelay $0x1  }
0x140: {  	v58 =	vmul.f32 v31, v20;
	v34 =	vadd.f32 v36, v34;
	_ =	sdelay $0x1  }
0x141: {  	v59 =	vmul.f32 v28, v21;
	v34 =	vsub.f32 v34, v58;
	_ =	sdelay $0x1  }
0x142: {  	v34 =	vadd.f32 v34, v59;
	_ =	sdelay $0x1  }
0x143: {  	v60 =	vmul.f32 $9.999999770e-03, v34  }
0x144: {  	vm0 =	vge.f32 v34, $0.0e+00  }
0x145: {  	v34 =	vsel vm0, v34, v60  }
0x146: {  	[tilespmem:s2+$0xFFFFFFE0] =	vst v34  }
0x147: {  	v61 =	vld [tilespmem:s15+$0xFFFFFFF0]  }
0x148: {  	v62 =	vld [tilespmem:s18+$0xFFFFFFF0];
	_ =	sdelay $0x1  }
0x149: {  	v37 =	vld [tilespmem:s2+$0xFFFFFFF0];
	_ =	sdelay $0x2  }
0x14a: {  	v35 =	vadd.f32 v62, v61;
	_ =	sdelay $0x1  }
0x14b: {  	v63 =	vmul.f32 v31, v18;
	v35 =	vadd.f32 v37, v35;
	_ =	sdelay $0x1  }
0x14c: {  	v40 =	vmul.f32 v28, v19;
	v35 =	vsub.f32 v35, v63;
	_ =	sdelay $0x1  }
0x14d: {  	v35 =	vadd.f32 v35, v40;
	_ =	sdelay $0x1  }
0x14e: {  	v41 =	vmul.f32 $9.999999770e-03, v35  }
0x14f: {  	vm0 =	vge.f32 v35, $0.0e+00  }
0x150: {  	v35 =	vsel vm0, v35, v41  }
0x151: {  	[tilespmem:s2+$0xFFFFFFF0] =	vst v35  }
0x152: {  	v42 =	vld [tilespmem:s15+$0x0]  }
0x153: {  	v43 =	vld [tilespmem:s18+$0x0];
	_ =	sdelay $0x1  }
0x154: {  	v38 =	vld [tilespmem:s2+$0x0];
	_ =	sdelay $0x2  }
0x155: {  	v36 =	vadd.f32 v43, v42;
	_ =	sdelay $0x1  }
0x156: {  	v44 =	vmul.f32 v31, v16;
	v36 =	vadd.f32 v38, v36;
	_ =	sdelay $0x1  }
0x157: {  	v45 =	vmul.f32 v28, v17;
	v36 =	vsub.f32 v36, v44;
	_ =	sdelay $0x1  }
0x158: {  	v36 =	vadd.f32 v36, v45;
	_ =	sdelay $0x1  }
0x159: {  	v46 =	vmul.f32 $9.999999770e-03, v36  }
0x15a: {  	vm0 =	vge.f32 v36, $0.0e+00  }
0x15b: {  	v36 =	vsel vm0, v36, v46  }
0x15c: {  	[tilespmem:s2+$0x0] =	vst v36  }
0x15d: {  	v48 =	vld [tilespmem:s15+$0x10]  }
0x15e: {  	v39 =	vld [tilespmem:s18+$0x10];
	_ =	sdelay $0x1  }
0x15f: {  	v47 =	vld [tilespmem:s2+$0x10];
	_ =	sdelay $0x2  }
0x160: {  	v38 =	vadd.f32 v39, v48;
	_ =	sdelay $0x1  }
0x161: {  	v49 =	vmul.f32 v31, v14;
	v37 =	vadd.f32 v47, v38;
	_ =	sdelay $0x1  }
0x162: {  	v50 =	vmul.f32 v28, v15;
	v37 =	vsub.f32 v37, v49;
	_ =	sdelay $0x1  }
0x163: {  	v37 =	vadd.f32 v37, v50;
	_ =	sdelay $0x1  }
0x164: {  	v38 =	vmul.f32 $9.999999770e-03, v37  }
0x165: {  	vm0 =	vge.f32 v37, $0.0e+00  }
0x166: {  	v37 =	vsel vm0, v37, v38  }
0x167: {  	[tilespmem:s2+$0x10] =	vst v37  }
0x168: {  	v52 =	vld [tilespmem:s15+$0x20]  }
0x169: {  	v40 =	vld [tilespmem:s18+$0x20];
	_ =	sdelay $0x1  }
0x16a: {  	v51 =	vld [tilespmem:s2+$0x20];
	_ =	sdelay $0x2  }
0x16b: {  	v38 =	vadd.f32 v40, v52;
	_ =	sdelay $0x1  }
0x16c: {  	v53 =	vmul.f32 v31, v12;
	v38 =	vadd.f32 v51, v38;
	_ =	sdelay $0x1  }
0x16d: {  	v54 =	vmul.f32 v28, v13;
	v38 =	vsub.f32 v38, v53;
	_ =	sdelay $0x1  }
0x16e: {  	v38 =	vadd.f32 v38, v54;
	_ =	sdelay $0x1  }
0x16f: {  	v39 =	vmul.f32 $9.999999770e-03, v38  }
0x170: {  	vm0 =	vge.f32 v38, $0.0e+00  }
0x171: {  	v38 =	vsel vm0, v38, v39  }
0x172: {  	[tilespmem:s2+$0x20] =	vst v38  }
0x173: {  	v56 =	vld [tilespmem:s15+$0x30]  }
0x174: {  	v41 =	vld [tilespmem:s18+$0x30];
	_ =	sdelay $0x1  }
0x175: {  	v55 =	vld [tilespmem:s2+$0x30];
	_ =	sdelay $0x1  }
0x176: {  	v30 =	vmul.f32 v30, v10  }
0x177: {  	v39 =	vadd.f32 v41, v56  }
0x178: {  	v30 =	vadd.f32 $0.0e+00, v30  }
0x179: {  	v31 =	vmul.f32 v31, v3;
	v32 =	vmul.f32 v32, v11;
	v39 =	vadd.f32 v55, v39  }
0x17a: {  	v28 =	vmul.f32 v28, v6  }
0x17b: {  	v30 =	vadd.f32 v32, v30;
	v34 =	vmul.f32 v34, v9;
	v31 =	vsub.f32 v39, v31;
	_ =	sdelay $0x1  }
0x17c: {  	v30 =	vadd.f32 v34, v30;
	v28 =	vadd.f32 v31, v28;
	v31 =	vmul.f32 v35, v8;
	_ =	sdelay $0x1  }
0x17d: {  	v58 =	vmul.f32 v36, v7;
	v30 =	vadd.f32 v31, v30;
	_ =	sdelay $0x1  }
0x17e: {  	v31 =	vmul.f32 v37, v5;
	v30 =	vadd.f32 v58, v30  }
0x17f: {  	v57 =	vmul.f32 $9.999999770e-03, v28  }
0x180: {  	v61 =	vmul.f32 v38, v4;
	vm0 =	vge.f32 v28, $0.0e+00;
	v30 =	vadd.f32 v31, v30  }
0x181: {  	v28 =	vsel vm0, v28, v57  }
0x182: {  	s5 =	sadd.s32 $0x80, s18;
	[tilespmem:s2+$0x30] =	vst v28;
	v31 =	vmul.f32 v28, v2;
	v30 =	vadd.f32 v61, v30  }
0x183: {  	s9 =	sadd.s32 $0x80, s15;
	v59 =	vld [tilespmem:s5+$0xFFFFFFC0]  }
0x184: {  	v60 =	vld [tilespmem:s9+$0xFFFFFFC0];
	v63 =	vadd.f32 v31, v30  }
0x185: {  	s17 =	sadd.s32 $0x80, s2  }
0x186: {  	s4 =	simm.s32 $0x1;
	v62 =	vld [tilespmem:s17+$0xFFFFFFC0];
	(xrf2) =	vadd.scan.msk.f32 $0xffff, v63  }
0x187: {  	v28 =	vmov s4  }
0x188: {  	v32 =	vperm.xlane v29, v28  }
0x189: {  	v34 =	vadd.f32 v59, v60  }
0x18a: {  	vm0 =	veq.s32 v33, v1;
	v35 =	vmul.f32 v32, v24  }
0x18b: {  	s1 =	simm.s32 $0x2;
	v30 =	vimm.f32 $0.0e+00;
	v31 =	vperm.xlane v27, v28;
	v34 =	vadd.f32 v62, v34  }
.LBB2_8:
0x18c: {  	p0 =	sne.s32 s1, $0xF;
	s4 =	smov.u32 s1;
	s1 =	sadd.s32 $0x1, s1  }
0x18d: {  	v33 =	vsub.f32 v34, v35;
	v35 =	vmul.f32 v31, v25;
	_ =	sdelay $0x1  }
0x18e: {  	v33 =	vadd.f32 v33, v35  }
0x18f: {  	v34, _, _ =	vpop (xrf2)  }
0x190: {  	v35 =	vmul.f32 $9.999999770e-03, v33;
	v34 =	vbroadcast v34, $0xF  }
0x191: {  	vm1 =	vge.f32 v33, $0.0e+00  }
0x192: {  	v33 =	vsel vm1, v33, v35;
	v30 =	vsel vm0, v34, v30  }
0x193: {  	[tilespmem:s17+$0xFFFFFFC0] =	vst v33;
	v33 =	vmul.f32 v33, v10  }
0x194: {  	v34 =	vld [tilespmem:s9+$0xFFFFFFD0]  }
0x195: {  	v35 =	vld [tilespmem:s5+$0xFFFFFFD0]  }
0x196: {  	v36 =	vld [tilespmem:s17+$0xFFFFFFD0];
	_ =	sdelay $0x3  }
0x197: {  	v34 =	vadd.f32 v35, v34  }
0x198: {  	v35 =	vmul.f32 v32, v22  }
0x199: {  	v34 =	vadd.f32 v36, v34  }
0x19a: {  	v36 =	vmul.f32 v31, v23  }
0x19b: {  	v34 =	vsub.f32 v34, v35;
	_ =	sdelay $0x1  }
0x19c: {  	v34 =	vadd.f32 v34, v36;
	_ =	sdelay $0x1  }
0x19d: {  	vm0 =	vge.f32 v34, $0.0e+00;
	v35 =	vmul.f32 $9.999999770e-03, v34;
	_ =	sdelay $0x1  }
0x19e: {  	v34 =	vsel vm0, v34, v35  }
0x19f: {  	[tilespmem:s17+$0xFFFFFFD0] =	vst v34;
	v34 =	vmul.f32 v34, v11;
	v35 =	vld [tilespmem:s17+$0xFFFFFFE0]  }
0x1a0: {  	v36 =	vld [tilespmem:s9+$0xFFFFFFE0]  }
0x1a1: {  	v37 =	vld [tilespmem:s5+$0xFFFFFFE0];
	_ =	sdelay $0x4  }
0x1a2: {  	v36 =	vadd.f32 v37, v36;
	v37 =	vmul.f32 v32, v20;
	_ =	sdelay $0x1  }
0x1a3: {  	v35 =	vadd.f32 v35, v36;
	v36 =	vmul.f32 v31, v21;
	_ =	sdelay $0x1  }
0x1a4: {  	v35 =	vsub.f32 v35, v37;
	_ =	sdelay $0x1  }
0x1a5: {  	v35 =	vadd.f32 v35, v36;
	_ =	sdelay $0x1  }
0x1a6: {  	vm0 =	vge.f32 v35, $0.0e+00;
	v36 =	vmul.f32 $9.999999770e-03, v35;
	_ =	sdelay $0x1  }
0x1a7: {  	v35 =	vsel vm0, v35, v36  }
0x1a8: {  	[tilespmem:s17+$0xFFFFFFE0] =	vst v35;
	v35 =	vmul.f32 v35, v9;
	v36 =	vld [tilespmem:s17+$0xFFFFFFF0]  }
0x1a9: {  	v37 =	vld [tilespmem:s9+$0xFFFFFFF0]  }
0x1aa: {  	v38 =	vld [tilespmem:s5+$0xFFFFFFF0];
	_ =	sdelay $0x3  }
0x1ab: {  	v39 =	vmul.f32 v32, v18  }
0x1ac: {  	v37 =	vadd.f32 v38, v37  }
0x1ad: {  	v38 =	vmul.f32 v31, v19  }
0x1ae: {  	v36 =	vadd.f32 v36, v37;
	_ =	sdelay $0x1  }
0x1af: {  	v36 =	vsub.f32 v36, v39;
	_ =	sdelay $0x1  }
0x1b0: {  	v36 =	vadd.f32 v36, v38;
	_ =	sdelay $0x1  }
0x1b1: {  	vm0 =	vge.f32 v36, $0.0e+00;
	v37 =	vmul.f32 $9.999999770e-03, v36;
	_ =	sdelay $0x1  }
0x1b2: {  	v36 =	vsel vm0, v36, v37  }
0x1b3: {  	[tilespmem:s17+$0xFFFFFFF0] =	vst v36;
	v36 =	vmul.f32 v36, v8;
	v37 =	vld [tilespmem:s17+$0x0]  }
0x1b4: {  	v38 =	vld [tilespmem:s9+$0x0]  }
0x1b5: {  	v39 =	vld [tilespmem:s5+$0x0];
	_ =	sdelay $0x2  }
0x1b6: {  	v40 =	vmul.f32 v32, v16;
	_ =	sdelay $0x1  }
0x1b7: {  	v38 =	vadd.f32 v39, v38;
	v39 =	vmul.f32 v31, v17;
	_ =	sdelay $0x1  }
0x1b8: {  	v37 =	vadd.f32 v37, v38;
	_ =	sdelay $0x1  }
0x1b9: {  	v37 =	vsub.f32 v37, v40;
	_ =	sdelay $0x1  }
0x1ba: {  	v37 =	vadd.f32 v37, v39;
	_ =	sdelay $0x1  }
0x1bb: {  	vm0 =	vge.f32 v37, $0.0e+00;
	v38 =	vmul.f32 $9.999999770e-03, v37;
	_ =	sdelay $0x1  }
0x1bc: {  	v37 =	vsel vm0, v37, v38;
	v38 =	vld [tilespmem:s17+$0x10]  }
0x1bd: {  	[tilespmem:s17+$0x0] =	vst v37;
	v37 =	vmul.f32 v37, v7  }
0x1be: {  	v39 =	vld [tilespmem:s9+$0x10]  }
0x1bf: {  	v40 =	vld [tilespmem:s5+$0x10];
	_ =	sdelay $0x1  }
0x1c0: {  	v41 =	vmul.f32 v32, v14;
	_ =	sdelay $0x1  }
0x1c1: {  	v42 =	vmul.f32 v31, v15  }
0x1c2: {  	v39 =	vadd.f32 v40, v39;
	_ =	sdelay $0x1  }
0x1c3: {  	v38 =	vadd.f32 v38, v39;
	_ =	sdelay $0x1  }
0x1c4: {  	v38 =	vsub.f32 v38, v41;
	_ =	sdelay $0x1  }
0x1c5: {  	v38 =	vadd.f32 v38, v42;
	_ =	sdelay $0x1  }
0x1c6: {  	vm0 =	vge.f32 v38, $0.0e+00;
	v39 =	vmul.f32 $9.999999770e-03, v38  }
0x1c7: {  	v40 =	vld [tilespmem:s17+$0x20]  }
0x1c8: {  	v38 =	vsel vm0, v38, v39  }
0x1c9: {  	[tilespmem:s17+$0x10] =	vst v38;
	v38 =	vmul.f32 v38, v5  }
0x1ca: {  	v39 =	vld [tilespmem:s9+$0x20]  }
0x1cb: {  	v41 =	vld [tilespmem:s5+$0x20]  }
0x1cc: {  	v42 =	vmul.f32 v32, v12;
	_ =	sdelay $0x1  }
0x1cd: {  	v43 =	vmul.f32 v31, v13;
	_ =	sdelay $0x1  }
0x1ce: {  	v39 =	vadd.f32 v41, v39;
	_ =	sdelay $0x1  }
0x1cf: {  	v39 =	vadd.f32 v40, v39;
	_ =	sdelay $0x1  }
0x1d0: {  	v39 =	vsub.f32 v39, v42;
	_ =	sdelay $0x1  }
0x1d1: {  	v39 =	vadd.f32 v39, v43;
	_ =	sdelay $0x1  }
0x1d2: {  	vm0 =	vge.f32 v39, $0.0e+00;
	v40 =	vmul.f32 $9.999999770e-03, v39;
	v41 =	vld [tilespmem:s17+$0x30];
	_ =	sdelay $0x1  }
0x1d3: {  	v33 =	vadd.f32 $0.0e+00, v33;
	v39 =	vsel vm0, v39, v40  }
0x1d4: {  	[tilespmem:s17+$0x20] =	vst v39;
	v39 =	vmul.f32 v39, v4  }
0x1d5: {  	v33 =	vadd.f32 v34, v33;
	v34 =	vld [tilespmem:s9+$0x30]  }
0x1d6: {  	v32 =	vmul.f32 v32, v3;
	v40 =	vld [tilespmem:s5+$0x30]  }
0x1d7: {  	v33 =	vadd.f32 v35, v33  }
0x1d8: {  	v31 =	vmul.f32 v31, v6  }
0x1d9: {  	v33 =	vadd.f32 v36, v33;
	_ =	sdelay $0x1  }
0x1da: {  	v33 =	vadd.f32 v37, v33;
	v34 =	vadd.f32 v40, v34;
	_ =	sdelay $0x1  }
0x1db: {  	v33 =	vadd.f32 v38, v33;
	v34 =	vadd.f32 v41, v34;
	_ =	sdelay $0x1  }
0x1dc: {  	v33 =	vadd.f32 v39, v33;
	v32 =	vsub.f32 v34, v32;
	_ =	sdelay $0x1  }
0x1dd: {  	v31 =	vadd.f32 v32, v31;
	_ =	sdelay $0x1  }
0x1de: {  	vm0 =	vge.f32 v31, $0.0e+00;
	v32 =	vmul.f32 $9.999999770e-03, v31;
	_ =	sdelay $0x1  }
0x1df: {  	v31 =	vsel vm0, v31, v32  }
0x1e0: {  	s5 =	sadd.s32 $0x80, s5;
	[tilespmem:s17+$0x30] =	vst v31;
	v31 =	vmul.f32 v31, v2  }
0x1e1: {  	s9 =	sadd.s32 $0x80, s9;
	v34 =	vld [tilespmem:s5+$0xFFFFFFC0]  }
0x1e2: {  	v35 =	vld [tilespmem:s9+$0xFFFFFFC0];
	v31 =	vadd.f32 v31, v33  }
0x1e3: {  	s17 =	sadd.s32 $0x80, s17  }
0x1e4: {  	v33 =	vld [tilespmem:s17+$0xFFFFFFC0];
	(xrf2) =	vadd.scan.msk.f32 $0xffff, v31  }
.Ltmp2:
0x1e5: {  	(pc) =	sbr.rel @p0 .LBB2_8-.Ltmp2, $3  }
0x1e6: {  	v36 =	vmov s4  }
0x1e7: {  	v32 =	vperm.xlane v29, v36;
	v31 =	vperm.xlane v27, v36;
	v34 =	vadd.f32 v34, v35;
	_ =	sdelay $0x1  }
0x1e8: {  	vm0 =	veq.s32 v28, v1;
	v28 =	vmovc v36;
	v35 =	vmul.f32 v32, v24;
	v34 =	vadd.f32 v33, v34  }
0x1e9: {  	_ = 	snop  }
0x1ea: {  	v33 =	vmul.f32 v31, v25;
	v29 =	vsub.f32 v34, v35;
	_ =	sdelay $0x1  }
0x1eb: {  	v29 =	vadd.f32 v29, v33;
	_ =	sdelay $0x1  }
0x1ec: {  	v33 =	vmul.f32 $9.999999770e-03, v29  }
0x1ed: {  	vm1 =	vge.f32 v29, $0.0e+00  }
0x1ee: {  	v29 =	vsel vm1, v29, v33  }
0x1ef: {  	[tilespmem:s17+$0xFFFFFFC0] =	vst v29  }
0x1f0: {  	v38 =	vld [tilespmem:s9+$0xFFFFFFD0]  }
0x1f1: {  	v39 =	vld [tilespmem:s5+$0xFFFFFFD0];
	_ =	sdelay $0x1  }
0x1f2: {  	v40 =	vld [tilespmem:s17+$0xFFFFFFD0];
	_ =	sdelay $0x2  }
0x1f3: {  	v33 =	vadd.f32 v39, v38;
	_ =	sdelay $0x1  }
0x1f4: {  	v41 =	vmul.f32 v32, v22;
	v33 =	vadd.f32 v40, v33;
	_ =	sdelay $0x1  }
0x1f5: {  	v42 =	vmul.f32 v31, v23;
	v33 =	vsub.f32 v33, v41;
	_ =	sdelay $0x1  }
0x1f6: {  	v33 =	vadd.f32 v33, v42;
	_ =	sdelay $0x1  }
0x1f7: {  	v43 =	vmul.f32 $9.999999770e-03, v33  }
0x1f8: {  	vm8 =	vge.f32 v33, $0.0e+00  }
0x1f9: {  	v33 =	vsel vm8, v33, v43  }
0x1fa: {  	[tilespmem:s17+$0xFFFFFFD0] =	vst v33  }
0x1fb: {  	v44 =	vld [tilespmem:s9+$0xFFFFFFE0]  }
0x1fc: {  	v45 =	vld [tilespmem:s5+$0xFFFFFFE0];
	_ =	sdelay $0x1  }
0x1fd: {  	v36 =	vld [tilespmem:s17+$0xFFFFFFE0];
	_ =	sdelay $0x2  }
0x1fe: {  	v34 =	vadd.f32 v45, v44;
	_ =	sdelay $0x1  }
0x1ff: {  	v46 =	vmul.f32 v32, v20;
	v34 =	vadd.f32 v36, v34;
	_ =	sdelay $0x1  }
0x200: {  	v47 =	vmul.f32 v31, v21;
	v34 =	vsub.f32 v34, v46;
	_ =	sdelay $0x1  }
0x201: {  	v34 =	vadd.f32 v34, v47;
	_ =	sdelay $0x1  }
0x202: {  	v48 =	vmul.f32 $9.999999770e-03, v34  }
0x203: {  	vm9 =	vge.f32 v34, $0.0e+00  }
0x204: {  	v34 =	vsel vm9, v34, v48  }
0x205: {  	[tilespmem:s17+$0xFFFFFFE0] =	vst v34  }
0x206: {  	v49 =	vld [tilespmem:s9+$0xFFFFFFF0]  }
0x207: {  	v50 =	vld [tilespmem:s5+$0xFFFFFFF0];
	_ =	sdelay $0x1  }
0x208: {  	v37 =	vld [tilespmem:s17+$0xFFFFFFF0];
	_ =	sdelay $0x2  }
0x209: {  	v35 =	vadd.f32 v50, v49;
	_ =	sdelay $0x1  }
0x20a: {  	v51 =	vmul.f32 v32, v18;
	v35 =	vadd.f32 v37, v35;
	_ =	sdelay $0x1  }
0x20b: {  	v52 =	vmul.f32 v31, v19;
	v35 =	vsub.f32 v35, v51;
	_ =	sdelay $0x1  }
0x20c: {  	v35 =	vadd.f32 v35, v52;
	_ =	sdelay $0x1  }
0x20d: {  	v53 =	vmul.f32 $9.999999770e-03, v35  }
0x20e: {  	vm10 =	vge.f32 v35, $0.0e+00  }
0x20f: {  	v35 =	vsel vm10, v35, v53  }
0x210: {  	[tilespmem:s17+$0xFFFFFFF0] =	vst v35  }
0x211: {  	v54 =	vld [tilespmem:s9+$0x0]  }
0x212: {  	v55 =	vld [tilespmem:s5+$0x0];
	_ =	sdelay $0x1  }
0x213: {  	v38 =	vld [tilespmem:s17+$0x0];
	_ =	sdelay $0x2  }
0x214: {  	v36 =	vadd.f32 v55, v54;
	_ =	sdelay $0x1  }
0x215: {  	v56 =	vmul.f32 v32, v16;
	v36 =	vadd.f32 v38, v36;
	_ =	sdelay $0x1  }
0x216: {  	v57 =	vmul.f32 v31, v17;
	v36 =	vsub.f32 v36, v56;
	_ =	sdelay $0x1  }
0x217: {  	v36 =	vadd.f32 v36, v57;
	_ =	sdelay $0x1  }
0x218: {  	v58 =	vmul.f32 $9.999999770e-03, v36  }
0x219: {  	vm11 =	vge.f32 v36, $0.0e+00  }
0x21a: {  	v36 =	vsel vm11, v36, v58  }
0x21b: {  	[tilespmem:s17+$0x0] =	vst v36  }
0x21c: {  	v60 =	vld [tilespmem:s9+$0x10]  }
0x21d: {  	v39 =	vld [tilespmem:s5+$0x10];
	_ =	sdelay $0x1  }
0x21e: {  	v59 =	vld [tilespmem:s17+$0x10];
	_ =	sdelay $0x2  }
0x21f: {  	v38 =	vadd.f32 v39, v60;
	_ =	sdelay $0x1  }
0x220: {  	v61 =	vmul.f32 v32, v14;
	v37 =	vadd.f32 v59, v38;
	_ =	sdelay $0x1  }
0x221: {  	v62 =	vmul.f32 v31, v15;
	v37 =	vsub.f32 v37, v61;
	_ =	sdelay $0x1  }
0x222: {  	v37 =	vadd.f32 v37, v62;
	_ =	sdelay $0x1  }
0x223: {  	v38 =	vmul.f32 $9.999999770e-03, v37  }
0x224: {  	vm12 =	vge.f32 v37, $0.0e+00  }
0x225: {  	v37 =	vsel vm12, v37, v38  }
0x226: {  	[tilespmem:s17+$0x10] =	vst v37  }
0x227: {  	v44 =	vld [tilespmem:s9+$0x20]  }
0x228: {  	v40 =	vld [tilespmem:s5+$0x20];
	_ =	sdelay $0x1  }
0x229: {  	v63 =	vld [tilespmem:s17+$0x20];
	_ =	sdelay $0x2  }
0x22a: {  	v38 =	vadd.f32 v40, v44;
	_ =	sdelay $0x1  }
0x22b: {  	v45 =	vmul.f32 v32, v12;
	v38 =	vadd.f32 v63, v38;
	_ =	sdelay $0x1  }
0x22c: {  	v46 =	vmul.f32 v31, v13;
	v38 =	vsub.f32 v38, v45;
	_ =	sdelay $0x1  }
0x22d: {  	v38 =	vadd.f32 v38, v46;
	_ =	sdelay $0x1  }
0x22e: {  	v39 =	vmul.f32 $9.999999770e-03, v38  }
0x22f: {  	vm13 =	vge.f32 v38, $0.0e+00  }
0x230: {  	v38 =	vsel vm13, v38, v39  }
0x231: {  	[tilespmem:s17+$0x20] =	vst v38  }
0x232: {  	v48 =	vld [tilespmem:s9+$0x30]  }
0x233: {  	v41 =	vld [tilespmem:s5+$0x30];
	_ =	sdelay $0x1  }
0x234: {  	v29 =	vmul.f32 v29, v10;
	v47 =	vld [tilespmem:s17+$0x30];
	_ =	sdelay $0x1  }
0x235: {  	v29 =	vadd.f32 $0.0e+00, v29;
	v33 =	vmul.f32 v33, v11  }
0x236: {  	v27 =	vmul.f32 v27, v27;
	v39 =	vadd.f32 v41, v48  }
0x237: {  	v29 =	vadd.f32 v33, v29;
	v34 =	vmul.f32 v34, v9;
	v50 =	vmul.f32 v32, v3  }
0x238: {  	v52 =	vshra.s32 v27, $0x1;
	v27 =	vmul.f32 $5.000000000e-01, v27;
	v51 =	vadd.f32 v47, v39  }
0x239: {  	v29 =	vadd.f32 v34, v29;
	v34 =	vsub.s32 $0x5F3759DF, v52;
	v49 =	vmul.f32 v35, v8  }
0x23a: {  	v31 =	vmul.f32 v31, v6;
	v54 =	vmul.f32 v34, v27;
	v32 =	vsub.f32 v51, v50  }
0x23b: {  	v29 =	vadd.f32 v49, v29;
	v53 =	vmul.f32 v36, v7  }
0x23c: {  	v33 =	vmul.f32 v34, v54;
	v31 =	vadd.f32 v32, v31  }
0x23d: {  	v29 =	vadd.f32 v53, v29;
	v55 =	vmul.f32 v37, v5  }
0x23e: {  	v58 =	vsub.f32 $1.500000000e+00, v33;
	v57 =	vmul.f32 $9.999999770e-03, v31  }
0x23f: {  	v29 =	vadd.f32 v55, v29;
	v56 =	vmul.f32 v38, v4;
	vm14 =	vge.f32 v31, $0.0e+00  }
0x240: {  	v31 =	vsel vm14, v31, v57  }
0x241: {  	v29 =	vadd.f32 v56, v29;
	v32 =	vmul.f32 v34, v58;
	v59 =	vmul.f32 v31, v2;
	_ =	sdelay $0x1  }
0x242: {  	v60 =	vmul.f32 v32, v27;
	v29 =	vadd.f32 v59, v29;
	_ =	sdelay $0x1  }
0x243: {  	(xrf2) =	vadd.scan.msk.f32 $0xffff, v29;
	v29 =	vmul.f32 v60, v32;
	_ =	sdelay $0x1  }
0x244: {  	v29 =	vsub.f32 $1.500000000e+00, v29;
	_ =	sdelay $0x1  }
0x245: {  	v29 =	vmul.f32 v29, v32;
	_ =	sdelay $0x1  }
0x246: {  	v27 =	vmul.f32 v29, v27;
	_ =	sdelay $0x1  }
0x247: {  	v27 =	vmul.f32 v27, v29  }
0x248: {  	v61, _, _ =	vpop (xrf2)  }
0x249: {  	v32 =	vbroadcast v61, $0xF;
	v62, _, _ =	vpop (xrf2);
	v27 =	vsub.f32 $1.500000000e+00, v27  }
0x24a: {  	v33 =	vbroadcast v62, $0xF  }
0x24b: {  	vm15 =	veq.s32 v28, v1;
	v30 =	vsel vm0, v32, v30;
	v27 =	vmul.f32 v27, v29  }
0x24c: {  	v28 =	vsel vm15, v33, v30  }
0x24d: {  	v28 =	vmul.f32 v28, v27;
	_ =	sdelay $0x1  }
0x24e: {  	v28 =	vmul.f32 $1.442695020e+00, v28;
	_ =	sdelay $0x1  }
0x24f: {  	(erf) = vpow2.f32 v28;
	_ =	sdelay $0x8  }
0x250: {  	[tilespmem:s17+$0x30] =	vst v31;
	v28 =	vpop (erf)  }
0x251: {  	[tilespmem:v26+s0+$0x0] =	vst.idx.add.f32.msk $0xffff, v28  }
0x252: {  	v31 =	vld [tilespmem:s2+$0xFFFFFFC0]  }
0x253: {  	s1 =	simm.s32 $0x0;
	v27 =	vmul.f32 v28, v27;
	v63 =	vld [tilespmem:s2+$0xFFFFFFD0]  }
0x254: {  	v26 =	vmov s1;
	v32 =	vld [tilespmem:s2+$0xFFFFFFE0]  }
0x255: {  	v29 =	vld [tilespmem:s2+$0x0];
	v26 =	vperm.xlane v27, v26  }
0x256: {  	v30 =	vld [tilespmem:s2+$0x10]  }
0x257: {  	v28 =	vld [tilespmem:s2+$0x20];
	v34 =	vmul.f32 v31, v26  }
0x258: {  	s4 =	simm.s32 $0x1;
	s5 =	smov.u32 s2;
	s1 =	smov.u32 s2;
	v33 =	vmul.f32 v63, v26;
	v31 =	vld [tilespmem:s2+$0x30]  }
.LBB2_10:
0x259: {  	p0 =	sne.s32 s4, $0xF;
	[tilespmem:s1+$0xFFFFFFC0] =	vst v34;
	v32 =	vmul.f32 v32, v26;
	v34 =	vld [tilespmem:s1+$0xFFFFFFF0];
	s5 =	sadd.s32 $0x80, s5  }
0x25a: {  	v35 =	vld [tilespmem:s5+$0xFFFFFFC0];
	[tilespmem:s1+$0xFFFFFFD0] =	vst v33;
	v29 =	vmul.f32 v29, v26  }
0x25b: {  	v33 =	vld [tilespmem:s5+$0xFFFFFFD0];
	[tilespmem:s1+$0xFFFFFFE0] =	vst v32;
	v30 =	vmul.f32 v30, v26  }
.Ltmp3:
0x25c: {  	v36 =	vmov s4;
	v32 =	vld [tilespmem:s5+$0xFFFFFFE0];
	[tilespmem:s1+$0x0] =	vst v29;
	v28 =	vmul.f32 v28, v26;
	(pc) =	sbr.rel @p0 .LBB2_10-.Ltmp3, $4  }
0x25d: {  	v36 =	vperm.xlane v27, v36;
	v29 =	vld [tilespmem:s5+$0x0];
	[tilespmem:s1+$0x10] =	vst v30;
	v31 =	vmul.f32 v31, v26  }
0x25e: {  	v30 =	vld [tilespmem:s5+$0x10];
	v37 =	vmul.f32 v34, v26;
	[tilespmem:s1+$0x20] =	vst v28  }
0x25f: {  	v26 =	vmov v36;
	v34 =	vmul.f32 v35, v36;
	v28 =	vld [tilespmem:s5+$0x20];
	[tilespmem:s1+$0x30] =	vst v31  }
0x260: {  	s4 =	sadd.s32 $0x1, s4;
	v33 =	vmul.f32 v33, v26;
	v31 =	vld [tilespmem:s5+$0x30];
	[tilespmem:s1+$0xFFFFFFF0] =	vst v37;
	s1 =	smov.u32 s5  }
0x261: {  	[tilespmem:s1+$0xFFFFFFC0] =	vst v34;
	v27 =	vmul.f32 v32, v26;
	v63 =	vld [tilespmem:s1+$0xFFFFFFF0]  }
0x262: {  	s3 =	sadd.s32 $0x1, s3;
	[tilespmem:s1+$0xFFFFFFD0] =	vst v33;
	v29 =	vmul.f32 v29, v26  }
0x263: {  	p0 =	sne.s32 s3, $0x3;
	[tilespmem:s1+$0xFFFFFFE0] =	vst v27;
	v27 =	vmul.f32 v30, v26  }
.Ltmp4:
0x264: {  	[tilespmem:s1+$0x0] =	vst v29;
	v28 =	vmul.f32 v28, v26;
	(pc) =	sbr.rel @p0 .LBB2_7-.Ltmp4, $4  }
0x265: {  	[tilespmem:s1+$0x10] =	vst v27;
	v27 =	vmul.f32 v31, v26  }
0x266: {  	v26 =	vmul.f32 v63, v26;
	[tilespmem:s1+$0x20] =	vst v28  }
0x267: {  	[tilespmem:s1+$0x30] =	vst v27  }
0x268: {  	s15 =	sadd.s32 $0x800, s15;
	s18 =	sadd.s32 $0x800, s18;
	s2 =	sadd.s32 $0x800, s2;
	[tilespmem:s1+$0xFFFFFFF0] =	vst v26  }
0x269: {  	s8 =	sadd.s32 $0x1, s8  }
0x26a: {  	p0 =	sne.s32 s8, $0xD0  }
.Ltmp5:
0x26b: {  	s1 =	rddreg [dreg:$0x4];
	(pc) =	sbr.rel @p0 .LBB2_6-.Ltmp5, $4  }
0x26c: {  	[spmem:s1] =	stream.indirect.scatter.add.f32 [tilespmem:s21], [sflag:$0x3], $0x80, s23, s28, $0xb8;
	[tilespmem:$0x1FF00] =	vst v63  }
0x26d: {  	_ =	swait.ge [sflag:s19], $0x1800  }
0x26e: {  	[sflag:s19] =	ssyncset.done $0x0  }
0x26f: {  	[sflag:s19] =	ssyncadd.s32 $0xFFFFE800  }
0x270: {  	s4 =	simm.s32 $0x0;
	s1 =	rddreg [dreg:$0xa];
	s2 =	simm.s32 $0x5000  }
0x271: {  	[tilespmem:s2], [sflag:$0x1] =	stream.linear.gather [hbm4b:s1+s4], $0x10, $0x38;
	[tilespmem:$0x1FF00] =	vst v63  }
0x272: {  	s17 =	rddreg [dreg:$0xb];
	s8 =	simm.s32 $0x5080  }
0x273: {  	[tilespmem:s8], [sflag:$0x1] =	stream.linear.gather [hbm4b:s17+s4], $0x10, $0x38;
	[tilespmem:$0x1FF00] =	vst v63  }
0x274: {  	s18 =	rddreg [dreg:$0xc]  }
0x275: {  	[tilespmem:s24], [sflag:$0x1] =	stream.linear.gather [hbm4b:s18+s4], $0x10, $0x38;
	[tilespmem:$0x1FF00] =	vst v63  }
0x276: {  	s3 =	rddreg [dreg:$0xd]  }
0x277: {  	[tilespmem:s25], [sflag:$0x1] =	stream.linear.gather [hbm4b:s3+s4], $0x10, $0x38;
	[tilespmem:$0x1FF00] =	vst v63  }
0x278: {  	s5 =	rddreg [dreg:$0xe]  }
0x279: {  	[tilespmem:s21], [sflag:$0x1] =	stream.linear.gather [hbm4b:s5+s4], $0x800, $0x38;
	[tilespmem:$0x1FF00] =	vst v63  }
0x27a: {  	_ =	swait.ge [sflag:s26], $0x10  }
0x27b: {  	[sflag:s26] =	ssyncset.done $0x0  }
0x27c: {  	[sflag:s26] =	ssyncadd.s32 $0xFFFFFFF0  }
0x27d: {  	_ =	swait.ge [sflag:s26], $0x10  }
0x27e: {  	[sflag:s26] =	ssyncset.done $0x0  }
0x27f: {  	[sflag:s26] =	ssyncadd.s32 $0xFFFFFFF0  }
0x280: {  	s9 =	simm.s32 $0x10;
	s7 =	rddreg [dreg:$0x0]  }
0x281: {  	[tilespmem:s29], [sflag:$0x2] =	stream.indirect.gather [hbm4b:s7+s9], $0x80, s2, s9, $0xb8;
	[tilespmem:$0x1FF00] =	vst v63  }
0x282: {  	_ = 	snop  }
0x283: {  	[tilespmem:s30], [sflag:$0x2] =	stream.indirect.gather [hbm4b:s6+s9], $0x80, s8, s9, $0xb8;
	[tilespmem:$0x1FF00] =	vst v63  }
0x284: {  	_ =	swait.ge [sflag:s26], $0x10  }
0x285: {  	[sflag:s26] =	ssyncset.done $0x0  }
0x286: {  	[sflag:s26] =	ssyncadd.s32 $0xFFFFFFF0  }
0x287: {  	_ =	swait.ge [sflag:s26], $0x10  }
0x288: {  	[sflag:s26] =	ssyncset.done $0x0  }
0x289: {  	[sflag:s26] =	ssyncadd.s32 $0xFFFFFFF0  }
0x28a: {  	v26 =	vld [tilespmem:$0x5000];
	_ =	sdelay $0x1  }
0x28b: {  	v27 =	vld [tilespmem:$0x5080];
	_ =	sdelay $0x3  }
0x28c: {  	v29 =	vld [tilespmem:$0x5100]  }
0x28d: {  	v31 =	vld [tilespmem:$0x5180]  }
0x28e: {  	v28 =	vld.idx.msk [tilespmem:v26+s4+$0x0], $0xffff  }
0x28f: {  	v26 =	vld.idx.msk [tilespmem:v26+s20+$0x0], $0xffff  }
0x290: {  	v30 =	vld.idx.msk [tilespmem:v27+s4+$0x0], $0xffff;
	_ =	sdelay $0x1  }
0x291: {  	v27 =	vld.idx.msk [tilespmem:v27+s20+$0x0], $0xffff  }
0x292: {  	v28 =	vadd.f32 v29, v28;
	_ =	sdelay $0x1  }
0x293: {  	v26 =	vadd.f32 v31, v26;
	v28 =	vadd.f32 v28, v30;
	_ =	sdelay $0x1  }
0x294: {  	v26 =	vadd.f32 v26, v27;
	v28 =	vmul.f32 $3.676470600e-03, v28;
	_ =	sdelay $0x1  }
0x295: {  	v26 =	vmul.f32 $3.676470600e-03, v26;
	v27 =	vmul.f32 v28, v28;
	_ =	sdelay $0x1  }
0x296: {  	v26 =	vsub.f32 v26, v27;
	_ =	sdelay $0x1  }
0x297: {  	v26 =	vadd.f32 $9.999999740e-06, v26;
	_ =	sdelay $0x1  }
0x298: {  	v27 =	vshra.s32 v26, $0x1;
	v29 =	vmul.f32 $5.000000000e-01, v26  }
0x299: {  	v27 =	vsub.s32 $0x5F3759DF, v27  }
0x29a: {  	v30 =	vmul.f32 v27, v29;
	_ =	sdelay $0x1  }
0x29b: {  	v30 =	vmul.f32 v27, v30;
	_ =	sdelay $0x1  }
0x29c: {  	v30 =	vsub.f32 $1.500000000e+00, v30;
	_ =	sdelay $0x1  }
0x29d: {  	v27 =	vmul.f32 v27, v30;
	_ =	sdelay $0x1  }
0x29e: {  	v30 =	vmul.f32 v27, v29;
	_ =	sdelay $0x1  }
0x29f: {  	v30 =	vmul.f32 v30, v27;
	_ =	sdelay $0x1  }
0x2a0: {  	v30 =	vsub.f32 $1.500000000e+00, v30;
	_ =	sdelay $0x1  }
0x2a1: {  	v27 =	vmul.f32 v30, v27;
	_ =	sdelay $0x1  }
0x2a2: {  	v29 =	vmul.f32 v27, v29;
	_ =	sdelay $0x1  }
0x2a3: {  	v29 =	vmul.f32 v29, v27;
	_ =	sdelay $0x1  }
0x2a4: {  	v29 =	vsub.f32 $1.500000000e+00, v29;
	_ =	sdelay $0x1  }
0x2a5: {  	v27 =	vmul.f32 v29, v27;
	_ =	sdelay $0x1  }
0x2a6: {  	v27 =	vmul.f32 v27, v26  }
0x2a7: {  	[tilespmem:$0x5100] =	vst v28  }
0x2a8: {  	[tilespmem:$0x5180] =	vst v27  }
0x2a9: {  	_ =	swait.ge [sflag:s26], $0x800  }
0x2aa: {  	[sflag:s26] =	ssyncset.done $0x0  }
0x2ab: {  	[sflag:s26] =	ssyncadd.s32 $0xFFFFF800  }
0x2ac: {  	_ =	swait.ge [sflag:s31], $0x800  }
0x2ad: {  	[sflag:s31] =	ssyncset.done $0x0  }
0x2ae: {  	[sflag:s31] =	ssyncadd.s32 $0xFFFFF800  }
0x2af: {  	_ =	swait.ge [sflag:s31], $0x800  }
0x2b0: {  	[sflag:s31] =	ssyncset.done $0x0  }
0x2b1: {  	[sflag:s31] =	ssyncadd.s32 $0xFFFFF800  }
0x2b2: {  	s15 =	simm.s32 $0x6A40;
	v29 =	vld [tilespmem:$0x5100]  }
0x2b3: {  	s3 =	simm.s32 $0x5240;
	v26 =	vld [tilespmem:s15+$0xFFFFFFC0]  }
0x2b4: {  	v28 =	vld [tilespmem:s3+$0xFFFFFFC0]  }
0x2b5: {  	s17 =	simm.s32 $0x8240  }
0x2b6: {  	v30 =	vld [tilespmem:s17+$0xFFFFFFC0];
	_ =	sdelay $0x1  }
0x2b7: {  	v33 =	vmov s4  }
0x2b8: {  	v31 =	vperm.xlane v29, v33;
	v26 =	vadd.f32 v26, v28;
	_ =	sdelay $0x1  }
0x2b9: {  	v28 =	vperm.xlane v27, v33;
	v26 =	vadd.f32 v30, v26;
	v30 =	vmul.f32 v31, v24;
	_ =	sdelay $0x1  }
0x2ba: {  	v26 =	vsub.f32 v26, v30;
	v30 =	vmul.f32 v28, v25;
	_ =	sdelay $0x1  }
0x2bb: {  	v30 =	vadd.f32 v26, v30;
	_ =	sdelay $0x1  }
0x2bc: {  	v32 =	vmul.f32 $9.999999770e-03, v30  }
0x2bd: {  	vm0 =	vge.f32 v30, $0.0e+00  }
0x2be: {  	v30 =	vsel vm0, v30, v32  }
0x2bf: {  	v26 =	vld [tilespmem:$0x5080];
	[tilespmem:s17+$0xFFFFFFC0] =	vst v30  }
0x2c0: {  	v50 =	vld [tilespmem:s3+$0xFFFFFFD0]  }
0x2c1: {  	v34 =	vld [tilespmem:s15+$0xFFFFFFD0];
	_ =	sdelay $0x1  }
0x2c2: {  	v35 =	vld [tilespmem:s17+$0xFFFFFFD0];
	_ =	sdelay $0x2  }
0x2c3: {  	v32 =	vadd.f32 v34, v50;
	_ =	sdelay $0x1  }
0x2c4: {  	v51 =	vmul.f32 v31, v22;
	v32 =	vadd.f32 v35, v32;
	_ =	sdelay $0x1  }
0x2c5: {  	v52 =	vmul.f32 v28, v23;
	v32 =	vsub.f32 v32, v51;
	_ =	sdelay $0x1  }
0x2c6: {  	v32 =	vadd.f32 v32, v52;
	_ =	sdelay $0x1  }
0x2c7: {  	v53 =	vmul.f32 $9.999999770e-03, v32  }
0x2c8: {  	vm0 =	vge.f32 v32, $0.0e+00  }
0x2c9: {  	v32 =	vsel vm0, v32, v53  }
0x2ca: {  	[tilespmem:s17+$0xFFFFFFD0] =	vst v32  }
0x2cb: {  	v54 =	vld [tilespmem:s3+$0xFFFFFFE0]  }
0x2cc: {  	v55 =	vld [tilespmem:s15+$0xFFFFFFE0];
	_ =	sdelay $0x1  }
0x2cd: {  	v36 =	vld [tilespmem:s17+$0xFFFFFFE0];
	_ =	sdelay $0x2  }
0x2ce: {  	v34 =	vadd.f32 v55, v54;
	_ =	sdelay $0x1  }
0x2cf: {  	v56 =	vmul.f32 v31, v20;
	v34 =	vadd.f32 v36, v34;
	_ =	sdelay $0x1  }
0x2d0: {  	v57 =	vmul.f32 v28, v21;
	v34 =	vsub.f32 v34, v56;
	_ =	sdelay $0x1  }
0x2d1: {  	v34 =	vadd.f32 v34, v57;
	_ =	sdelay $0x1  }
0x2d2: {  	v58 =	vmul.f32 $9.999999770e-03, v34  }
0x2d3: {  	vm0 =	vge.f32 v34, $0.0e+00  }
0x2d4: {  	v34 =	vsel vm0, v34, v58  }
0x2d5: {  	[tilespmem:s17+$0xFFFFFFE0] =	vst v34  }
0x2d6: {  	v59 =	vld [tilespmem:s3+$0xFFFFFFF0]  }
0x2d7: {  	v60 =	vld [tilespmem:s15+$0xFFFFFFF0];
	_ =	sdelay $0x1  }
0x2d8: {  	v37 =	vld [tilespmem:s17+$0xFFFFFFF0];
	_ =	sdelay $0x2  }
0x2d9: {  	v35 =	vadd.f32 v60, v59;
	_ =	sdelay $0x1  }
0x2da: {  	v61 =	vmul.f32 v31, v18;
	v35 =	vadd.f32 v37, v35;
	_ =	sdelay $0x1  }
0x2db: {  	v62 =	vmul.f32 v28, v19;
	v35 =	vsub.f32 v35, v61;
	_ =	sdelay $0x1  }
0x2dc: {  	v35 =	vadd.f32 v35, v62;
	_ =	sdelay $0x1  }
0x2dd: {  	v63 =	vmul.f32 $9.999999770e-03, v35  }
0x2de: {  	vm0 =	vge.f32 v35, $0.0e+00  }
0x2df: {  	v35 =	vsel vm0, v35, v63  }
0x2e0: {  	[tilespmem:s17+$0xFFFFFFF0] =	vst v35  }
0x2e1: {  	v40 =	vld [tilespmem:s3+$0x0]  }
0x2e2: {  	v41 =	vld [tilespmem:s15+$0x0];
	_ =	sdelay $0x1  }
0x2e3: {  	v38 =	vld [tilespmem:s17+$0x0];
	_ =	sdelay $0x2  }
0x2e4: {  	v36 =	vadd.f32 v41, v40;
	_ =	sdelay $0x1  }
0x2e5: {  	v42 =	vmul.f32 v31, v16;
	v36 =	vadd.f32 v38, v36;
	_ =	sdelay $0x1  }
0x2e6: {  	v43 =	vmul.f32 v28, v17;
	v36 =	vsub.f32 v36, v42;
	_ =	sdelay $0x1  }
0x2e7: {  	v36 =	vadd.f32 v36, v43;
	_ =	sdelay $0x1  }
0x2e8: {  	v44 =	vmul.f32 $9.999999770e-03, v36  }
0x2e9: {  	vm0 =	vge.f32 v36, $0.0e+00  }
0x2ea: {  	v36 =	vsel vm0, v36, v44  }
0x2eb: {  	[tilespmem:s17+$0x0] =	vst v36  }
0x2ec: {  	v45 =	vld [tilespmem:s3+$0x10]  }
0x2ed: {  	v46 =	vld [tilespmem:s15+$0x10];
	_ =	sdelay $0x1  }
0x2ee: {  	v39 =	vld [tilespmem:s17+$0x10];
	_ =	sdelay $0x2  }
0x2ef: {  	v37 =	vadd.f32 v46, v45;
	_ =	sdelay $0x1  }
0x2f0: {  	v47 =	vmul.f32 v31, v14;
	v37 =	vadd.f32 v39, v37;
	_ =	sdelay $0x1  }
0x2f1: {  	v48 =	vmul.f32 v28, v15;
	v37 =	vsub.f32 v37, v47;
	_ =	sdelay $0x1  }
0x2f2: {  	v37 =	vadd.f32 v37, v48;
	_ =	sdelay $0x1  }
0x2f3: {  	v49 =	vmul.f32 $9.999999770e-03, v37  }
0x2f4: {  	vm0 =	vge.f32 v37, $0.0e+00  }
0x2f5: {  	v37 =	vsel vm0, v37, v49  }
0x2f6: {  	[tilespmem:s17+$0x10] =	vst v37  }
0x2f7: {  	v50 =	vld [tilespmem:s3+$0x20]  }
0x2f8: {  	v51 =	vld [tilespmem:s15+$0x20];
	_ =	sdelay $0x1  }
0x2f9: {  	v40 =	vld [tilespmem:s17+$0x20];
	_ =	sdelay $0x2  }
0x2fa: {  	v38 =	vadd.f32 v51, v50;
	_ =	sdelay $0x1  }
0x2fb: {  	v52 =	vmul.f32 v31, v12;
	v38 =	vadd.f32 v40, v38;
	_ =	sdelay $0x1  }
0x2fc: {  	v53 =	vmul.f32 v28, v13;
	v38 =	vsub.f32 v38, v52;
	_ =	sdelay $0x1  }
0x2fd: {  	v38 =	vadd.f32 v38, v53;
	_ =	sdelay $0x1  }
0x2fe: {  	v54 =	vmul.f32 $9.999999770e-03, v38  }
0x2ff: {  	vm0 =	vge.f32 v38, $0.0e+00  }
0x300: {  	v38 =	vsel vm0, v38, v54  }
0x301: {  	[tilespmem:s17+$0x20] =	vst v38  }
0x302: {  	v55 =	vld [tilespmem:s3+$0x30]  }
0x303: {  	v56 =	vld [tilespmem:s15+$0x30];
	_ =	sdelay $0x1  }
0x304: {  	v41 =	vld [tilespmem:s17+$0x30];
	_ =	sdelay $0x1  }
0x305: {  	v30 =	vmul.f32 v30, v10  }
0x306: {  	v39 =	vadd.f32 v56, v55  }
0x307: {  	v30 =	vadd.f32 $0.0e+00, v30  }
0x308: {  	v31 =	vmul.f32 v31, v3;
	v32 =	vmul.f32 v32, v11;
	v39 =	vadd.f32 v41, v39  }
0x309: {  	v28 =	vmul.f32 v28, v6  }
0x30a: {  	v30 =	vadd.f32 v32, v30;
	v34 =	vmul.f32 v34, v9;
	v31 =	vsub.f32 v39, v31;
	_ =	sdelay $0x1  }
0x30b: {  	v30 =	vadd.f32 v34, v30;
	v28 =	vadd.f32 v31, v28;
	v31 =	vmul.f32 v35, v8;
	_ =	sdelay $0x1  }
0x30c: {  	v58 =	vmul.f32 v36, v7;
	v30 =	vadd.f32 v31, v30;
	_ =	sdelay $0x1  }
0x30d: {  	v31 =	vmul.f32 v37, v5;
	v30 =	vadd.f32 v58, v30  }
0x30e: {  	v57 =	vmul.f32 $9.999999770e-03, v28  }
0x30f: {  	v61 =	vmul.f32 v38, v4;
	vm0 =	vge.f32 v28, $0.0e+00;
	v30 =	vadd.f32 v31, v30  }
0x310: {  	v28 =	vsel vm0, v28, v57  }
0x311: {  	s3 =	simm.s32 $0x6AC0;
	[tilespmem:s17+$0x30] =	vst v28;
	v31 =	vmul.f32 v28, v2;
	v30 =	vadd.f32 v61, v30  }
0x312: {  	s5 =	simm.s32 $0x52C0;
	v59 =	vld [tilespmem:s3+$0xFFFFFFC0]  }
0x313: {  	v60 =	vld [tilespmem:s5+$0xFFFFFFC0];
	v63 =	vadd.f32 v31, v30  }
0x314: {  	s2 =	simm.s32 $0x82C0  }
0x315: {  	s18 =	simm.s32 $0x1;
	v62 =	vld [tilespmem:s2+$0xFFFFFFC0];
	(xrf2) =	vadd.scan.msk.f32 $0xffff, v63  }
0x316: {  	v28 =	vmov s18  }
0x317: {  	v32 =	vperm.xlane v29, v28  }
0x318: {  	v34 =	vadd.f32 v59, v60  }
0x319: {  	vm0 =	veq.s32 v33, v1;
	v35 =	vmul.f32 v32, v24  }
0x31a: {  	s1 =	simm.s32 $0x2;
	v30 =	vimm.f32 $0.0e+00;
	v31 =	vperm.xlane v27, v28;
	v34 =	vadd.f32 v62, v34  }
.LBB2_14:
0x31b: {  	p0 =	sne.s32 s1, $0xF;
	s4 =	smov.u32 s1;
	s1 =	sadd.s32 $0x1, s1  }
0x31c: {  	v33 =	vsub.f32 v34, v35;
	v35 =	vmul.f32 v31, v25;
	_ =	sdelay $0x1  }
0x31d: {  	v33 =	vadd.f32 v33, v35  }
0x31e: {  	v34, _, _ =	vpop (xrf2)  }
0x31f: {  	v35 =	vmul.f32 $9.999999770e-03, v33;
	v34 =	vbroadcast v34, $0xF  }
0x320: {  	vm1 =	vge.f32 v33, $0.0e+00  }
0x321: {  	v33 =	vsel vm1, v33, v35;
	v30 =	vsel vm0, v34, v30  }
0x322: {  	[tilespmem:s2+$0xFFFFFFC0] =	vst v33;
	v33 =	vmul.f32 v33, v10  }
0x323: {  	v34 =	vld [tilespmem:s5+$0xFFFFFFD0]  }
0x324: {  	v35 =	vld [tilespmem:s3+$0xFFFFFFD0]  }
0x325: {  	v36 =	vld [tilespmem:s2+$0xFFFFFFD0];
	_ =	sdelay $0x3  }
0x326: {  	v34 =	vadd.f32 v35, v34  }
0x327: {  	v35 =	vmul.f32 v32, v22  }
0x328: {  	v34 =	vadd.f32 v36, v34  }
0x329: {  	v36 =	vmul.f32 v31, v23  }
0x32a: {  	v34 =	vsub.f32 v34, v35;
	_ =	sdelay $0x1  }
0x32b: {  	v34 =	vadd.f32 v34, v36;
	_ =	sdelay $0x1  }
0x32c: {  	vm0 =	vge.f32 v34, $0.0e+00;
	v35 =	vmul.f32 $9.999999770e-03, v34;
	_ =	sdelay $0x1  }
0x32d: {  	v34 =	vsel vm0, v34, v35  }
0x32e: {  	[tilespmem:s2+$0xFFFFFFD0] =	vst v34;
	v34 =	vmul.f32 v34, v11;
	v35 =	vld [tilespmem:s2+$0xFFFFFFE0]  }
0x32f: {  	v36 =	vld [tilespmem:s5+$0xFFFFFFE0]  }
0x330: {  	v37 =	vld [tilespmem:s3+$0xFFFFFFE0];
	_ =	sdelay $0x4  }
0x331: {  	v36 =	vadd.f32 v37, v36;
	v37 =	vmul.f32 v32, v20;
	_ =	sdelay $0x1  }
0x332: {  	v35 =	vadd.f32 v35, v36;
	v36 =	vmul.f32 v31, v21;
	_ =	sdelay $0x1  }
0x333: {  	v35 =	vsub.f32 v35, v37;
	_ =	sdelay $0x1  }
0x334: {  	v35 =	vadd.f32 v35, v36;
	_ =	sdelay $0x1  }
0x335: {  	vm0 =	vge.f32 v35, $0.0e+00;
	v36 =	vmul.f32 $9.999999770e-03, v35;
	_ =	sdelay $0x1  }
0x336: {  	v35 =	vsel vm0, v35, v36  }
0x337: {  	[tilespmem:s2+$0xFFFFFFE0] =	vst v35;
	v35 =	vmul.f32 v35, v9;
	v36 =	vld [tilespmem:s2+$0xFFFFFFF0]  }
0x338: {  	v37 =	vld [tilespmem:s5+$0xFFFFFFF0]  }
0x339: {  	v38 =	vld [tilespmem:s3+$0xFFFFFFF0];
	_ =	sdelay $0x3  }
0x33a: {  	v39 =	vmul.f32 v32, v18  }
0x33b: {  	v37 =	vadd.f32 v38, v37  }
0x33c: {  	v38 =	vmul.f32 v31, v19  }
0x33d: {  	v36 =	vadd.f32 v36, v37;
	_ =	sdelay $0x1  }
0x33e: {  	v36 =	vsub.f32 v36, v39;
	_ =	sdelay $0x1  }
0x33f: {  	v36 =	vadd.f32 v36, v38;
	_ =	sdelay $0x1  }
0x340: {  	vm0 =	vge.f32 v36, $0.0e+00;
	v37 =	vmul.f32 $9.999999770e-03, v36;
	_ =	sdelay $0x1  }
0x341: {  	v36 =	vsel vm0, v36, v37  }
0x342: {  	[tilespmem:s2+$0xFFFFFFF0] =	vst v36;
	v36 =	vmul.f32 v36, v8;
	v37 =	vld [tilespmem:s2+$0x0]  }
0x343: {  	v38 =	vld [tilespmem:s5+$0x0]  }
0x344: {  	v39 =	vld [tilespmem:s3+$0x0];
	_ =	sdelay $0x2  }
0x345: {  	v40 =	vmul.f32 v32, v16;
	_ =	sdelay $0x1  }
0x346: {  	v38 =	vadd.f32 v39, v38;
	v39 =	vmul.f32 v31, v17;
	_ =	sdelay $0x1  }
0x347: {  	v37 =	vadd.f32 v37, v38;
	_ =	sdelay $0x1  }
0x348: {  	v37 =	vsub.f32 v37, v40;
	_ =	sdelay $0x1  }
0x349: {  	v37 =	vadd.f32 v37, v39;
	_ =	sdelay $0x1  }
0x34a: {  	vm0 =	vge.f32 v37, $0.0e+00;
	v38 =	vmul.f32 $9.999999770e-03, v37;
	_ =	sdelay $0x1  }
0x34b: {  	v37 =	vsel vm0, v37, v38;
	v38 =	vld [tilespmem:s2+$0x10]  }
0x34c: {  	[tilespmem:s2+$0x0] =	vst v37;
	v37 =	vmul.f32 v37, v7  }
0x34d: {  	v39 =	vld [tilespmem:s5+$0x10]  }
0x34e: {  	v40 =	vld [tilespmem:s3+$0x10];
	_ =	sdelay $0x1  }
0x34f: {  	v41 =	vmul.f32 v32, v14;
	_ =	sdelay $0x1  }
0x350: {  	v42 =	vmul.f32 v31, v15  }
0x351: {  	v39 =	vadd.f32 v40, v39;
	_ =	sdelay $0x1  }
0x352: {  	v38 =	vadd.f32 v38, v39;
	_ =	sdelay $0x1  }
0x353: {  	v38 =	vsub.f32 v38, v41;
	_ =	sdelay $0x1  }
0x354: {  	v38 =	vadd.f32 v38, v42;
	_ =	sdelay $0x1  }
0x355: {  	vm0 =	vge.f32 v38, $0.0e+00;
	v39 =	vmul.f32 $9.999999770e-03, v38  }
0x356: {  	v40 =	vld [tilespmem:s2+$0x20]  }
0x357: {  	v38 =	vsel vm0, v38, v39  }
0x358: {  	[tilespmem:s2+$0x10] =	vst v38;
	v38 =	vmul.f32 v38, v5  }
0x359: {  	v39 =	vld [tilespmem:s5+$0x20]  }
0x35a: {  	v41 =	vld [tilespmem:s3+$0x20]  }
0x35b: {  	v42 =	vmul.f32 v32, v12;
	_ =	sdelay $0x1  }
0x35c: {  	v43 =	vmul.f32 v31, v13;
	_ =	sdelay $0x1  }
0x35d: {  	v39 =	vadd.f32 v41, v39;
	_ =	sdelay $0x1  }
0x35e: {  	v39 =	vadd.f32 v40, v39;
	_ =	sdelay $0x1  }
0x35f: {  	v39 =	vsub.f32 v39, v42;
	_ =	sdelay $0x1  }
0x360: {  	v39 =	vadd.f32 v39, v43;
	_ =	sdelay $0x1  }
0x361: {  	vm0 =	vge.f32 v39, $0.0e+00;
	v40 =	vmul.f32 $9.999999770e-03, v39;
	v41 =	vld [tilespmem:s2+$0x30];
	_ =	sdelay $0x1  }
0x362: {  	v33 =	vadd.f32 $0.0e+00, v33;
	v39 =	vsel vm0, v39, v40  }
0x363: {  	[tilespmem:s2+$0x20] =	vst v39;
	v39 =	vmul.f32 v39, v4  }
0x364: {  	v33 =	vadd.f32 v34, v33;
	v34 =	vld [tilespmem:s5+$0x30]  }
0x365: {  	v32 =	vmul.f32 v32, v3;
	v40 =	vld [tilespmem:s3+$0x30]  }
0x366: {  	v33 =	vadd.f32 v35, v33  }
0x367: {  	v31 =	vmul.f32 v31, v6  }
0x368: {  	v33 =	vadd.f32 v36, v33;
	_ =	sdelay $0x1  }
0x369: {  	v33 =	vadd.f32 v37, v33;
	v34 =	vadd.f32 v40, v34;
	_ =	sdelay $0x1  }
0x36a: {  	v33 =	vadd.f32 v38, v33;
	v34 =	vadd.f32 v41, v34;
	_ =	sdelay $0x1  }
0x36b: {  	v33 =	vadd.f32 v39, v33;
	v32 =	vsub.f32 v34, v32;
	_ =	sdelay $0x1  }
0x36c: {  	v31 =	vadd.f32 v32, v31;
	_ =	sdelay $0x1  }
0x36d: {  	vm0 =	vge.f32 v31, $0.0e+00;
	v32 =	vmul.f32 $9.999999770e-03, v31;
	_ =	sdelay $0x1  }
0x36e: {  	v31 =	vsel vm0, v31, v32  }
0x36f: {  	s3 =	sadd.s32 $0x80, s3;
	[tilespmem:s2+$0x30] =	vst v31;
	v31 =	vmul.f32 v31, v2  }
0x370: {  	s5 =	sadd.s32 $0x80, s5;
	v34 =	vld [tilespmem:s3+$0xFFFFFFC0]  }
0x371: {  	v35 =	vld [tilespmem:s5+$0xFFFFFFC0];
	v31 =	vadd.f32 v31, v33  }
0x372: {  	s2 =	sadd.s32 $0x80, s2  }
0x373: {  	v33 =	vld [tilespmem:s2+$0xFFFFFFC0];
	(xrf2) =	vadd.scan.msk.f32 $0xffff, v31  }
.Ltmp6:
0x374: {  	(pc) =	sbr.rel @p0 .LBB2_14-.Ltmp6, $3  }
0x375: {  	v36 =	vmov s4  }
0x376: {  	v32 =	vperm.xlane v29, v36;
	v31 =	vperm.xlane v27, v36;
	v34 =	vadd.f32 v34, v35;
	_ =	sdelay $0x1  }
0x377: {  	vm0 =	veq.s32 v28, v1;
	v28 =	vmovc v36;
	v35 =	vmul.f32 v32, v24;
	v34 =	vadd.f32 v33, v34  }
0x378: {  	_ = 	snop  }
0x379: {  	v25 =	vmul.f32 v31, v25;
	v24 =	vsub.f32 v34, v35;
	_ =	sdelay $0x1  }
0x37a: {  	v24 =	vadd.f32 v24, v25;
	_ =	sdelay $0x1  }
0x37b: {  	v25 =	vmul.f32 $9.999999770e-03, v24  }
0x37c: {  	vm1 =	vge.f32 v24, $0.0e+00  }
0x37d: {  	v24 =	vsel vm1, v24, v25  }
0x37e: {  	[tilespmem:s2+$0xFFFFFFC0] =	vst v24  }
0x37f: {  	v45 =	vld [tilespmem:s5+$0xFFFFFFD0]  }
0x380: {  	v29 =	vld [tilespmem:s3+$0xFFFFFFD0];
	_ =	sdelay $0x1  }
0x381: {  	v33 =	vld [tilespmem:s2+$0xFFFFFFD0];
	_ =	sdelay $0x2  }
0x382: {  	v25 =	vadd.f32 v29, v45;
	_ =	sdelay $0x1  }
0x383: {  	v22 =	vmul.f32 v32, v22;
	v25 =	vadd.f32 v33, v25;
	_ =	sdelay $0x1  }
0x384: {  	v23 =	vmul.f32 v31, v23;
	v22 =	vsub.f32 v25, v22;
	_ =	sdelay $0x1  }
0x385: {  	v22 =	vadd.f32 v22, v23;
	_ =	sdelay $0x1  }
0x386: {  	v23 =	vmul.f32 $9.999999770e-03, v22  }
0x387: {  	vm8 =	vge.f32 v22, $0.0e+00  }
0x388: {  	v22 =	vsel vm8, v22, v23  }
0x389: {  	[tilespmem:s2+$0xFFFFFFD0] =	vst v22  }
0x38a: {  	v46 =	vld [tilespmem:s5+$0xFFFFFFE0]  }
0x38b: {  	v47 =	vld [tilespmem:s3+$0xFFFFFFE0];
	_ =	sdelay $0x1  }
0x38c: {  	v48 =	vld [tilespmem:s2+$0xFFFFFFE0];
	_ =	sdelay $0x2  }
0x38d: {  	v23 =	vadd.f32 v47, v46;
	_ =	sdelay $0x1  }
0x38e: {  	v20 =	vmul.f32 v32, v20;
	v23 =	vadd.f32 v48, v23;
	_ =	sdelay $0x1  }
0x38f: {  	v21 =	vmul.f32 v31, v21;
	v20 =	vsub.f32 v23, v20;
	_ =	sdelay $0x1  }
0x390: {  	v20 =	vadd.f32 v20, v21;
	_ =	sdelay $0x1  }
0x391: {  	v21 =	vmul.f32 $9.999999770e-03, v20  }
0x392: {  	vm9 =	vge.f32 v20, $0.0e+00  }
0x393: {  	v20 =	vsel vm9, v20, v21  }
0x394: {  	[tilespmem:s2+$0xFFFFFFE0] =	vst v20  }
0x395: {  	v49 =	vld [tilespmem:s5+$0xFFFFFFF0]  }
0x396: {  	v50 =	vld [tilespmem:s3+$0xFFFFFFF0];
	_ =	sdelay $0x1  }
0x397: {  	v51 =	vld [tilespmem:s2+$0xFFFFFFF0];
	_ =	sdelay $0x2  }
0x398: {  	v21 =	vadd.f32 v50, v49;
	_ =	sdelay $0x1  }
0x399: {  	v18 =	vmul.f32 v32, v18;
	v21 =	vadd.f32 v51, v21;
	_ =	sdelay $0x1  }
0x39a: {  	v19 =	vmul.f32 v31, v19;
	v18 =	vsub.f32 v21, v18;
	_ =	sdelay $0x1  }
0x39b: {  	v18 =	vadd.f32 v18, v19;
	_ =	sdelay $0x1  }
0x39c: {  	v19 =	vmul.f32 $9.999999770e-03, v18  }
0x39d: {  	vm10 =	vge.f32 v18, $0.0e+00  }
0x39e: {  	v18 =	vsel vm10, v18, v19  }
0x39f: {  	[tilespmem:s2+$0xFFFFFFF0] =	vst v18  }
0x3a0: {  	v52 =	vld [tilespmem:s5+$0x0]  }
0x3a1: {  	v53 =	vld [tilespmem:s3+$0x0];
	_ =	sdelay $0x1  }
0x3a2: {  	v54 =	vld [tilespmem:s2+$0x0];
	_ =	sdelay $0x2  }
0x3a3: {  	v19 =	vadd.f32 v53, v52;
	_ =	sdelay $0x1  }
0x3a4: {  	v16 =	vmul.f32 v32, v16;
	v19 =	vadd.f32 v54, v19;
	_ =	sdelay $0x1  }
0x3a5: {  	v17 =	vmul.f32 v31, v17;
	v16 =	vsub.f32 v19, v16;
	_ =	sdelay $0x1  }
0x3a6: {  	v16 =	vadd.f32 v16, v17;
	_ =	sdelay $0x1  }
0x3a7: {  	v17 =	vmul.f32 $9.999999770e-03, v16  }
0x3a8: {  	vm11 =	vge.f32 v16, $0.0e+00  }
0x3a9: {  	v16 =	vsel vm11, v16, v17  }
0x3aa: {  	[tilespmem:s2+$0x0] =	vst v16  }
0x3ab: {  	v56 =	vld [tilespmem:s5+$0x10]  }
0x3ac: {  	v57 =	vld [tilespmem:s3+$0x10];
	_ =	sdelay $0x1  }
0x3ad: {  	v55 =	vld [tilespmem:s2+$0x10];
	_ =	sdelay $0x2  }
0x3ae: {  	v19 =	vadd.f32 v57, v56;
	_ =	sdelay $0x1  }
0x3af: {  	v14 =	vmul.f32 v32, v14;
	v17 =	vadd.f32 v55, v19;
	_ =	sdelay $0x1  }
0x3b0: {  	v15 =	vmul.f32 v31, v15;
	v14 =	vsub.f32 v17, v14;
	_ =	sdelay $0x1  }
0x3b1: {  	v14 =	vadd.f32 v14, v15;
	_ =	sdelay $0x1  }
0x3b2: {  	v15 =	vmul.f32 $9.999999770e-03, v14  }
0x3b3: {  	vm12 =	vge.f32 v14, $0.0e+00  }
0x3b4: {  	v14 =	vsel vm12, v14, v15  }
0x3b5: {  	[tilespmem:s2+$0x10] =	vst v14  }
0x3b6: {  	v59 =	vld [tilespmem:s5+$0x20]  }
0x3b7: {  	v60 =	vld [tilespmem:s3+$0x20];
	_ =	sdelay $0x1  }
0x3b8: {  	v58 =	vld [tilespmem:s2+$0x20];
	_ =	sdelay $0x2  }
0x3b9: {  	v15 =	vadd.f32 v60, v59;
	_ =	sdelay $0x1  }
0x3ba: {  	v12 =	vmul.f32 v32, v12;
	v15 =	vadd.f32 v58, v15;
	_ =	sdelay $0x1  }
0x3bb: {  	v13 =	vmul.f32 v31, v13;
	v12 =	vsub.f32 v15, v12;
	_ =	sdelay $0x1  }
0x3bc: {  	v12 =	vadd.f32 v12, v13;
	_ =	sdelay $0x1  }
0x3bd: {  	v13 =	vmul.f32 $9.999999770e-03, v12  }
0x3be: {  	vm13 =	vge.f32 v12, $0.0e+00  }
0x3bf: {  	v12 =	vsel vm13, v12, v13  }
0x3c0: {  	[tilespmem:s2+$0x20] =	vst v12  }
0x3c1: {  	v62 =	vld [tilespmem:s5+$0x30]  }
0x3c2: {  	v63 =	vld [tilespmem:s3+$0x30]  }
0x3c3: {  	v10 =	vmul.f32 v24, v10  }
0x3c4: {  	v61 =	vld [tilespmem:s2+$0x30]  }
0x3c5: {  	v10 =	vadd.f32 $0.0e+00, v10;
	v11 =	vmul.f32 v22, v11;
	_ =	sdelay $0x1  }
0x3c6: {  	v10 =	vadd.f32 v11, v10;
	v9 =	vmul.f32 v20, v9;
	v13 =	vadd.f32 v63, v62  }
0x3c7: {  	v11 =	vmul.f32 v27, v27  }
0x3c8: {  	v3 =	vmul.f32 v32, v3;
	v9 =	vadd.f32 v9, v10;
	v13 =	vadd.f32 v61, v13  }
0x3c9: {  	v10 =	vshra.s32 v11, $0x1;
	v11 =	vmul.f32 $5.000000000e-01, v11;
	v8 =	vmul.f32 v18, v8  }
0x3ca: {  	v6 =	vmul.f32 v31, v6;
	v10 =	vsub.s32 $0x5F3759DF, v10;
	v3 =	vsub.f32 v13, v3  }
0x3cb: {  	v8 =	vadd.f32 v8, v9;
	v9 =	vmul.f32 v10, v11;
	v7 =	vmul.f32 v16, v7  }
0x3cc: {  	v3 =	vadd.f32 v3, v6  }
0x3cd: {  	v5 =	vmul.f32 v14, v5;
	v6 =	vadd.f32 v7, v8;
	v7 =	vmul.f32 v10, v9  }
0x3ce: {  	v4 =	vmul.f32 v12, v4;
	v8 =	vmul.f32 $9.999999770e-03, v3  }
0x3cf: {  	v5 =	vadd.f32 v5, v6;
	vm14 =	vge.f32 v3, $0.0e+00;
	v6 =	vsub.f32 $1.500000000e+00, v7  }
0x3d0: {  	v3 =	vsel vm14, v3, v8  }
0x3d1: {  	v4 =	vadd.f32 v4, v5;
	v5 =	vmul.f32 v10, v6;
	v2 =	vmul.f32 v3, v2;
	_ =	sdelay $0x1  }
0x3d2: {  	v2 =	vadd.f32 v2, v4;
	v4 =	vmul.f32 v5, v11;
	_ =	sdelay $0x1  }
0x3d3: {  	(xrf2) =	vadd.scan.msk.f32 $0xffff, v2;
	v2 =	vmul.f32 v4, v5;
	_ =	sdelay $0x1  }
0x3d4: {  	v2 =	vsub.f32 $1.500000000e+00, v2;
	_ =	sdelay $0x1  }
0x3d5: {  	v2 =	vmul.f32 v2, v5;
	_ =	sdelay $0x1  }
0x3d6: {  	v4 =	vmul.f32 v2, v11;
	_ =	sdelay $0x1  }
0x3d7: {  	v4 =	vmul.f32 v4, v2  }
0x3d8: {  	v5, _, _ =	vpop (xrf2)  }
0x3d9: {  	v5 =	vbroadcast v5, $0xF;
	v6, _, _ =	vpop (xrf2);
	v4 =	vsub.f32 $1.500000000e+00, v4  }
0x3da: {  	v6 =	vbroadcast v6, $0xF  }
0x3db: {  	vm15 =	veq.s32 v28, v1;
	v5 =	vsel vm0, v5, v30;
	v2 =	vmul.f32 v4, v2  }
0x3dc: {  	v4 =	vsel vm15, v6, v5  }
0x3dd: {  	v4 =	vmul.f32 v4, v2;
	_ =	sdelay $0x1  }
0x3de: {  	v4 =	vmul.f32 $1.442695020e+00, v4;
	_ =	sdelay $0x1  }
0x3df: {  	(erf) = vpow2.f32 v4;
	_ =	sdelay $0x8  }
0x3e0: {  	[tilespmem:s2+$0x30] =	vst v3;
	v3 =	vpop (erf)  }
0x3e1: {  	s1 =	simm.s32 $0x8240;
	[tilespmem:v26+s0+$0x0] =	vst.idx.add.f32.msk $0xffff, v3  }
0x3e2: {  	v7 =	vld [tilespmem:s1+$0xFFFFFFC0]  }
0x3e3: {  	s18 =	simm.s32 $0x0;
	v3 =	vmul.f32 v3, v2;
	v9 =	vld [tilespmem:s1+$0xFFFFFFD0]  }
0x3e4: {  	v2 =	vmov s18;
	v8 =	vld [tilespmem:s1+$0xFFFFFFE0]  }
0x3e5: {  	v5 =	vld [tilespmem:s1+$0x0];
	v2 =	vperm.xlane v3, v2  }
0x3e6: {  	v6 =	vld [tilespmem:s1+$0x10]  }
0x3e7: {  	v4 =	vld [tilespmem:s1+$0x20];
	v10 =	vmul.f32 v7, v2  }
0x3e8: {  	s7 =	rddreg [dreg:$0x9];
	s3 =	simm.s32 $0x8240;
	s2 =	simm.s32 $0x1;
	v9 =	vmul.f32 v9, v2;
	v7 =	vld [tilespmem:s1+$0x30]  }
.LBB2_16:
0x3e9: {  	p0 =	sne.s32 s2, $0xF;
	[tilespmem:s1+$0xFFFFFFC0] =	vst v10;
	v8 =	vmul.f32 v8, v2;
	v10 =	vld [tilespmem:s1+$0xFFFFFFF0];
	s3 =	sadd.s32 $0x80, s3  }
0x3ea: {  	v11 =	vld [tilespmem:s3+$0xFFFFFFC0];
	[tilespmem:s1+$0xFFFFFFD0] =	vst v9;
	v5 =	vmul.f32 v5, v2  }
0x3eb: {  	v9 =	vld [tilespmem:s3+$0xFFFFFFD0];
	[tilespmem:s1+$0xFFFFFFE0] =	vst v8;
	v6 =	vmul.f32 v6, v2  }
.Ltmp7:
0x3ec: {  	v12 =	vmov s2;
	v8 =	vld [tilespmem:s3+$0xFFFFFFE0];
	[tilespmem:s1+$0x0] =	vst v5;
	v4 =	vmul.f32 v4, v2;
	(pc) =	sbr.rel @p0 .LBB2_16-.Ltmp7, $4  }
0x3ed: {  	v12 =	vperm.xlane v3, v12;
	v5 =	vld [tilespmem:s3+$0x0];
	[tilespmem:s1+$0x10] =	vst v6;
	v7 =	vmul.f32 v7, v2  }
0x3ee: {  	v6 =	vld [tilespmem:s3+$0x10];
	v13 =	vmul.f32 v10, v2;
	[tilespmem:s1+$0x20] =	vst v4  }
0x3ef: {  	v2 =	vmov v12;
	v10 =	vmul.f32 v11, v12;
	v4 =	vld [tilespmem:s3+$0x20];
	[tilespmem:s1+$0x30] =	vst v7  }
0x3f0: {  	s2 =	sadd.s32 $0x1, s2;
	v9 =	vmul.f32 v9, v2;
	v7 =	vld [tilespmem:s3+$0x30];
	[tilespmem:s1+$0xFFFFFFF0] =	vst v13;
	s1 =	smov.u32 s3  }
0x3f1: {  	[tilespmem:s1+$0xFFFFFFC0] =	vst v10;
	v3 =	vmul.f32 v8, v2;
	v63 =	vld [tilespmem:s1+$0xFFFFFFF0]  }
0x3f2: {  	[tilespmem:s1+$0xFFFFFFD0] =	vst v9;
	v5 =	vmul.f32 v5, v2  }
0x3f3: {  	[tilespmem:s1+$0xFFFFFFE0] =	vst v3;
	v3 =	vmul.f32 v6, v2  }
0x3f4: {  	[tilespmem:s1+$0x0] =	vst v5;
	v4 =	vmul.f32 v4, v2  }
0x3f5: {  	[tilespmem:s1+$0x10] =	vst v3;
	v3 =	vmul.f32 v7, v2  }
0x3f6: {  	v2 =	vmul.f32 v63, v2;
	[tilespmem:s1+$0x20] =	vst v4  }
0x3f7: {  	[tilespmem:s1+$0x30] =	vst v3  }
0x3f8: {  	s4 =	rddreg [dreg:$0x4];
	[tilespmem:s1+$0xFFFFFFF0] =	vst v2  }
0x3f9: {  	[spmem:s4] =	stream.indirect.scatter.add.f32 [tilespmem:s21], [sflag:$0x3], $0x80, s8, s9, $0xb8;
	[tilespmem:$0x1FF00] =	vst v63  }
0x3fa: {  	_ =	swait.ge [sflag:s19], $0x800  }
0x3fb: {  	[sflag:s19] =	ssyncset.done $0x0  }
0x3fc: {  	s5 =	stileid.u32;
	[sflag:s19] =	ssyncadd.s32 $0xFFFFF800  }
0x3fd: {  	s1 =	sshll.u32 s5, $0x6;
	[bflag:$0x0] =	sbarrier.arrive $0xFFFF  }
0x3fe: {  	s2 =	sshrl.u32 s7, $0x3;
	s1 =	sor.u32 $0x1C03, s1;
	s3 =	rddreg [dreg:$0xf]  }
0x3ff: {  	[hbm:s3], [sflag:s1] =	dma.local [spmem:s2], $0x2780  }
0x400: {  	_ =	swait.ge [sflag:s19], $0x2780  }
0x401: {  	s15 =	simm.s32 $0x400;
	[sflag:s19] =	ssyncset.done $0x0  }
0x402: {  	s9 =	simm.s32 $0x80;
	s8 =	rddreg [dreg:$0x10];
	[sflag:s19] =	ssyncadd.s32 $0xFFFFD880  }
0x403: {  	[hbm4b:s8+s9] =	stream.strided.scatter [tilespmem:s0], [sflag:$0x3], $0x2780, s15, s9, $0x38;
	[tilespmem:$0x1FF00] =	vst v63  }
0x404: {  	_ =	swait.ge [sflag:s19], $0x2780  }
0x405: {  	s17 =	rddreg [dreg:$0x1f]  }
0x406: {  	s18 =	rddreg [dreg:$0x11];
	s2 =	sadd.s32 $0x1, s17  }
0x407: {  	p0 =	sne.s32 s2, s18  }
.Ltmp8:
0x408: {  	_ = 	snop;
	(pc) =	sbr.rel @p0 .LBB2_1-.Ltmp8, $3  }
0x409: {  	_ =	sdelay $0x1  }
0x40a: {  	[sflag:s19] =	ssyncset.done $0x0  }
0x40b: {  	[sflag:s19] =	ssyncadd.s32 $0xFFFFD880  }
0x40c: {  	_ =	sfence.sel $0x180000  }
0x40d: {  	[bflag:$0x0] =	sbarrier.arrive $0xFFFF  }
0x40e: {  	_ =	strace $0x90000047  }
0x40f: {  	s0 =	stileid.u32;
	[bflag:$0x2] =	sbarrier.arrive $0xFFFF  }
0x410: {  	p0 =	sne.s32 s0, $0x0;
	s0 =	rddreg [dreg:$0x5]  }
0x411: {  	s0 =	sadd.s32 @!p0 $0x100000, s0  }
0x412: {  	[sflag:s0] =	ssyncadd.tile.s32 @!p0 $0x1;
	_ =	shalt  }
.Lfunc_end2:
_tile_overlayer_lowered:
.L_overlay_start_2:
0x413: {  	(tag) =	ssettag $0x2  }
0x414: {  	s0 =	rddreg [dreg:$0x0];
	s2 =	stileid.u32  }
0x415: {  	s1 =	rddreg [dreg:$0x1];
	p0 =	sne.s32 s2, $0x0  }
0x416: {  	s3 =	rddreg [dreg:$0x2];
	[bflag:$0x3] =	sbarrier.arrive $0xFFFF;
	s2 =	simm.s32 @!p0 $0x1C03  }
0x417: {  	[timem:s3], [sflag:s2] =	dma.local @!p0 [hbm:s0], s1  }
0x418: {  	s0 =	simm.s32 @!p0 $0x3  }
0x419: {  	_ =	swait.ge @!p0 [sflag:s0], s1  }
0x41a: {  	s1 =	ssub.s32 @!p0 $0x0, s1;
	[sflag:s0] =	ssyncset.done @!p0 $0x0  }
0x41b: {  	[sflag:s0] =	ssyncadd.s32 @!p0 s1  }
0x41c: {  	[bflag:$0x3] =	sbarrier.arrive $0xFFFF  }
0x41d: {  	_ =	shalt  }

</sc_bundles>
